<compile_context>
chip_gen: v7x
topology: tpu7x:2x2x1
jax: 0.10.2.dev20260603
libtpu: 0.0.44.dev20260713+nightly
codegen_flags: <defaults>
</compile_context>

<pallas_src>
import functools

import jax
import jax.numpy as jnp
from jax import lax
from jax.experimental import pallas as pl
from jax.experimental.pallas import tpu as pltpu
from jax.experimental.pallas import tpu_sc as plsc

_IDX_CHUNK = 128
_L = 16


def _sc_gather_planar(cam_id, rt, B):
    info = plsc.get_sparse_core_info()
    NW = info.num_cores * info.num_subcores
    bpw = B // NW
    n_chunks = bpw // _IDX_CHUNK

    mesh = plsc.VectorSubcoreMesh(core_axis_name="c", subcore_axis_name="s")

    @functools.partial(
        pl.kernel,
        mesh=mesh,
        out_type=jax.ShapeDtypeStruct((8, B), jnp.float32),
        scratch_types=[
            pltpu.VMEM((bpw,), jnp.int32),
            pltpu.VMEM((bpw, 8), jnp.float32),
            pltpu.VMEM((6, bpw), jnp.float32),
            pltpu.SemaphoreType.DMA,
        ],
        compiler_params=pltpu.CompilerParams(
            use_tc_tiling_on_sc=False, needs_layout_passes=False
        ),
    )
    def k(cam_hbm, rt_hbm, g_hbm, idx_v, rows_v, gp_v, sem):
        wid = lax.axis_index("s") * info.num_cores + lax.axis_index("c")
        base = wid * bpw
        pltpu.sync_copy(cam_hbm.at[pl.ds(base, bpw)], idx_v)
        copies = []
        for j in range(n_chunks):
            sl = pl.ds(j * _IDX_CHUNK, _IDX_CHUNK)
            copies.append(
                pltpu.async_copy(rt_hbm.at[idx_v.at[sl]], rows_v.at[sl], sem)
            )
        for c in copies:
            c.wait()
        lane = lax.iota(jnp.int32, _L)
        for comp in range(6):
            col = jnp.full((_L,), comp, jnp.int32)
            for grp in range(bpw // _L):
                row = lane + grp * _L
                gp_v[comp, pl.ds(grp * _L, _L)] = plsc.load_gather(
                    rows_v, [row, col]
                )
        for comp in range(6):
            pltpu.sync_copy(gp_v.at[comp], g_hbm.at[comp, pl.ds(base, bpw)])

    return k(cam_id, rt)


def _pose_body(g_ref, b_ref, o_ref):
    g = g_ref[...]
    rx = g[0:1, :]
    ry = g[1:2, :]
    rz = g[2:3, :]
    tx = g[3:4, :]
    ty = g[4:5, :]
    tz = g[5:6, :]

    sq = rx * rx + ry * ry + rz * rz
    ang = jnp.sqrt(sq + 1e-12)
    inv = 1.0 / ang
    x = rx * inv
    y = ry * inv
    z = rz * inv
    s = jnp.sin(ang)
    c = jnp.cos(ang)
    C = 1.0 - c

    r00 = c + x * x * C
    r01 = x * y * C - z * s
    r02 = x * z * C + y * s
    r10 = y * x * C + z * s
    r11 = c + y * y * C
    r12 = y * z * C - x * s
    r20 = z * x * C - y * s
    r21 = z * y * C + x * s
    r22 = c + z * z * C

    b00 = b_ref[0, 0]
    b01 = b_ref[0, 1]
    b02 = b_ref[0, 2]
    b03 = b_ref[0, 3]
    b10 = b_ref[1, 0]
    b11 = b_ref[1, 1]
    b12 = b_ref[1, 2]
    b13 = b_ref[1, 3]
    b20 = b_ref[2, 0]
    b21 = b_ref[2, 1]
    b22 = b_ref[2, 2]
    b23 = b_ref[2, 3]

    o00 = r00 * b00 + r01 * b10 + r02 * b20
    o01 = r00 * b01 + r01 * b11 + r02 * b21
    o02 = r00 * b02 + r01 * b12 + r02 * b22
    o03 = r00 * b03 + r01 * b13 + r02 * b23 + tx
    o10 = r10 * b00 + r11 * b10 + r12 * b20
    o11 = r10 * b01 + r11 * b11 + r12 * b21
    o12 = r10 * b02 + r11 * b12 + r12 * b22
    o13 = r10 * b03 + r11 * b13 + r12 * b23 + ty
    o20 = r20 * b00 + r21 * b10 + r22 * b20
    o21 = r20 * b01 + r21 * b11 + r22 * b21
    o22 = r20 * b02 + r21 * b12 + r22 * b22
    o23 = r20 * b03 + r21 * b13 + r22 * b23 + tz

    zero = jnp.zeros_like(tx)
    one = jnp.ones_like(tx)
    E = jnp.concatenate(
        [o00, o01, o02, o03, o10, o11, o12, o13,
         o20, o21, o22, o23, zero, zero, zero, one],
        axis=0,
    )
    o_ref[...] = E.T


def _tc_pose(g, base_top, B):
    BLK = 4096
    out = pl.pallas_call(
        _pose_body,
        grid=(B // BLK,),
        in_specs=[
            pl.BlockSpec((8, BLK), lambda i: (0, i)),
            pl.BlockSpec(memory_space=pltpu.SMEM),
        ],
        out_specs=pl.BlockSpec((BLK, 16), lambda i: (i, 0)),
        out_shape=jax.ShapeDtypeStruct((B, 16), jnp.float32),
    )(g, base_top)
    return out.reshape(B, 4, 4)


def _base_top(base_r, base_s, base_t):
    aa = base_r[0]
    sq = jnp.sum(aa * aa)
    ang = jnp.sqrt(sq + 1e-12)
    x, y, z = aa[0] / ang, aa[1] / ang, aa[2] / ang
    s = jnp.sin(ang)
    c = jnp.cos(ang)
    C = 1.0 - c
    R = jnp.stack(
        [
            jnp.stack([c + x * x * C, x * y * C - z * s, x * z * C + y * s]),
            jnp.stack([y * x * C + z * s, c + y * y * C, y * z * C - x * s]),
            jnp.stack([z * x * C - y * s, z * y * C + x * s, c + z * z * C]),
        ]
    )
    Rs = R * base_s[0, 0]
    return jnp.concatenate([Rs, base_t[0][:, None]], axis=1)


def kernel(cam_id, r, t, base_r, base_s, base_t):
    B = cam_id.shape[0]
    rt = jnp.concatenate(
        [r, t, jnp.zeros((r.shape[0], 2), jnp.float32)], axis=1
    )
    g = _sc_gather_planar(cam_id, rt, B)
    base_top = _base_top(base_r, base_s, base_t)
    return _tc_pose(g, base_top, B)

# --- scband reference (transcript-rebuilt; emitter-appended) ---
"""Pipeline reference for scband-rel-pose-net-38087769981573 (READ-ONLY COPY).

The authoritative reference and input builder live on the scoring server;
editing this copy changes nothing except your own understanding.
"""

import jax, jax.numpy as jnp
import numpy as np


def axis_angle_to_matrix(aa):
    # aa: (..., 3) -> (..., 3, 3), Rodrigues formula with safe norm
    sq = jnp.sum(aa * aa, axis=-1, keepdims=True)
    angle = jnp.sqrt(sq + 1e-12)
    axis = aa / angle
    x = axis[..., 0]
    y = axis[..., 1]
    z = axis[..., 2]
    a = angle[..., 0]
    s = jnp.sin(a)
    c = jnp.cos(a)
    C = 1.0 - c
    r00 = c + x * x * C
    r01 = x * y * C - z * s
    r02 = x * z * C + y * s
    r10 = y * x * C + z * s
    r11 = c + y * y * C
    r12 = y * z * C - x * s
    r20 = z * x * C - y * s
    r21 = z * y * C + x * s
    r22 = c + z * z * C
    row0 = jnp.stack([r00, r01, r02], axis=-1)
    row1 = jnp.stack([r10, r11, r12], axis=-1)
    row2 = jnp.stack([r20, r21, r22], axis=-1)
    return jnp.stack([row0, row1, row2], axis=-2)


def rt_to_homo(R, t, s=None):
    # R: (..., 3, 3), t: (..., 3), s: (..., 3) or None -> (..., 4, 4)
    batch = R.shape[:-2]
    top = jnp.concatenate([R, t[..., None]], axis=-1)  # (..., 3, 4)
    bottom = jnp.broadcast_to(jnp.array([0.0, 0.0, 0.0, 1.0], dtype=R.dtype), batch + (1, 4))
    mat = jnp.concatenate([top, bottom], axis=-2)  # (..., 4, 4)
    if s is not None:
        s4 = jnp.concatenate([s, jnp.ones(batch + (1,), dtype=R.dtype)], axis=-1)  # (..., 4)
        S = jnp.zeros(batch + (4, 4), dtype=R.dtype)
        idx = jnp.arange(4)
        S = S.at[..., idx, idx].set(s4)
        mat = mat @ S
    return mat


def setup_inputs(seed: int = 0) -> dict:
    key = jax.random.key(seed)
    k1, k2, k3, k4 = jax.random.split(key, 4)
    num_frames = 100000
    B = 16384
    cam_id = jax.random.randint(k1, (B,), 0, num_frames, dtype=jnp.int32)
    # learned per-frame corrections (params r, t) -- small perturbations
    r = jax.random.normal(k2, (num_frames, 3), dtype=jnp.float32) * 0.01
    t = jax.random.normal(k3, (num_frames, 3), dtype=jnp.float32) * 0.01
    # base pose params from init_pose = eye(4): axis-angle ~ 0, s = 1, t = 0
    # small noise on base_r keeps gradients well-defined
    base_r = jax.random.normal(k4, (1, 3), dtype=jnp.float32) * 0.01
    base_s = jnp.ones((1, 1), dtype=jnp.float32)
    base_t = jnp.zeros((1, 3), dtype=jnp.float32)
    return {"cam_id": cam_id, "r": r, "t": t, "base_r": base_r, "base_s": base_s, "base_t": base_t}


def reference(cam_id, r, t, base_r, base_s, base_t):
    # torch.gather(self.r, 0, stack(3*[cam_id], -1)) == r[cam_id] for 1D cam_id
    r_g = jnp.take(r, cam_id, axis=0)  # (B, 3)
    t_g = jnp.take(t, cam_id, axis=0)  # (B, 3)
    # frameTbase = axis_angle_t_to_matrix(r, t)
    R_f = axis_angle_to_matrix(r_g)
    frameTbase = rt_to_homo(R_f, t_g, None)  # (B, 4, 4)
    # base = rt_to_homo(axis_angle_to_matrix(base_r), base_t, base_s.repeat(1, 3))
    base_R = axis_angle_to_matrix(base_r)  # (1, 3, 3)
    base = rt_to_homo(base_R, base_t, jnp.repeat(base_s, 3, axis=-1))  # (1, 4, 4)
    N = r_g.shape[0]
    base = jnp.broadcast_to(base, (N, 4, 4))
    frame_pose = frameTbase @ base
    return frame_pose

if __name__ == "__main__":
    import jax
    _d = setup_inputs()
    print(jax.jit(kernel)(*tuple(_d.values())))

</pallas_src>

<mosaic_0001>
#map = affine_map<(d0, d1) -> (0)>
#map1 = affine_map<(d0, d1) -> (0, 0)>
module attributes {stable_mosaic.version = 14 : i64} {
  func.func @k(%arg0: i32, %arg1: i32, %arg2: memref<16384xi32, #tpu.memory_space<hbm>>, %arg3: memref<100000x8xf32, #tpu.memory_space<hbm>>, %arg4: memref<8x16384xf32, #tpu.memory_space<hbm>>, %arg5: memref<512xi32, #tpu.memory_space<vmem>>, %arg6: memref<512x8xf32, #tpu.memory_space<vmem>>, %arg7: memref<6x512xf32, #tpu.memory_space<vmem>>, %arg8: memref<!tpu.dma_semaphore, #tpu.memory_space<semaphore_mem>>) attributes {dimension_semantics = [#tpu.dimension_semantics<core_parallel>, #tpu.dimension_semantics<subcore_parallel>], iteration_bounds = array<i64: 2, 16>, scalar_prefetch = 0 : i64, scratch_operands = 4 : i64, tpu.core_type = #tpu.core_type<sc_vector_subcore>, window_params = [{transform_indices = #map}, {transform_indices = #map1}, {transform_indices = #map1}]} {
    %mul3A = arith.constant 2 : i32
    %mul3A_0 = arith.muli %arg1, %mul3A : i32
    %add3A = arith.addi %mul3A_0, %arg0 : i32
    %mul3A_1 = arith.constant 512 : i32
    %mul3A_2 = arith.muli %add3A, %mul3A_1 : i32
    "tpu.region"() ({
      %run_scoped3A_1621 = tpu.sem_alloc : memref<!tpu.dma_semaphore, #tpu.memory_space<semaphore_mem>>
      %dma_start3A_1622 = tpu.memref_slice %arg2[%mul3A_2] : memref<16384xi32, #tpu.memory_space<hbm>> -> memref<512xi32, #tpu.memory_space<hbm>>
      %dma_start3A_1623 = tpu.memref_slice %arg2[%mul3A_2] : memref<16384xi32, #tpu.memory_space<hbm>> -> memref<512xi32, #tpu.memory_space<hbm>>
      tpu.enqueue_dma source(%dma_start3A_1623 : memref<512xi32, #tpu.memory_space<hbm>>) target(%arg5 : memref<512xi32, #tpu.memory_space<vmem>>) target_semaphore(%run_scoped3A_1621 : memref<!tpu.dma_semaphore, #tpu.memory_space<semaphore_mem>>)
      %dma_wait3A_1624 = tpu.memref_slice %arg2[%mul3A_2] : memref<16384xi32, #tpu.memory_space<hbm>> -> memref<512xi32, #tpu.memory_space<hbm>>
      %dma_wait3A_1625 = tpu.memref_slice %arg2[%mul3A_2] : memref<16384xi32, #tpu.memory_space<hbm>> -> memref<512xi32, #tpu.memory_space<hbm>>
      tpu.wait_dma2 semaphore(%run_scoped3A_1621 : memref<!tpu.dma_semaphore, #tpu.memory_space<semaphore_mem>>) src(%dma_wait3A_1625 : memref<512xi32, #tpu.memory_space<hbm>>) dst(%arg5 : memref<512xi32, #tpu.memory_space<vmem>>)
      tpu.yield
    }) : () -> ()
    %dma_start3A = arith.constant 0 : i32
    %dma_start3A_3 = arith.constant 0 : i32
    %dma_start3A_4 = tpu.memref_slice %arg6[%dma_start3A, %dma_start3A_3] : memref<512x8xf32, #tpu.memory_space<vmem>> -> memref<128x8xf32, #tpu.memory_space<vmem>>
    %dma_start3A_5 = arith.constant 0 : i32
    %dma_start3A_6 = tpu.memref_slice %arg5[%dma_start3A_5] : memref<512xi32, #tpu.memory_space<vmem>> -> memref<128xi32, #tpu.memory_space<vmem>>
    %dma_start3A_7 = arith.constant 0 : i32
    %dma_start3A_8 = arith.constant 0 : i32
    %dma_start3A_9 = tpu.memref_slice %arg3[%dma_start3A_7, %dma_start3A_8] : memref<100000x8xf32, #tpu.memory_space<hbm>> -> memref<100000x8xf32, #tpu.memory_space<hbm>>
    tpu.enqueue_indirect_dma source(%dma_start3A_9 : memref<100000x8xf32, #tpu.memory_space<hbm>>) target(%dma_start3A_4 : memref<128x8xf32, #tpu.memory_space<vmem>>) offsets(%dma_start3A_6 : memref<128xi32, #tpu.memory_space<vmem>>) semaphore(%arg8 : memref<!tpu.dma_semaphore, #tpu.memory_space<semaphore_mem>>)
    %dma_start3A_10 = arith.constant 128 : i32
    %dma_start3A_11 = arith.constant 0 : i32
    %dma_start3A_12 = tpu.memref_slice %arg6[%dma_start3A_10, %dma_start3A_11] : memref<512x8xf32, #tpu.memory_space<vmem>> -> memref<128x8xf32, #tpu.memory_space<vmem>>
    %dma_start3A_13 = arith.constant 128 : i32
    %dma_start3A_14 = tpu.memref_slice %arg5[%dma_start3A_13] : memref<512xi32, #tpu.memory_space<vmem>> -> memref<128xi32, #tpu.memory_space<vmem>>
    %dma_start3A_15 = arith.constant 0 : i32
    %dma_start3A_16 = arith.constant 0 : i32
    %dma_start3A_17 = tpu.memref_slice %arg3[%dma_start3A_15, %dma_start3A_16] : memref<100000x8xf32, #tpu.memory_space<hbm>> -> memref<100000x8xf32, #tpu.memory_space<hbm>>
    tpu.enqueue_indirect_dma source(%dma_start3A_17 : memref<100000x8xf32, #tpu.memory_space<hbm>>) target(%dma_start3A_12 : memref<128x8xf32, #tpu.memory_space<vmem>>) offsets(%dma_start3A_14 : memref<128xi32, #tpu.memory_space<vmem>>) semaphore(%arg8 : memref<!tpu.dma_semaphore, #tpu.memory_space<semaphore_mem>>)
    %dma_start3A_18 = arith.constant 256 : i32
    %dma_start3A_19 = arith.constant 0 : i32
    %dma_start3A_20 = tpu.memref_slice %arg6[%dma_start3A_18, %dma_start3A_19] : memref<512x8xf32, #tpu.memory_space<vmem>> -> memref<128x8xf32, #tpu.memory_space<vmem>>
    %dma_start3A_21 = arith.constant 256 : i32
    %dma_start3A_22 = tpu.memref_slice %arg5[%dma_start3A_21] : memref<512xi32, #tpu.memory_space<vmem>> -> memref<128xi32, #tpu.memory_space<vmem>>
    %dma_start3A_23 = arith.constant 0 : i32
    %dma_start3A_24 = arith.constant 0 : i32
    %dma_start3A_25 = tpu.memref_slice %arg3[%dma_start3A_23, %dma_start3A_24] : memref<100000x8xf32, #tpu.memory_space<hbm>> -> memref<100000x8xf32, #tpu.memory_space<hbm>>
    tpu.enqueue_indirect_dma source(%dma_start3A_25 : memref<100000x8xf32, #tpu.memory_space<hbm>>) target(%dma_start3A_20 : memref<128x8xf32, #tpu.memory_space<vmem>>) offsets(%dma_start3A_22 : memref<128xi32, #tpu.memory_space<vmem>>) semaphore(%arg8 : memref<!tpu.dma_semaphore, #tpu.memory_space<semaphore_mem>>)
    %dma_start3A_26 = arith.constant 384 : i32
    %dma_start3A_27 = arith.constant 0 : i32
    %dma_start3A_28 = tpu.memref_slice %arg6[%dma_start3A_26, %dma_start3A_27] : memref<512x8xf32, #tpu.memory_space<vmem>> -> memref<128x8xf32, #tpu.memory_space<vmem>>
    %dma_start3A_29 = arith.constant 384 : i32
    %dma_start3A_30 = tpu.memref_slice %arg5[%dma_start3A_29] : memref<512xi32, #tpu.memory_space<vmem>> -> memref<128xi32, #tpu.memory_space<vmem>>
    %dma_start3A_31 = arith.constant 0 : i32
    %dma_start3A_32 = arith.constant 0 : i32
    %dma_start3A_33 = tpu.memref_slice %arg3[%dma_start3A_31, %dma_start3A_32] : memref<100000x8xf32, #tpu.memory_space<hbm>> -> memref<100000x8xf32, #tpu.memory_space<hbm>>
    tpu.enqueue_indirect_dma source(%dma_start3A_33 : memref<100000x8xf32, #tpu.memory_space<hbm>>) target(%dma_start3A_28 : memref<128x8xf32, #tpu.memory_space<vmem>>) offsets(%dma_start3A_30 : memref<128xi32, #tpu.memory_space<vmem>>) semaphore(%arg8 : memref<!tpu.dma_semaphore, #tpu.memory_space<semaphore_mem>>)
    %dma_wait3A = arith.constant 0 : i32
    %dma_wait3A_34 = arith.constant 0 : i32
    %dma_wait3A_35 = tpu.memref_slice %arg6[%dma_wait3A, %dma_wait3A_34] : memref<512x8xf32, #tpu.memory_space<vmem>> -> memref<128x8xf32, #tpu.memory_space<vmem>>
    %dma_wait3A_36 = arith.constant 0 : i32
    %dma_wait3A_37 = tpu.memref_slice %arg5[%dma_wait3A_36] : memref<512xi32, #tpu.memory_space<vmem>> -> memref<128xi32, #tpu.memory_space<vmem>>
    %dma_wait3A_38 = arith.constant 0 : i32
    %dma_wait3A_39 = arith.constant 0 : i32
    %dma_wait3A_40 = tpu.memref_slice %arg3[%dma_wait3A_38, %dma_wait3A_39] : memref<100000x8xf32, #tpu.memory_space<hbm>> -> memref<100000x8xf32, #tpu.memory_space<hbm>>
    tpu.wait_indirect_dma semaphore(%arg8 : memref<!tpu.dma_semaphore, #tpu.memory_space<semaphore_mem>>) src(%dma_wait3A_40 : memref<100000x8xf32, #tpu.memory_space<hbm>>) dst(%dma_wait3A_35 : memref<128x8xf32, #tpu.memory_space<vmem>>)
    %dma_wait3A_41 = arith.constant 128 : i32
    %dma_wait3A_42 = arith.constant 0 : i32
    %dma_wait3A_43 = tpu.memref_slice %arg6[%dma_wait3A_41, %dma_wait3A_42] : memref<512x8xf32, #tpu.memory_space<vmem>> -> memref<128x8xf32, #tpu.memory_space<vmem>>
    %dma_wait3A_44 = arith.constant 128 : i32
    %dma_wait3A_45 = tpu.memref_slice %arg5[%dma_wait3A_44] : memref<512xi32, #tpu.memory_space<vmem>> -> memref<128xi32, #tpu.memory_space<vmem>>
    %dma_wait3A_46 = arith.constant 0 : i32
    %dma_wait3A_47 = arith.constant 0 : i32
    %dma_wait3A_48 = tpu.memref_slice %arg3[%dma_wait3A_46, %dma_wait3A_47] : memref<100000x8xf32, #tpu.memory_space<hbm>> -> memref<100000x8xf32, #tpu.memory_space<hbm>>
    tpu.wait_indirect_dma semaphore(%arg8 : memref<!tpu.dma_semaphore, #tpu.memory_space<semaphore_mem>>) src(%dma_wait3A_48 : memref<100000x8xf32, #tpu.memory_space<hbm>>) dst(%dma_wait3A_43 : memref<128x8xf32, #tpu.memory_space<vmem>>)
    %dma_wait3A_49 = arith.constant 256 : i32
    %dma_wait3A_50 = arith.constant 0 : i32
    %dma_wait3A_51 = tpu.memref_slice %arg6[%dma_wait3A_49, %dma_wait3A_50] : memref<512x8xf32, #tpu.memory_space<vmem>> -> memref<128x8xf32, #tpu.memory_space<vmem>>
    %dma_wait3A_52 = arith.constant 256 : i32
    %dma_wait3A_53 = tpu.memref_slice %arg5[%dma_wait3A_52] : memref<512xi32, #tpu.memory_space<vmem>> -> memref<128xi32, #tpu.memory_space<vmem>>
    %dma_wait3A_54 = arith.constant 0 : i32
    %dma_wait3A_55 = arith.constant 0 : i32
    %dma_wait3A_56 = tpu.memref_slice %arg3[%dma_wait3A_54, %dma_wait3A_55] : memref<100000x8xf32, #tpu.memory_space<hbm>> -> memref<100000x8xf32, #tpu.memory_space<hbm>>
    tpu.wait_indirect_dma semaphore(%arg8 : memref<!tpu.dma_semaphore, #tpu.memory_space<semaphore_mem>>) src(%dma_wait3A_56 : memref<100000x8xf32, #tpu.memory_space<hbm>>) dst(%dma_wait3A_51 : memref<128x8xf32, #tpu.memory_space<vmem>>)
    %dma_wait3A_57 = arith.constant 384 : i32
    %dma_wait3A_58 = arith.constant 0 : i32
    %dma_wait3A_59 = tpu.memref_slice %arg6[%dma_wait3A_57, %dma_wait3A_58] : memref<512x8xf32, #tpu.memory_space<vmem>> -> memref<128x8xf32, #tpu.memory_space<vmem>>
    %dma_wait3A_60 = arith.constant 384 : i32
    %dma_wait3A_61 = tpu.memref_slice %arg5[%dma_wait3A_60] : memref<512xi32, #tpu.memory_space<vmem>> -> memref<128xi32, #tpu.memory_space<vmem>>
    %dma_wait3A_62 = arith.constant 0 : i32
    %dma_wait3A_63 = arith.constant 0 : i32
    %dma_wait3A_64 = tpu.memref_slice %arg3[%dma_wait3A_62, %dma_wait3A_63] : memref<100000x8xf32, #tpu.memory_space<hbm>> -> memref<100000x8xf32, #tpu.memory_space<hbm>>
    tpu.wait_indirect_dma semaphore(%arg8 : memref<!tpu.dma_semaphore, #tpu.memory_space<semaphore_mem>>) src(%dma_wait3A_64 : memref<100000x8xf32, #tpu.memory_space<hbm>>) dst(%dma_wait3A_59 : memref<128x8xf32, #tpu.memory_space<vmem>>)
    %iota3A = tpu.iota {dimensions = array<i32: 0>} : vector<16xi32>
    %broadcast_in_dim3A = arith.constant 0 : i32
    %broadcast_in_dim3A_65 = vector.broadcast %broadcast_in_dim3A : i32 to vector<16xi32>
    %add3A_66 = arith.constant 0 : i32
    %add3A_67 = vector.broadcast %add3A_66 : i32 to vector<16xi32>
    %add3A_68 = arith.addi %iota3A, %add3A_67 : vector<16xi32>
    %gather3A = tpu.vector_load_idx %arg6[%add3A_68, %broadcast_in_dim3A_65] : memref<512x8xf32, #tpu.memory_space<vmem>>[vector<16xi32>, vector<16xi32>], vector<16xf32>,
    %swap3A = arith.constant 0 : i32
    %swap3A_69 = arith.index_cast %swap3A : i32 to index
    %swap3A_70 = arith.constant 0 : index
    %swap3A_71 = tpu.vector_load %arg7[%swap3A_69, %swap3A_70] {strides = array<i32>} : memref<6x512xf32, #tpu.memory_space<vmem>>, vector<16xf32>,
    tpu.vector_store %arg7[%swap3A_69, %swap3A_70], %gather3A {strides = array<i32>} : memref<6x512xf32, #tpu.memory_space<vmem>>, vector<16xf32>,
    %add3A_72 = arith.constant 16 : i32
    %add3A_73 = vector.broadcast %add3A_72 : i32 to vector<16xi32>
    %add3A_74 = arith.addi %iota3A, %add3A_73 : vector<16xi32>
    %gather3A_75 = tpu.vector_load_idx %arg6[%add3A_74, %broadcast_in_dim3A_65] : memref<512x8xf32, #tpu.memory_space<vmem>>[vector<16xi32>, vector<16xi32>], vector<16xf32>,
    %swap3A_76 = arith.constant 0 : i32
    %swap3A_77 = arith.index_cast %swap3A_76 : i32 to index
    %swap3A_78 = arith.constant 16 : index
    %swap3A_79 = tpu.vector_load %arg7[%swap3A_77, %swap3A_78] {strides = array<i32>} : memref<6x512xf32, #tpu.memory_space<vmem>>, vector<16xf32>,
    tpu.vector_store %arg7[%swap3A_77, %swap3A_78], %gather3A_75 {strides = array<i32>} : memref<6x512xf32, #tpu.memory_space<vmem>>, vector<16xf32>,
    %add3A_80 = arith.constant 32 : i32
    %add3A_81 = vector.broadcast %add3A_80 : i32 to vector<16xi32>
    %add3A_82 = arith.addi %iota3A, %add3A_81 : vector<16xi32>
    %gather3A_83 = tpu.vector_load_idx %arg6[%add3A_82, %broadcast_in_dim3A_65] : memref<512x8xf32, #tpu.memory_space<vmem>>[vector<16xi32>, vector<16xi32>], vector<16xf32>,
    %swap3A_84 = arith.constant 0 : i32
    %swap3A_85 = arith.index_cast %swap3A_84 : i32 to index
    %swap3A_86 = arith.constant 32 : index
    %swap3A_87 = tpu.vector_load %arg7[%swap3A_85, %swap3A_86] {strides = array<i32>} : memref<6x512xf32, #tpu.memory_space<vmem>>, vector<16xf32>,
    tpu.vector_store %arg7[%swap3A_85, %swap3A_86], %gather3A_83 {strides = array<i32>} : memref<6x512xf32, #tpu.memory_space<vmem>>, vector<16xf32>,
    %add3A_88 = arith.constant 48 : i32
    %add3A_89 = vector.broadcast %add3A_88 : i32 to vector<16xi32>
    %add3A_90 = arith.addi %iota3A, %add3A_89 : vector<16xi32>
    %gather3A_91 = tpu.vector_load_idx %arg6[%add3A_90, %broadcast_in_dim3A_65] : memref<512x8xf32, #tpu.memory_space<vmem>>[vector<16xi32>, vector<16xi32>], vector<16xf32>,
    %swap3A_92 = arith.constant 0 : i32
    %swap3A_93 = arith.index_cast %swap3A_92 : i32 to index
    %swap3A_94 = arith.constant 48 : index
    %swap3A_95 = tpu.vector_load %arg7[%swap3A_93, %swap3A_94] {strides = array<i32>} : memref<6x512xf32, #tpu.memory_space<vmem>>, vector<16xf32>,
    tpu.vector_store %arg7[%swap3A_93, %swap3A_94], %gather3A_91 {strides = array<i32>} : memref<6x512xf32, #tpu.memory_space<vmem>>, vector<16xf32>,
    %add3A_96 = arith.constant 64 : i32
    %add3A_97 = vector.broadcast %add3A_96 : i32 to vector<16xi32>
    %add3A_98 = arith.addi %iota3A, %add3A_97 : vector<16xi32>
    %gather3A_99 = tpu.vector_load_idx %arg6[%add3A_98, %broadcast_in_dim3A_65] : memref<512x8xf32, #tpu.memory_space<vmem>>[vector<16xi32>, vector<16xi32>], vector<16xf32>,
    %swap3A_100 = arith.constant 0 : i32
    %swap3A_101 = arith.index_cast %swap3A_100 : i32 to index
    %swap3A_102 = arith.constant 64 : index
    %swap3A_103 = tpu.vector_load %arg7[%swap3A_101, %swap3A_102] {strides = array<i32>} : memref<6x512xf32, #tpu.memory_space<vmem>>, vector<16xf32>,
    tpu.vector_store %arg7[%swap3A_101, %swap3A_102], %gather3A_99 {strides = array<i32>} : memref<6x512xf32, #tpu.memory_space<vmem>>, vector<16xf32>,
    %add3A_104 = arith.constant 80 : i32
    %add3A_105 = vector.broadcast %add3A_104 : i32 to vector<16xi32>
    %add3A_106 = arith.addi %iota3A, %add3A_105 : vector<16xi32>
    %gather3A_107 = tpu.vector_load_idx %arg6[%add3A_106, %broadcast_in_dim3A_65] : memref<512x8xf32, #tpu.memory_space<vmem>>[vector<16xi32>, vector<16xi32>], vector<16xf32>,
    %swap3A_108 = arith.constant 0 : i32
    %swap3A_109 = arith.index_cast %swap3A_108 : i32 to index
    %swap3A_110 = arith.constant 80 : index
    %swap3A_111 = tpu.vector_load %arg7[%swap3A_109, %swap3A_110] {strides = array<i32>} : memref<6x512xf32, #tpu.memory_space<vmem>>, vector<16xf32>,
    tpu.vector_store %arg7[%swap3A_109, %swap3A_110], %gather3A_107 {strides = array<i32>} : memref<6x512xf32, #tpu.memory_space<vmem>>, vector<16xf32>,
    %add3A_112 = arith.constant 96 : i32
    %add3A_113 = vector.broadcast %add3A_112 : i32 to vector<16xi32>
    %add3A_114 = arith.addi %iota3A, %add3A_113 : vector<16xi32>
    %gather3A_115 = tpu.vector_load_idx %arg6[%add3A_114, %broadcast_in_dim3A_65] : memref<512x8xf32, #tpu.memory_space<vmem>>[vector<16xi32>, vector<16xi32>], vector<16xf32>,
    %swap3A_116 = arith.constant 0 : i32
    %swap3A_117 = arith.index_cast %swap3A_116 : i32 to index
    %swap3A_118 = arith.constant 96 : index
    %swap3A_119 = tpu.vector_load %arg7[%swap3A_117, %swap3A_118] {strides = array<i32>} : memref<6x512xf32, #tpu.memory_space<vmem>>, vector<16xf32>,
    tpu.vector_store %arg7[%swap3A_117, %swap3A_118], %gather3A_115 {strides = array<i32>} : memref<6x512xf32, #tpu.memory_space<vmem>>, vector<16xf32>,
    %add3A_120 = arith.constant 112 : i32
    %add3A_121 = vector.broadcast %add3A_120 : i32 to vector<16xi32>
    %add3A_122 = arith.addi %iota3A, %add3A_121 : vector<16xi32>
    %gather3A_123 = tpu.vector_load_idx %arg6[%add3A_122, %broadcast_in_dim3A_65] : memref<512x8xf32, #tpu.memory_space<vmem>>[vector<16xi32>, vector<16xi32>], vector<16xf32>,
    %swap3A_124 = arith.constant 0 : i32
    %swap3A_125 = arith.index_cast %swap3A_124 : i32 to index
    %swap3A_126 = arith.constant 112 : index
    %swap3A_127 = tpu.vector_load %arg7[%swap3A_125, %swap3A_126] {strides = array<i32>} : memref<6x512xf32, #tpu.memory_space<vmem>>, vector<16xf32>,
    tpu.vector_store %arg7[%swap3A_125, %swap3A_126], %gather3A_123 {strides = array<i32>} : memref<6x512xf32, #tpu.memory_space<vmem>>, vector<16xf32>,
    %add3A_128 = arith.constant 128 : i32
    %add3A_129 = vector.broadcast %add3A_128 : i32 to vector<16xi32>
    %add3A_130 = arith.addi %iota3A, %add3A_129 : vector<16xi32>
    %gather3A_131 = tpu.vector_load_idx %arg6[%add3A_130, %broadcast_in_dim3A_65] : memref<512x8xf32, #tpu.memory_space<vmem>>[vector<16xi32>, vector<16xi32>], vector<16xf32>,
    %swap3A_132 = arith.constant 0 : i32
    %swap3A_133 = arith.index_cast %swap3A_132 : i32 to index
    %swap3A_134 = arith.constant 128 : index
    %swap3A_135 = tpu.vector_load %arg7[%swap3A_133, %swap3A_134] {strides = array<i32>} : memref<6x512xf32, #tpu.memory_space<vmem>>, vector<16xf32>,
    tpu.vector_store %arg7[%swap3A_133, %swap3A_134], %gather3A_131 {strides = array<i32>} : memref<6x512xf32, #tpu.memory_space<vmem>>, vector<16xf32>,
    %add3A_136 = arith.constant 144 : i32
    %add3A_137 = vector.broadcast %add3A_136 : i32 to vector<16xi32>
    %add3A_138 = arith.addi %iota3A, %add3A_137 : vector<16xi32>
    %gather3A_139 = tpu.vector_load_idx %arg6[%add3A_138, %broadcast_in_dim3A_65] : memref<512x8xf32, #tpu.memory_space<vmem>>[vector<16xi32>, vector<16xi32>], vector<16xf32>,
    %swap3A_140 = arith.constant 0 : i32
    %swap3A_141 = arith.index_cast %swap3A_140 : i32 to index
    %swap3A_142 = arith.constant 144 : index
    %swap3A_143 = tpu.vector_load %arg7[%swap3A_141, %swap3A_142] {strides = array<i32>} : memref<6x512xf32, #tpu.memory_space<vmem>>, vector<16xf32>,
    tpu.vector_store %arg7[%swap3A_141, %swap3A_142], %gather3A_139 {strides = array<i32>} : memref<6x512xf32, #tpu.memory_space<vmem>>, vector<16xf32>,
    %add3A_144 = arith.constant 160 : i32
    %add3A_145 = vector.broadcast %add3A_144 : i32 to vector<16xi32>
    %add3A_146 = arith.addi %iota3A, %add3A_145 : vector<16xi32>
    %gather3A_147 = tpu.vector_load_idx %arg6[%add3A_146, %broadcast_in_dim3A_65] : memref<512x8xf32, #tpu.memory_space<vmem>>[vector<16xi32>, vector<16xi32>], vector<16xf32>,
    %swap3A_148 = arith.constant 0 : i32
    %swap3A_149 = arith.index_cast %swap3A_148 : i32 to index
    %swap3A_150 = arith.constant 160 : index
    %swap3A_151 = tpu.vector_load %arg7[%swap3A_149, %swap3A_150] {strides = array<i32>} : memref<6x512xf32, #tpu.memory_space<vmem>>, vector<16xf32>,
    tpu.vector_store %arg7[%swap3A_149, %swap3A_150], %gather3A_147 {strides = array<i32>} : memref<6x512xf32, #tpu.memory_space<vmem>>, vector<16xf32>,
    %add3A_152 = arith.constant 176 : i32
    %add3A_153 = vector.broadcast %add3A_152 : i32 to vector<16xi32>
    %add3A_154 = arith.addi %iota3A, %add3A_153 : vector<16xi32>
    %gather3A_155 = tpu.vector_load_idx %arg6[%add3A_154, %broadcast_in_dim3A_65] : memref<512x8xf32, #tpu.memory_space<vmem>>[vector<16xi32>, vector<16xi32>], vector<16xf32>,
    %swap3A_156 = arith.constant 0 : i32
    %swap3A_157 = arith.index_cast %swap3A_156 : i32 to index
    %swap3A_158 = arith.constant 176 : index
    %swap3A_159 = tpu.vector_load %arg7[%swap3A_157, %swap3A_158] {strides = array<i32>} : memref<6x512xf32, #tpu.memory_space<vmem>>, vector<16xf32>,
    tpu.vector_store %arg7[%swap3A_157, %swap3A_158], %gather3A_155 {strides = array<i32>} : memref<6x512xf32, #tpu.memory_space<vmem>>, vector<16xf32>,
    %add3A_160 = arith.constant 192 : i32
    %add3A_161 = vector.broadcast %add3A_160 : i32 to vector<16xi32>
    %add3A_162 = arith.addi %iota3A, %add3A_161 : vector<16xi32>
    %gather3A_163 = tpu.vector_load_idx %arg6[%add3A_162, %broadcast_in_dim3A_65] : memref<512x8xf32, #tpu.memory_space<vmem>>[vector<16xi32>, vector<16xi32>], vector<16xf32>,
    %swap3A_164 = arith.constant 0 : i32
    %swap3A_165 = arith.index_cast %swap3A_164 : i32 to index
    %swap3A_166 = arith.constant 192 : index
    %swap3A_167 = tpu.vector_load %arg7[%swap3A_165, %swap3A_166] {strides = array<i32>} : memref<6x512xf32, #tpu.memory_space<vmem>>, vector<16xf32>,
    tpu.vector_store %arg7[%swap3A_165, %swap3A_166], %gather3A_163 {strides = array<i32>} : memref<6x512xf32, #tpu.memory_space<vmem>>, vector<16xf32>,
    %add3A_168 = arith.constant 208 : i32
    %add3A_169 = vector.broadcast %add3A_168 : i32 to vector<16xi32>
    %add3A_170 = arith.addi %iota3A, %add3A_169 : vector<16xi32>
    %gather3A_171 = tpu.vector_load_idx %arg6[%add3A_170, %broadcast_in_dim3A_65] : memref<512x8xf32, #tpu.memory_space<vmem>>[vector<16xi32>, vector<16xi32>], vector<16xf32>,
    %swap3A_172 = arith.constant 0 : i32
    %swap3A_173 = arith.index_cast %swap3A_172 : i32 to index
    %swap3A_174 = arith.constant 208 : index
    %swap3A_175 = tpu.vector_load %arg7[%swap3A_173, %swap3A_174] {strides = array<i32>} : memref<6x512xf32, #tpu.memory_space<vmem>>, vector<16xf32>,
    tpu.vector_store %arg7[%swap3A_173, %swap3A_174], %gather3A_171 {strides = array<i32>} : memref<6x512xf32, #tpu.memory_space<vmem>>, vector<16xf32>,
    %add3A_176 = arith.constant 224 : i32
    %add3A_177 = vector.broadcast %add3A_176 : i32 to vector<16xi32>
    %add3A_178 = arith.addi %iota3A, %add3A_177 : vector<16xi32>
    %gather3A_179 = tpu.vector_load_idx %arg6[%add3A_178, %broadcast_in_dim3A_65] : memref<512x8xf32, #tpu.memory_space<vmem>>[vector<16xi32>, vector<16xi32>], vector<16xf32>,
    %swap3A_180 = arith.constant 0 : i32
    %swap3A_181 = arith.index_cast %swap3A_180 : i32 to index
    %swap3A_182 = arith.constant 224 : index
    %swap3A_183 = tpu.vector_load %arg7[%swap3A_181, %swap3A_182] {strides = array<i32>} : memref<6x512xf32, #tpu.memory_space<vmem>>, vector<16xf32>,
    tpu.vector_store %arg7[%swap3A_181, %swap3A_182], %gather3A_179 {strides = array<i32>} : memref<6x512xf32, #tpu.memory_space<vmem>>, vector<16xf32>,
    %add3A_184 = arith.constant 240 : i32
    %add3A_185 = vector.broadcast %add3A_184 : i32 to vector<16xi32>
    %add3A_186 = arith.addi %iota3A, %add3A_185 : vector<16xi32>
    %gather3A_187 = tpu.vector_load_idx %arg6[%add3A_186, %broadcast_in_dim3A_65] : memref<512x8xf32, #tpu.memory_space<vmem>>[vector<16xi32>, vector<16xi32>], vector<16xf32>,
    %swap3A_188 = arith.constant 0 : i32
    %swap3A_189 = arith.index_cast %swap3A_188 : i32 to index
    %swap3A_190 = arith.constant 240 : index
    %swap3A_191 = tpu.vector_load %arg7[%swap3A_189, %swap3A_190] {strides = array<i32>} : memref<6x512xf32, #tpu.memory_space<vmem>>, vector<16xf32>,
    tpu.vector_store %arg7[%swap3A_189, %swap3A_190], %gather3A_187 {strides = array<i32>} : memref<6x512xf32, #tpu.memory_space<vmem>>, vector<16xf32>,
    %add3A_192 = arith.constant 256 : i32
    %add3A_193 = vector.broadcast %add3A_192 : i32 to vector<16xi32>
    %add3A_194 = arith.addi %iota3A, %add3A_193 : vector<16xi32>
    %gather3A_195 = tpu.vector_load_idx %arg6[%add3A_194, %broadcast_in_dim3A_65] : memref<512x8xf32, #tpu.memory_space<vmem>>[vector<16xi32>, vector<16xi32>], vector<16xf32>,
    %swap3A_196 = arith.constant 0 : i32
    %swap3A_197 = arith.index_cast %swap3A_196 : i32 to index
    %swap3A_198 = arith.constant 256 : index
    %swap3A_199 = tpu.vector_load %arg7[%swap3A_197, %swap3A_198] {strides = array<i32>} : memref<6x512xf32, #tpu.memory_space<vmem>>, vector<16xf32>,
    tpu.vector_store %arg7[%swap3A_197, %swap3A_198], %gather3A_195 {strides = array<i32>} : memref<6x512xf32, #tpu.memory_space<vmem>>, vector<16xf32>,
    %add3A_200 = arith.constant 272 : i32
    %add3A_201 = vector.broadcast %add3A_200 : i32 to vector<16xi32>
    %add3A_202 = arith.addi %iota3A, %add3A_201 : vector<16xi32>
    %gather3A_203 = tpu.vector_load_idx %arg6[%add3A_202, %broadcast_in_dim3A_65] : memref<512x8xf32, #tpu.memory_space<vmem>>[vector<16xi32>, vector<16xi32>], vector<16xf32>,
    %swap3A_204 = arith.constant 0 : i32
    %swap3A_205 = arith.index_cast %swap3A_204 : i32 to index
    %swap3A_206 = arith.constant 272 : index
    %swap3A_207 = tpu.vector_load %arg7[%swap3A_205, %swap3A_206] {strides = array<i32>} : memref<6x512xf32, #tpu.memory_space<vmem>>, vector<16xf32>,
    tpu.vector_store %arg7[%swap3A_205, %swap3A_206], %gather3A_203 {strides = array<i32>} : memref<6x512xf32, #tpu.memory_space<vmem>>, vector<16xf32>,
    %add3A_208 = arith.constant 288 : i32
    %add3A_209 = vector.broadcast %add3A_208 : i32 to vector<16xi32>
    %add3A_210 = arith.addi %iota3A, %add3A_209 : vector<16xi32>
    %gather3A_211 = tpu.vector_load_idx %arg6[%add3A_210, %broadcast_in_dim3A_65] : memref<512x8xf32, #tpu.memory_space<vmem>>[vector<16xi32>, vector<16xi32>], vector<16xf32>,
    %swap3A_212 = arith.constant 0 : i32
    %swap3A_213 = arith.index_cast %swap3A_212 : i32 to index
    %swap3A_214 = arith.constant 288 : index
    %swap3A_215 = tpu.vector_load %arg7[%swap3A_213, %swap3A_214] {strides = array<i32>} : memref<6x512xf32, #tpu.memory_space<vmem>>, vector<16xf32>,
    tpu.vector_store %arg7[%swap3A_213, %swap3A_214], %gather3A_211 {strides = array<i32>} : memref<6x512xf32, #tpu.memory_space<vmem>>, vector<16xf32>,
    %add3A_216 = arith.constant 304 : i32
    %add3A_217 = vector.broadcast %add3A_216 : i32 to vector<16xi32>
    %add3A_218 = arith.addi %iota3A, %add3A_217 : vector<16xi32>
    %gather3A_219 = tpu.vector_load_idx %arg6[%add3A_218, %broadcast_in_dim3A_65] : memref<512x8xf32, #tpu.memory_space<vmem>>[vector<16xi32>, vector<16xi32>], vector<16xf32>,
    %swap3A_220 = arith.constant 0 : i32
    %swap3A_221 = arith.index_cast %swap3A_220 : i32 to index
    %swap3A_222 = arith.constant 304 : index
    %swap3A_223 = tpu.vector_load %arg7[%swap3A_221, %swap3A_222] {strides = array<i32>} : memref<6x512xf32, #tpu.memory_space<vmem>>, vector<16xf32>,
    tpu.vector_store %arg7[%swap3A_221, %swap3A_222], %gather3A_219 {strides = array<i32>} : memref<6x512xf32, #tpu.memory_space<vmem>>, vector<16xf32>,
    %add3A_224 = arith.constant 320 : i32
    %add3A_225 = vector.broadcast %add3A_224 : i32 to vector<16xi32>
    %add3A_226 = arith.addi %iota3A, %add3A_225 : vector<16xi32>
    %gather3A_227 = tpu.vector_load_idx %arg6[%add3A_226, %broadcast_in_dim3A_65] : memref<512x8xf32, #tpu.memory_space<vmem>>[vector<16xi32>, vector<16xi32>], vector<16xf32>,
    %swap3A_228 = arith.constant 0 : i32
    %swap3A_229 = arith.index_cast %swap3A_228 : i32 to index
    %swap3A_230 = arith.constant 320 : index
    %swap3A_231 = tpu.vector_load %arg7[%swap3A_229, %swap3A_230] {strides = array<i32>} : memref<6x512xf32, #tpu.memory_space<vmem>>, vector<16xf32>,
    tpu.vector_store %arg7[%swap3A_229, %swap3A_230], %gather3A_227 {strides = array<i32>} : memref<6x512xf32, #tpu.memory_space<vmem>>, vector<16xf32>,
    %add3A_232 = arith.constant 336 : i32
    %add3A_233 = vector.broadcast %add3A_232 : i32 to vector<16xi32>
    %add3A_234 = arith.addi %iota3A, %add3A_233 : vector<16xi32>
    %gather3A_235 = tpu.vector_load_idx %arg6[%add3A_234, %broadcast_in_dim3A_65] : memref<512x8xf32, #tpu.memory_space<vmem>>[vector<16xi32>, vector<16xi32>], vector<16xf32>,
    %swap3A_236 = arith.constant 0 : i32
    %swap3A_237 = arith.index_cast %swap3A_236 : i32 to index
    %swap3A_238 = arith.constant 336 : index
    %swap3A_239 = tpu.vector_load %arg7[%swap3A_237, %swap3A_238] {strides = array<i32>} : memref<6x512xf32, #tpu.memory_space<vmem>>, vector<16xf32>,
    tpu.vector_store %arg7[%swap3A_237, %swap3A_238], %gather3A_235 {strides = array<i32>} : memref<6x512xf32, #tpu.memory_space<vmem>>, vector<16xf32>,
    %add3A_240 = arith.constant 352 : i32
    %add3A_241 = vector.broadcast %add3A_240 : i32 to vector<16xi32>
    %add3A_242 = arith.addi %iota3A, %add3A_241 : vector<16xi32>
    %gather3A_243 = tpu.vector_load_idx %arg6[%add3A_242, %broadcast_in_dim3A_65] : memref<512x8xf32, #tpu.memory_space<vmem>>[vector<16xi32>, vector<16xi32>], vector<16xf32>,
    %swap3A_244 = arith.constant 0 : i32
    %swap3A_245 = arith.index_cast %swap3A_244 : i32 to index
    %swap3A_246 = arith.constant 352 : index
    %swap3A_247 = tpu.vector_load %arg7[%swap3A_245, %swap3A_246] {strides = array<i32>} : memref<6x512xf32, #tpu.memory_space<vmem>>, vector<16xf32>,
    tpu.vector_store %arg7[%swap3A_245, %swap3A_246], %gather3A_243 {strides = array<i32>} : memref<6x512xf32, #tpu.memory_space<vmem>>, vector<16xf32>,
    %add3A_248 = arith.constant 368 : i32
    %add3A_249 = vector.broadcast %add3A_248 : i32 to vector<16xi32>
    %add3A_250 = arith.addi %iota3A, %add3A_249 : vector<16xi32>
    %gather3A_251 = tpu.vector_load_idx %arg6[%add3A_250, %broadcast_in_dim3A_65] : memref<512x8xf32, #tpu.memory_space<vmem>>[vector<16xi32>, vector<16xi32>], vector<16xf32>,
    %swap3A_252 = arith.constant 0 : i32
    %swap3A_253 = arith.index_cast %swap3A_252 : i32 to index
    %swap3A_254 = arith.constant 368 : index
    %swap3A_255 = tpu.vector_load %arg7[%swap3A_253, %swap3A_254] {strides = array<i32>} : memref<6x512xf32, #tpu.memory_space<vmem>>, vector<16xf32>,
    tpu.vector_store %arg7[%swap3A_253, %swap3A_254], %gather3A_251 {strides = array<i32>} : memref<6x512xf32, #tpu.memory_space<vmem>>, vector<16xf32>,
    %add3A_256 = arith.constant 384 : i32
    %add3A_257 = vector.broadcast %add3A_256 : i32 to vector<16xi32>
    %add3A_258 = arith.addi %iota3A, %add3A_257 : vector<16xi32>
    %gather3A_259 = tpu.vector_load_idx %arg6[%add3A_258, %broadcast_in_dim3A_65] : memref<512x8xf32, #tpu.memory_space<vmem>>[vector<16xi32>, vector<16xi32>], vector<16xf32>,
    %swap3A_260 = arith.constant 0 : i32
    %swap3A_261 = arith.index_cast %swap3A_260 : i32 to index
    %swap3A_262 = arith.constant 384 : index
    %swap3A_263 = tpu.vector_load %arg7[%swap3A_261, %swap3A_262] {strides = array<i32>} : memref<6x512xf32, #tpu.memory_space<vmem>>, vector<16xf32>,
    tpu.vector_store %arg7[%swap3A_261, %swap3A_262], %gather3A_259 {strides = array<i32>} : memref<6x512xf32, #tpu.memory_space<vmem>>, vector<16xf32>,
    %add3A_264 = arith.constant 400 : i32
    %add3A_265 = vector.broadcast %add3A_264 : i32 to vector<16xi32>
    %add3A_266 = arith.addi %iota3A, %add3A_265 : vector<16xi32>
    %gather3A_267 = tpu.vector_load_idx %arg6[%add3A_266, %broadcast_in_dim3A_65] : memref<512x8xf32, #tpu.memory_space<vmem>>[vector<16xi32>, vector<16xi32>], vector<16xf32>,
    %swap3A_268 = arith.constant 0 : i32
    %swap3A_269 = arith.index_cast %swap3A_268 : i32 to index
    %swap3A_270 = arith.constant 400 : index
    %swap3A_271 = tpu.vector_load %arg7[%swap3A_269, %swap3A_270] {strides = array<i32>} : memref<6x512xf32, #tpu.memory_space<vmem>>, vector<16xf32>,
    tpu.vector_store %arg7[%swap3A_269, %swap3A_270], %gather3A_267 {strides = array<i32>} : memref<6x512xf32, #tpu.memory_space<vmem>>, vector<16xf32>,
    %add3A_272 = arith.constant 416 : i32
    %add3A_273 = vector.broadcast %add3A_272 : i32 to vector<16xi32>
    %add3A_274 = arith.addi %iota3A, %add3A_273 : vector<16xi32>
    %gather3A_275 = tpu.vector_load_idx %arg6[%add3A_274, %broadcast_in_dim3A_65] : memref<512x8xf32, #tpu.memory_space<vmem>>[vector<16xi32>, vector<16xi32>], vector<16xf32>,
    %swap3A_276 = arith.constant 0 : i32
    %swap3A_277 = arith.index_cast %swap3A_276 : i32 to index
    %swap3A_278 = arith.constant 416 : index
    %swap3A_279 = tpu.vector_load %arg7[%swap3A_277, %swap3A_278] {strides = array<i32>} : memref<6x512xf32, #tpu.memory_space<vmem>>, vector<16xf32>,
    tpu.vector_store %arg7[%swap3A_277, %swap3A_278], %gather3A_275 {strides = array<i32>} : memref<6x512xf32, #tpu.memory_space<vmem>>, vector<16xf32>,
    %add3A_280 = arith.constant 432 : i32
    %add3A_281 = vector.broadcast %add3A_280 : i32 to vector<16xi32>
    %add3A_282 = arith.addi %iota3A, %add3A_281 : vector<16xi32>
    %gather3A_283 = tpu.vector_load_idx %arg6[%add3A_282, %broadcast_in_dim3A_65] : memref<512x8xf32, #tpu.memory_space<vmem>>[vector<16xi32>, vector<16xi32>], vector<16xf32>,
    %swap3A_284 = arith.constant 0 : i32
    %swap3A_285 = arith.index_cast %swap3A_284 : i32 to index
    %swap3A_286 = arith.constant 432 : index
    %swap3A_287 = tpu.vector_load %arg7[%swap3A_285, %swap3A_286] {strides = array<i32>} : memref<6x512xf32, #tpu.memory_space<vmem>>, vector<16xf32>,
    tpu.vector_store %arg7[%swap3A_285, %swap3A_286], %gather3A_283 {strides = array<i32>} : memref<6x512xf32, #tpu.memory_space<vmem>>, vector<16xf32>,
    %add3A_288 = arith.constant 448 : i32
    %add3A_289 = vector.broadcast %add3A_288 : i32 to vector<16xi32>
    %add3A_290 = arith.addi %iota3A, %add3A_289 : vector<16xi32>
    %gather3A_291 = tpu.vector_load_idx %arg6[%add3A_290, %broadcast_in_dim3A_65] : memref<512x8xf32, #tpu.memory_space<vmem>>[vector<16xi32>, vector<16xi32>], vector<16xf32>,
    %swap3A_292 = arith.constant 0 : i32
    %swap3A_293 = arith.index_cast %swap3A_292 : i32 to index
    %swap3A_294 = arith.constant 448 : index
    %swap3A_295 = tpu.vector_load %arg7[%swap3A_293, %swap3A_294] {strides = array<i32>} : memref<6x512xf32, #tpu.memory_space<vmem>>, vector<16xf32>,
    tpu.vector_store %arg7[%swap3A_293, %swap3A_294], %gather3A_291 {strides = array<i32>} : memref<6x512xf32, #tpu.memory_space<vmem>>, vector<16xf32>,
    %add3A_296 = arith.constant 464 : i32
    %add3A_297 = vector.broadcast %add3A_296 : i32 to vector<16xi32>
    %add3A_298 = arith.addi %iota3A, %add3A_297 : vector<16xi32>
    %gather3A_299 = tpu.vector_load_idx %arg6[%add3A_298, %broadcast_in_dim3A_65] : memref<512x8xf32, #tpu.memory_space<vmem>>[vector<16xi32>, vector<16xi32>], vector<16xf32>,
    %swap3A_300 = arith.constant 0 : i32
    %swap3A_301 = arith.index_cast %swap3A_300 : i32 to index
    %swap3A_302 = arith.constant 464 : index
    %swap3A_303 = tpu.vector_load %arg7[%swap3A_301, %swap3A_302] {strides = array<i32>} : memref<6x512xf32, #tpu.memory_space<vmem>>, vector<16xf32>,
    tpu.vector_store %arg7[%swap3A_301, %swap3A_302], %gather3A_299 {strides = array<i32>} : memref<6x512xf32, #tpu.memory_space<vmem>>, vector<16xf32>,
    %add3A_304 = arith.constant 480 : i32
    %add3A_305 = vector.broadcast %add3A_304 : i32 to vector<16xi32>
    %add3A_306 = arith.addi %iota3A, %add3A_305 : vector<16xi32>
    %gather3A_307 = tpu.vector_load_idx %arg6[%add3A_306, %broadcast_in_dim3A_65] : memref<512x8xf32, #tpu.memory_space<vmem>>[vector<16xi32>, vector<16xi32>], vector<16xf32>,
    %swap3A_308 = arith.constant 0 : i32
    %swap3A_309 = arith.index_cast %swap3A_308 : i32 to index
    %swap3A_310 = arith.constant 480 : index
    %swap3A_311 = tpu.vector_load %arg7[%swap3A_309, %swap3A_310] {strides = array<i32>} : memref<6x512xf32, #tpu.memory_space<vmem>>, vector<16xf32>,
    tpu.vector_store %arg7[%swap3A_309, %swap3A_310], %gather3A_307 {strides = array<i32>} : memref<6x512xf32, #tpu.memory_space<vmem>>, vector<16xf32>,
    %add3A_312 = arith.constant 496 : i32
    %add3A_313 = vector.broadcast %add3A_312 : i32 to vector<16xi32>
    %add3A_314 = arith.addi %iota3A, %add3A_313 : vector<16xi32>
    %gather3A_315 = tpu.vector_load_idx %arg6[%add3A_314, %broadcast_in_dim3A_65] : memref<512x8xf32, #tpu.memory_space<vmem>>[vector<16xi32>, vector<16xi32>], vector<16xf32>,
    %swap3A_316 = arith.constant 0 : i32
    %swap3A_317 = arith.index_cast %swap3A_316 : i32 to index
    %swap3A_318 = arith.constant 496 : index
    %swap3A_319 = tpu.vector_load %arg7[%swap3A_317, %swap3A_318] {strides = array<i32>} : memref<6x512xf32, #tpu.memory_space<vmem>>, vector<16xf32>,
    tpu.vector_store %arg7[%swap3A_317, %swap3A_318], %gather3A_315 {strides = array<i32>} : memref<6x512xf32, #tpu.memory_space<vmem>>, vector<16xf32>,
    %broadcast_in_dim3A_320 = arith.constant 1 : i32
    %broadcast_in_dim3A_321 = vector.broadcast %broadcast_in_dim3A_320 : i32 to vector<16xi32>
    %add3A_322 = arith.constant 0 : i32
    %add3A_323 = vector.broadcast %add3A_322 : i32 to vector<16xi32>
    %add3A_324 = arith.addi %iota3A, %add3A_323 : vector<16xi32>
    %gather3A_325 = tpu.vector_load_idx %arg6[%add3A_324, %broadcast_in_dim3A_321] : memref<512x8xf32, #tpu.memory_space<vmem>>[vector<16xi32>, vector<16xi32>], vector<16xf32>,
    %swap3A_326 = arith.constant 1 : i32
    %swap3A_327 = arith.index_cast %swap3A_326 : i32 to index
    %swap3A_328 = arith.constant 0 : index
    %swap3A_329 = tpu.vector_load %arg7[%swap3A_327, %swap3A_328] {strides = array<i32>} : memref<6x512xf32, #tpu.memory_space<vmem>>, vector<16xf32>,
    tpu.vector_store %arg7[%swap3A_327, %swap3A_328], %gather3A_325 {strides = array<i32>} : memref<6x512xf32, #tpu.memory_space<vmem>>, vector<16xf32>,
    %add3A_330 = arith.constant 16 : i32
    %add3A_331 = vector.broadcast %add3A_330 : i32 to vector<16xi32>
    %add3A_332 = arith.addi %iota3A, %add3A_331 : vector<16xi32>
    %gather3A_333 = tpu.vector_load_idx %arg6[%add3A_332, %broadcast_in_dim3A_321] : memref<512x8xf32, #tpu.memory_space<vmem>>[vector<16xi32>, vector<16xi32>], vector<16xf32>,
    %swap3A_334 = arith.constant 1 : i32
    %swap3A_335 = arith.index_cast %swap3A_334 : i32 to index
    %swap3A_336 = arith.constant 16 : index
    %swap3A_337 = tpu.vector_load %arg7[%swap3A_335, %swap3A_336] {strides = array<i32>} : memref<6x512xf32, #tpu.memory_space<vmem>>, vector<16xf32>,
    tpu.vector_store %arg7[%swap3A_335, %swap3A_336], %gather3A_333 {strides = array<i32>} : memref<6x512xf32, #tpu.memory_space<vmem>>, vector<16xf32>,
    %add3A_338 = arith.constant 32 : i32
    %add3A_339 = vector.broadcast %add3A_338 : i32 to vector<16xi32>
    %add3A_340 = arith.addi %iota3A, %add3A_339 : vector<16xi32>
    %gather3A_341 = tpu.vector_load_idx %arg6[%add3A_340, %broadcast_in_dim3A_321] : memref<512x8xf32, #tpu.memory_space<vmem>>[vector<16xi32>, vector<16xi32>], vector<16xf32>,
    %swap3A_342 = arith.constant 1 : i32
    %swap3A_343 = arith.index_cast %swap3A_342 : i32 to index
    %swap3A_344 = arith.constant 32 : index
    %swap3A_345 = tpu.vector_load %arg7[%swap3A_343, %swap3A_344] {strides = array<i32>} : memref<6x512xf32, #tpu.memory_space<vmem>>, vector<16xf32>,
    tpu.vector_store %arg7[%swap3A_343, %swap3A_344], %gather3A_341 {strides = array<i32>} : memref<6x512xf32, #tpu.memory_space<vmem>>, vector<16xf32>,
    %add3A_346 = arith.constant 48 : i32
    %add3A_347 = vector.broadcast %add3A_346 : i32 to vector<16xi32>
    %add3A_348 = arith.addi %iota3A, %add3A_347 : vector<16xi32>
    %gather3A_349 = tpu.vector_load_idx %arg6[%add3A_348, %broadcast_in_dim3A_321] : memref<512x8xf32, #tpu.memory_space<vmem>>[vector<16xi32>, vector<16xi32>], vector<16xf32>,
    %swap3A_350 = arith.constant 1 : i32
    %swap3A_351 = arith.index_cast %swap3A_350 : i32 to index
    %swap3A_352 = arith.constant 48 : index
    %swap3A_353 = tpu.vector_load %arg7[%swap3A_351, %swap3A_352] {strides = array<i32>} : memref<6x512xf32, #tpu.memory_space<vmem>>, vector<16xf32>,
    tpu.vector_store %arg7[%swap3A_351, %swap3A_352], %gather3A_349 {strides = array<i32>} : memref<6x512xf32, #tpu.memory_space<vmem>>, vector<16xf32>,
    %add3A_354 = arith.constant 64 : i32
    %add3A_355 = vector.broadcast %add3A_354 : i32 to vector<16xi32>
    %add3A_356 = arith.addi %iota3A, %add3A_355 : vector<16xi32>
    %gather3A_357 = tpu.vector_load_idx %arg6[%add3A_356, %broadcast_in_dim3A_321] : memref<512x8xf32, #tpu.memory_space<vmem>>[vector<16xi32>, vector<16xi32>], vector<16xf32>,
    %swap3A_358 = arith.constant 1 : i32
    %swap3A_359 = arith.index_cast %swap3A_358 : i32 to index
    %swap3A_360 = arith.constant 64 : index
    %swap3A_361 = tpu.vector_load %arg7[%swap3A_359, %swap3A_360] {strides = array<i32>} : memref<6x512xf32, #tpu.memory_space<vmem>>, vector<16xf32>,
    tpu.vector_store %arg7[%swap3A_359, %swap3A_360], %gather3A_357 {strides = array<i32>} : memref<6x512xf32, #tpu.memory_space<vmem>>, vector<16xf32>,
    %add3A_362 = arith.constant 80 : i32
    %add3A_363 = vector.broadcast %add3A_362 : i32 to vector<16xi32>
    %add3A_364 = arith.addi %iota3A, %add3A_363 : vector<16xi32>
    %gather3A_365 = tpu.vector_load_idx %arg6[%add3A_364, %broadcast_in_dim3A_321] : memref<512x8xf32, #tpu.memory_space<vmem>>[vector<16xi32>, vector<16xi32>], vector<16xf32>,
    %swap3A_366 = arith.constant 1 : i32
    %swap3A_367 = arith.index_cast %swap3A_366 : i32 to index
    %swap3A_368 = arith.constant 80 : index
    %swap3A_369 = tpu.vector_load %arg7[%swap3A_367, %swap3A_368] {strides = array<i32>} : memref<6x512xf32, #tpu.memory_space<vmem>>, vector<16xf32>,
    tpu.vector_store %arg7[%swap3A_367, %swap3A_368], %gather3A_365 {strides = array<i32>} : memref<6x512xf32, #tpu.memory_space<vmem>>, vector<16xf32>,
    %add3A_370 = arith.constant 96 : i32
    %add3A_371 = vector.broadcast %add3A_370 : i32 to vector<16xi32>
    %add3A_372 = arith.addi %iota3A, %add3A_371 : vector<16xi32>
    %gather3A_373 = tpu.vector_load_idx %arg6[%add3A_372, %broadcast_in_dim3A_321] : memref<512x8xf32, #tpu.memory_space<vmem>>[vector<16xi32>, vector<16xi32>], vector<16xf32>,
    %swap3A_374 = arith.constant 1 : i32
    %swap3A_375 = arith.index_cast %swap3A_374 : i32 to index
    %swap3A_376 = arith.constant 96 : index
    %swap3A_377 = tpu.vector_load %arg7[%swap3A_375, %swap3A_376] {strides = array<i32>} : memref<6x512xf32, #tpu.memory_space<vmem>>, vector<16xf32>,
    tpu.vector_store %arg7[%swap3A_375, %swap3A_376], %gather3A_373 {strides = array<i32>} : memref<6x512xf32, #tpu.memory_space<vmem>>, vector<16xf32>,
    %add3A_378 = arith.constant 112 : i32
    %add3A_379 = vector.broadcast %add3A_378 : i32 to vector<16xi32>
    %add3A_380 = arith.addi %iota3A, %add3A_379 : vector<16xi32>
    %gather3A_381 = tpu.vector_load_idx %arg6[%add3A_380, %broadcast_in_dim3A_321] : memref<512x8xf32, #tpu.memory_space<vmem>>[vector<16xi32>, vector<16xi32>], vector<16xf32>,
    %swap3A_382 = arith.constant 1 : i32
    %swap3A_383 = arith.index_cast %swap3A_382 : i32 to index
    %swap3A_384 = arith.constant 112 : index
    %swap3A_385 = tpu.vector_load %arg7[%swap3A_383, %swap3A_384] {strides = array<i32>} : memref<6x512xf32, #tpu.memory_space<vmem>>, vector<16xf32>,
    tpu.vector_store %arg7[%swap3A_383, %swap3A_384], %gather3A_381 {strides = array<i32>} : memref<6x512xf32, #tpu.memory_space<vmem>>, vector<16xf32>,
    %add3A_386 = arith.constant 128 : i32
    %add3A_387 = vector.broadcast %add3A_386 : i32 to vector<16xi32>
    %add3A_388 = arith.addi %iota3A, %add3A_387 : vector<16xi32>
    %gather3A_389 = tpu.vector_load_idx %arg6[%add3A_388, %broadcast_in_dim3A_321] : memref<512x8xf32, #tpu.memory_space<vmem>>[vector<16xi32>, vector<16xi32>], vector<16xf32>,
    %swap3A_390 = arith.constant 1 : i32
    %swap3A_391 = arith.index_cast %swap3A_390 : i32 to index
    %swap3A_392 = arith.constant 128 : index
    %swap3A_393 = tpu.vector_load %arg7[%swap3A_391, %swap3A_392] {strides = array<i32>} : memref<6x512xf32, #tpu.memory_space<vmem>>, vector<16xf32>,
    tpu.vector_store %arg7[%swap3A_391, %swap3A_392], %gather3A_389 {strides = array<i32>} : memref<6x512xf32, #tpu.memory_space<vmem>>, vector<16xf32>,
    %add3A_394 = arith.constant 144 : i32
    %add3A_395 = vector.broadcast %add3A_394 : i32 to vector<16xi32>
    %add3A_396 = arith.addi %iota3A, %add3A_395 : vector<16xi32>
    %gather3A_397 = tpu.vector_load_idx %arg6[%add3A_396, %broadcast_in_dim3A_321] : memref<512x8xf32, #tpu.memory_space<vmem>>[vector<16xi32>, vector<16xi32>], vector<16xf32>,
    %swap3A_398 = arith.constant 1 : i32
    %swap3A_399 = arith.index_cast %swap3A_398 : i32 to index
    %swap3A_400 = arith.constant 144 : index
    %swap3A_401 = tpu.vector_load %arg7[%swap3A_399, %swap3A_400] {strides = array<i32>} : memref<6x512xf32, #tpu.memory_space<vmem>>, vector<16xf32>,
    tpu.vector_store %arg7[%swap3A_399, %swap3A_400], %gather3A_397 {strides = array<i32>} : memref<6x512xf32, #tpu.memory_space<vmem>>, vector<16xf32>,
    %add3A_402 = arith.constant 160 : i32
    %add3A_403 = vector.broadcast %add3A_402 : i32 to vector<16xi32>
    %add3A_404 = arith.addi %iota3A, %add3A_403 : vector<16xi32>
    %gather3A_405 = tpu.vector_load_idx %arg6[%add3A_404, %broadcast_in_dim3A_321] : memref<512x8xf32, #tpu.memory_space<vmem>>[vector<16xi32>, vector<16xi32>], vector<16xf32>,
    %swap3A_406 = arith.constant 1 : i32
    %swap3A_407 = arith.index_cast %swap3A_406 : i32 to index
    %swap3A_408 = arith.constant 160 : index
    %swap3A_409 = tpu.vector_load %arg7[%swap3A_407, %swap3A_408] {strides = array<i32>} : memref<6x512xf32, #tpu.memory_space<vmem>>, vector<16xf32>,
    tpu.vector_store %arg7[%swap3A_407, %swap3A_408], %gather3A_405 {strides = array<i32>} : memref<6x512xf32, #tpu.memory_space<vmem>>, vector<16xf32>,
    %add3A_410 = arith.constant 176 : i32
    %add3A_411 = vector.broadcast %add3A_410 : i32 to vector<16xi32>
    %add3A_412 = arith.addi %iota3A, %add3A_411 : vector<16xi32>
    %gather3A_413 = tpu.vector_load_idx %arg6[%add3A_412, %broadcast_in_dim3A_321] : memref<512x8xf32, #tpu.memory_space<vmem>>[vector<16xi32>, vector<16xi32>], vector<16xf32>,
    %swap3A_414 = arith.constant 1 : i32
    %swap3A_415 = arith.index_cast %swap3A_414 : i32 to index
    %swap3A_416 = arith.constant 176 : index
    %swap3A_417 = tpu.vector_load %arg7[%swap3A_415, %swap3A_416] {strides = array<i32>} : memref<6x512xf32, #tpu.memory_space<vmem>>, vector<16xf32>,
    tpu.vector_store %arg7[%swap3A_415, %swap3A_416], %gather3A_413 {strides = array<i32>} : memref<6x512xf32, #tpu.memory_space<vmem>>, vector<16xf32>,
    %add3A_418 = arith.constant 192 : i32
    %add3A_419 = vector.broadcast %add3A_418 : i32 to vector<16xi32>
    %add3A_420 = arith.addi %iota3A, %add3A_419 : vector<16xi32>
    %gather3A_421 = tpu.vector_load_idx %arg6[%add3A_420, %broadcast_in_dim3A_321] : memref<512x8xf32, #tpu.memory_space<vmem>>[vector<16xi32>, vector<16xi32>], vector<16xf32>,
    %swap3A_422 = arith.constant 1 : i32
    %swap3A_423 = arith.index_cast %swap3A_422 : i32 to index
    %swap3A_424 = arith.constant 192 : index
    %swap3A_425 = tpu.vector_load %arg7[%swap3A_423, %swap3A_424] {strides = array<i32>} : memref<6x512xf32, #tpu.memory_space<vmem>>, vector<16xf32>,
    tpu.vector_store %arg7[%swap3A_423, %swap3A_424], %gather3A_421 {strides = array<i32>} : memref<6x512xf32, #tpu.memory_space<vmem>>, vector<16xf32>,
    %add3A_426 = arith.constant 208 : i32
    %add3A_427 = vector.broadcast %add3A_426 : i32 to vector<16xi32>
    %add3A_428 = arith.addi %iota3A, %add3A_427 : vector<16xi32>
    %gather3A_429 = tpu.vector_load_idx %arg6[%add3A_428, %broadcast_in_dim3A_321] : memref<512x8xf32, #tpu.memory_space<vmem>>[vector<16xi32>, vector<16xi32>], vector<16xf32>,
    %swap3A_430 = arith.constant 1 : i32
    %swap3A_431 = arith.index_cast %swap3A_430 : i32 to index
    %swap3A_432 = arith.constant 208 : index
    %swap3A_433 = tpu.vector_load %arg7[%swap3A_431, %swap3A_432] {strides = array<i32>} : memref<6x512xf32, #tpu.memory_space<vmem>>, vector<16xf32>,
    tpu.vector_store %arg7[%swap3A_431, %swap3A_432], %gather3A_429 {strides = array<i32>} : memref<6x512xf32, #tpu.memory_space<vmem>>, vector<16xf32>,
    %add3A_434 = arith.constant 224 : i32
    %add3A_435 = vector.broadcast %add3A_434 : i32 to vector<16xi32>
    %add3A_436 = arith.addi %iota3A, %add3A_435 : vector<16xi32>
    %gather3A_437 = tpu.vector_load_idx %arg6[%add3A_436, %broadcast_in_dim3A_321] : memref<512x8xf32, #tpu.memory_space<vmem>>[vector<16xi32>, vector<16xi32>], vector<16xf32>,
    %swap3A_438 = arith.constant 1 : i32
    %swap3A_439 = arith.index_cast %swap3A_438 : i32 to index
    %swap3A_440 = arith.constant 224 : index
    %swap3A_441 = tpu.vector_load %arg7[%swap3A_439, %swap3A_440] {strides = array<i32>} : memref<6x512xf32, #tpu.memory_space<vmem>>, vector<16xf32>,
    tpu.vector_store %arg7[%swap3A_439, %swap3A_440], %gather3A_437 {strides = array<i32>} : memref<6x512xf32, #tpu.memory_space<vmem>>, vector<16xf32>,
    %add3A_442 = arith.constant 240 : i32
    %add3A_443 = vector.broadcast %add3A_442 : i32 to vector<16xi32>
    %add3A_444 = arith.addi %iota3A, %add3A_443 : vector<16xi32>
    %gather3A_445 = tpu.vector_load_idx %arg6[%add3A_444, %broadcast_in_dim3A_321] : memref<512x8xf32, #tpu.memory_space<vmem>>[vector<16xi32>, vector<16xi32>], vector<16xf32>,
    %swap3A_446 = arith.constant 1 : i32
    %swap3A_447 = arith.index_cast %swap3A_446 : i32 to index
    %swap3A_448 = arith.constant 240 : index
    %swap3A_449 = tpu.vector_load %arg7[%swap3A_447, %swap3A_448] {strides = array<i32>} : memref<6x512xf32, #tpu.memory_space<vmem>>, vector<16xf32>,
    tpu.vector_store %arg7[%swap3A_447, %swap3A_448], %gather3A_445 {strides = array<i32>} : memref<6x512xf32, #tpu.memory_space<vmem>>, vector<16xf32>,
    %add3A_450 = arith.constant 256 : i32
    %add3A_451 = vector.broadcast %add3A_450 : i32 to vector<16xi32>
    %add3A_452 = arith.addi %iota3A, %add3A_451 : vector<16xi32>
    %gather3A_453 = tpu.vector_load_idx %arg6[%add3A_452, %broadcast_in_dim3A_321] : memref<512x8xf32, #tpu.memory_space<vmem>>[vector<16xi32>, vector<16xi32>], vector<16xf32>,
    %swap3A_454 = arith.constant 1 : i32
    %swap3A_455 = arith.index_cast %swap3A_454 : i32 to index
    %swap3A_456 = arith.constant 256 : index
    %swap3A_457 = tpu.vector_load %arg7[%swap3A_455, %swap3A_456] {strides = array<i32>} : memref<6x512xf32, #tpu.memory_space<vmem>>, vector<16xf32>,
    tpu.vector_store %arg7[%swap3A_455, %swap3A_456], %gather3A_453 {strides = array<i32>} : memref<6x512xf32, #tpu.memory_space<vmem>>, vector<16xf32>,
    %add3A_458 = arith.constant 272 : i32
    %add3A_459 = vector.broadcast %add3A_458 : i32 to vector<16xi32>
    %add3A_460 = arith.addi %iota3A, %add3A_459 : vector<16xi32>
    %gather3A_461 = tpu.vector_load_idx %arg6[%add3A_460, %broadcast_in_dim3A_321] : memref<512x8xf32, #tpu.memory_space<vmem>>[vector<16xi32>, vector<16xi32>], vector<16xf32>,
    %swap3A_462 = arith.constant 1 : i32
    %swap3A_463 = arith.index_cast %swap3A_462 : i32 to index
    %swap3A_464 = arith.constant 272 : index
    %swap3A_465 = tpu.vector_load %arg7[%swap3A_463, %swap3A_464] {strides = array<i32>} : memref<6x512xf32, #tpu.memory_space<vmem>>, vector<16xf32>,
    tpu.vector_store %arg7[%swap3A_463, %swap3A_464], %gather3A_461 {strides = array<i32>} : memref<6x512xf32, #tpu.memory_space<vmem>>, vector<16xf32>,
    %add3A_466 = arith.constant 288 : i32
    %add3A_467 = vector.broadcast %add3A_466 : i32 to vector<16xi32>
    %add3A_468 = arith.addi %iota3A, %add3A_467 : vector<16xi32>
    %gather3A_469 = tpu.vector_load_idx %arg6[%add3A_468, %broadcast_in_dim3A_321] : memref<512x8xf32, #tpu.memory_space<vmem>>[vector<16xi32>, vector<16xi32>], vector<16xf32>,
    %swap3A_470 = arith.constant 1 : i32
    %swap3A_471 = arith.index_cast %swap3A_470 : i32 to index
    %swap3A_472 = arith.constant 288 : index
    %swap3A_473 = tpu.vector_load %arg7[%swap3A_471, %swap3A_472] {strides = array<i32>} : memref<6x512xf32, #tpu.memory_space<vmem>>, vector<16xf32>,
    tpu.vector_store %arg7[%swap3A_471, %swap3A_472], %gather3A_469 {strides = array<i32>} : memref<6x512xf32, #tpu.memory_space<vmem>>, vector<16xf32>,
    %add3A_474 = arith.constant 304 : i32
    %add3A_475 = vector.broadcast %add3A_474 : i32 to vector<16xi32>
    %add3A_476 = arith.addi %iota3A, %add3A_475 : vector<16xi32>
    %gather3A_477 = tpu.vector_load_idx %arg6[%add3A_476, %broadcast_in_dim3A_321] : memref<512x8xf32, #tpu.memory_space<vmem>>[vector<16xi32>, vector<16xi32>], vector<16xf32>,
    %swap3A_478 = arith.constant 1 : i32
    %swap3A_479 = arith.index_cast %swap3A_478 : i32 to index
    %swap3A_480 = arith.constant 304 : index
    %swap3A_481 = tpu.vector_load %arg7[%swap3A_479, %swap3A_480] {strides = array<i32>} : memref<6x512xf32, #tpu.memory_space<vmem>>, vector<16xf32>,
    tpu.vector_store %arg7[%swap3A_479, %swap3A_480], %gather3A_477 {strides = array<i32>} : memref<6x512xf32, #tpu.memory_space<vmem>>, vector<16xf32>,
    %add3A_482 = arith.constant 320 : i32
    %add3A_483 = vector.broadcast %add3A_482 : i32 to vector<16xi32>
    %add3A_484 = arith.addi %iota3A, %add3A_483 : vector<16xi32>
    %gather3A_485 = tpu.vector_load_idx %arg6[%add3A_484, %broadcast_in_dim3A_321] : memref<512x8xf32, #tpu.memory_space<vmem>>[vector<16xi32>, vector<16xi32>], vector<16xf32>,
    %swap3A_486 = arith.constant 1 : i32
    %swap3A_487 = arith.index_cast %swap3A_486 : i32 to index
    %swap3A_488 = arith.constant 320 : index
    %swap3A_489 = tpu.vector_load %arg7[%swap3A_487, %swap3A_488] {strides = array<i32>} : memref<6x512xf32, #tpu.memory_space<vmem>>, vector<16xf32>,
    tpu.vector_store %arg7[%swap3A_487, %swap3A_488], %gather3A_485 {strides = array<i32>} : memref<6x512xf32, #tpu.memory_space<vmem>>, vector<16xf32>,
    %add3A_490 = arith.constant 336 : i32
    %add3A_491 = vector.broadcast %add3A_490 : i32 to vector<16xi32>
    %add3A_492 = arith.addi %iota3A, %add3A_491 : vector<16xi32>
    %gather3A_493 = tpu.vector_load_idx %arg6[%add3A_492, %broadcast_in_dim3A_321] : memref<512x8xf32, #tpu.memory_space<vmem>>[vector<16xi32>, vector<16xi32>], vector<16xf32>,
    %swap3A_494 = arith.constant 1 : i32
    %swap3A_495 = arith.index_cast %swap3A_494 : i32 to index
    %swap3A_496 = arith.constant 336 : index
    %swap3A_497 = tpu.vector_load %arg7[%swap3A_495, %swap3A_496] {strides = array<i32>} : memref<6x512xf32, #tpu.memory_space<vmem>>, vector<16xf32>,
    tpu.vector_store %arg7[%swap3A_495, %swap3A_496], %gather3A_493 {strides = array<i32>} : memref<6x512xf32, #tpu.memory_space<vmem>>, vector<16xf32>,
    %add3A_498 = arith.constant 352 : i32
    %add3A_499 = vector.broadcast %add3A_498 : i32 to vector<16xi32>
    %add3A_500 = arith.addi %iota3A, %add3A_499 : vector<16xi32>
    %gather3A_501 = tpu.vector_load_idx %arg6[%add3A_500, %broadcast_in_dim3A_321] : memref<512x8xf32, #tpu.memory_space<vmem>>[vector<16xi32>, vector<16xi32>], vector<16xf32>,
    %swap3A_502 = arith.constant 1 : i32
    %swap3A_503 = arith.index_cast %swap3A_502 : i32 to index
    %swap3A_504 = arith.constant 352 : index
    %swap3A_505 = tpu.vector_load %arg7[%swap3A_503, %swap3A_504] {strides = array<i32>} : memref<6x512xf32, #tpu.memory_space<vmem>>, vector<16xf32>,
    tpu.vector_store %arg7[%swap3A_503, %swap3A_504], %gather3A_501 {strides = array<i32>} : memref<6x512xf32, #tpu.memory_space<vmem>>, vector<16xf32>,
    %add3A_506 = arith.constant 368 : i32
    %add3A_507 = vector.broadcast %add3A_506 : i32 to vector<16xi32>
    %add3A_508 = arith.addi %iota3A, %add3A_507 : vector<16xi32>
    %gather3A_509 = tpu.vector_load_idx %arg6[%add3A_508, %broadcast_in_dim3A_321] : memref<512x8xf32, #tpu.memory_space<vmem>>[vector<16xi32>, vector<16xi32>], vector<16xf32>,
    %swap3A_510 = arith.constant 1 : i32
    %swap3A_511 = arith.index_cast %swap3A_510 : i32 to index
    %swap3A_512 = arith.constant 368 : index
    %swap3A_513 = tpu.vector_load %arg7[%swap3A_511, %swap3A_512] {strides = array<i32>} : memref<6x512xf32, #tpu.memory_space<vmem>>, vector<16xf32>,
    tpu.vector_store %arg7[%swap3A_511, %swap3A_512], %gather3A_509 {strides = array<i32>} : memref<6x512xf32, #tpu.memory_space<vmem>>, vector<16xf32>,
    %add3A_514 = arith.constant 384 : i32
    %add3A_515 = vector.broadcast %add3A_514 : i32 to vector<16xi32>
    %add3A_516 = arith.addi %iota3A, %add3A_515 : vector<16xi32>
    %gather3A_517 = tpu.vector_load_idx %arg6[%add3A_516, %broadcast_in_dim3A_321] : memref<512x8xf32, #tpu.memory_space<vmem>>[vector<16xi32>, vector<16xi32>], vector<16xf32>,
    %swap3A_518 = arith.constant 1 : i32
    %swap3A_519 = arith.index_cast %swap3A_518 : i32 to index
    %swap3A_520 = arith.constant 384 : index
    %swap3A_521 = tpu.vector_load %arg7[%swap3A_519, %swap3A_520] {strides = array<i32>} : memref<6x512xf32, #tpu.memory_space<vmem>>, vector<16xf32>,
    tpu.vector_store %arg7[%swap3A_519, %swap3A_520], %gather3A_517 {strides = array<i32>} : memref<6x512xf32, #tpu.memory_space<vmem>>, vector<16xf32>,
    %add3A_522 = arith.constant 400 : i32
    %add3A_523 = vector.broadcast %add3A_522 : i32 to vector<16xi32>
    %add3A_524 = arith.addi %iota3A, %add3A_523 : vector<16xi32>
    %gather3A_525 = tpu.vector_load_idx %arg6[%add3A_524, %broadcast_in_dim3A_321] : memref<512x8xf32, #tpu.memory_space<vmem>>[vector<16xi32>, vector<16xi32>], vector<16xf32>,
    %swap3A_526 = arith.constant 1 : i32
    %swap3A_527 = arith.index_cast %swap3A_526 : i32 to index
    %swap3A_528 = arith.constant 400 : index
    %swap3A_529 = tpu.vector_load %arg7[%swap3A_527, %swap3A_528] {strides = array<i32>} : memref<6x512xf32, #tpu.memory_space<vmem>>, vector<16xf32>,
    tpu.vector_store %arg7[%swap3A_527, %swap3A_528], %gather3A_525 {strides = array<i32>} : memref<6x512xf32, #tpu.memory_space<vmem>>, vector<16xf32>,
    %add3A_530 = arith.constant 416 : i32
    %add3A_531 = vector.broadcast %add3A_530 : i32 to vector<16xi32>
    %add3A_532 = arith.addi %iota3A, %add3A_531 : vector<16xi32>
    %gather3A_533 = tpu.vector_load_idx %arg6[%add3A_532, %broadcast_in_dim3A_321] : memref<512x8xf32, #tpu.memory_space<vmem>>[vector<16xi32>, vector<16xi32>], vector<16xf32>,
    %swap3A_534 = arith.constant 1 : i32
    %swap3A_535 = arith.index_cast %swap3A_534 : i32 to index
    %swap3A_536 = arith.constant 416 : index
    %swap3A_537 = tpu.vector_load %arg7[%swap3A_535, %swap3A_536] {strides = array<i32>} : memref<6x512xf32, #tpu.memory_space<vmem>>, vector<16xf32>,
    tpu.vector_store %arg7[%swap3A_535, %swap3A_536], %gather3A_533 {strides = array<i32>} : memref<6x512xf32, #tpu.memory_space<vmem>>, vector<16xf32>,
    %add3A_538 = arith.constant 432 : i32
    %add3A_539 = vector.broadcast %add3A_538 : i32 to vector<16xi32>
    %add3A_540 = arith.addi %iota3A, %add3A_539 : vector<16xi32>
    %gather3A_541 = tpu.vector_load_idx %arg6[%add3A_540, %broadcast_in_dim3A_321] : memref<512x8xf32, #tpu.memory_space<vmem>>[vector<16xi32>, vector<16xi32>], vector<16xf32>,
    %swap3A_542 = arith.constant 1 : i32
    %swap3A_543 = arith.index_cast %swap3A_542 : i32 to index
    %swap3A_544 = arith.constant 432 : index
    %swap3A_545 = tpu.vector_load %arg7[%swap3A_543, %swap3A_544] {strides = array<i32>} : memref<6x512xf32, #tpu.memory_space<vmem>>, vector<16xf32>,
    tpu.vector_store %arg7[%swap3A_543, %swap3A_544], %gather3A_541 {strides = array<i32>} : memref<6x512xf32, #tpu.memory_space<vmem>>, vector<16xf32>,
    %add3A_546 = arith.constant 448 : i32
    %add3A_547 = vector.broadcast %add3A_546 : i32 to vector<16xi32>
    %add3A_548 = arith.addi %iota3A, %add3A_547 : vector<16xi32>
    %gather3A_549 = tpu.vector_load_idx %arg6[%add3A_548, %broadcast_in_dim3A_321] : memref<512x8xf32, #tpu.memory_space<vmem>>[vector<16xi32>, vector<16xi32>], vector<16xf32>,
    %swap3A_550 = arith.constant 1 : i32
    %swap3A_551 = arith.index_cast %swap3A_550 : i32 to index
    %swap3A_552 = arith.constant 448 : index
    %swap3A_553 = tpu.vector_load %arg7[%swap3A_551, %swap3A_552] {strides = array<i32>} : memref<6x512xf32, #tpu.memory_space<vmem>>, vector<16xf32>,
    tpu.vector_store %arg7[%swap3A_551, %swap3A_552], %gather3A_549 {strides = array<i32>} : memref<6x512xf32, #tpu.memory_space<vmem>>, vector<16xf32>,
    %add3A_554 = arith.constant 464 : i32
    %add3A_555 = vector.broadcast %add3A_554 : i32 to vector<16xi32>
    %add3A_556 = arith.addi %iota3A, %add3A_555 : vector<16xi32>
    %gather3A_557 = tpu.vector_load_idx %arg6[%add3A_556, %broadcast_in_dim3A_321] : memref<512x8xf32, #tpu.memory_space<vmem>>[vector<16xi32>, vector<16xi32>], vector<16xf32>,
    %swap3A_558 = arith.constant 1 : i32
    %swap3A_559 = arith.index_cast %swap3A_558 : i32 to index
    %swap3A_560 = arith.constant 464 : index
    %swap3A_561 = tpu.vector_load %arg7[%swap3A_559, %swap3A_560] {strides = array<i32>} : memref<6x512xf32, #tpu.memory_space<vmem>>, vector<16xf32>,
    tpu.vector_store %arg7[%swap3A_559, %swap3A_560], %gather3A_557 {strides = array<i32>} : memref<6x512xf32, #tpu.memory_space<vmem>>, vector<16xf32>,
    %add3A_562 = arith.constant 480 : i32
    %add3A_563 = vector.broadcast %add3A_562 : i32 to vector<16xi32>
    %add3A_564 = arith.addi %iota3A, %add3A_563 : vector<16xi32>
    %gather3A_565 = tpu.vector_load_idx %arg6[%add3A_564, %broadcast_in_dim3A_321] : memref<512x8xf32, #tpu.memory_space<vmem>>[vector<16xi32>, vector<16xi32>], vector<16xf32>,
    %swap3A_566 = arith.constant 1 : i32
    %swap3A_567 = arith.index_cast %swap3A_566 : i32 to index
    %swap3A_568 = arith.constant 480 : index
    %swap3A_569 = tpu.vector_load %arg7[%swap3A_567, %swap3A_568] {strides = array<i32>} : memref<6x512xf32, #tpu.memory_space<vmem>>, vector<16xf32>,
    tpu.vector_store %arg7[%swap3A_567, %swap3A_568], %gather3A_565 {strides = array<i32>} : memref<6x512xf32, #tpu.memory_space<vmem>>, vector<16xf32>,
    %add3A_570 = arith.constant 496 : i32
    %add3A_571 = vector.broadcast %add3A_570 : i32 to vector<16xi32>
    %add3A_572 = arith.addi %iota3A, %add3A_571 : vector<16xi32>
    %gather3A_573 = tpu.vector_load_idx %arg6[%add3A_572, %broadcast_in_dim3A_321] : memref<512x8xf32, #tpu.memory_space<vmem>>[vector<16xi32>, vector<16xi32>], vector<16xf32>,
    %swap3A_574 = arith.constant 1 : i32
    %swap3A_575 = arith.index_cast %swap3A_574 : i32 to index
    %swap3A_576 = arith.constant 496 : index
    %swap3A_577 = tpu.vector_load %arg7[%swap3A_575, %swap3A_576] {strides = array<i32>} : memref<6x512xf32, #tpu.memory_space<vmem>>, vector<16xf32>,
    tpu.vector_store %arg7[%swap3A_575, %swap3A_576], %gather3A_573 {strides = array<i32>} : memref<6x512xf32, #tpu.memory_space<vmem>>, vector<16xf32>,
    %broadcast_in_dim3A_578 = arith.constant 2 : i32
    %broadcast_in_dim3A_579 = vector.broadcast %broadcast_in_dim3A_578 : i32 to vector<16xi32>
    %add3A_580 = arith.constant 0 : i32
    %add3A_581 = vector.broadcast %add3A_580 : i32 to vector<16xi32>
    %add3A_582 = arith.addi %iota3A, %add3A_581 : vector<16xi32>
    %gather3A_583 = tpu.vector_load_idx %arg6[%add3A_582, %broadcast_in_dim3A_579] : memref<512x8xf32, #tpu.memory_space<vmem>>[vector<16xi32>, vector<16xi32>], vector<16xf32>,
    %swap3A_584 = arith.constant 2 : i32
    %swap3A_585 = arith.index_cast %swap3A_584 : i32 to index
    %swap3A_586 = arith.constant 0 : index
    %swap3A_587 = tpu.vector_load %arg7[%swap3A_585, %swap3A_586] {strides = array<i32>} : memref<6x512xf32, #tpu.memory_space<vmem>>, vector<16xf32>,
    tpu.vector_store %arg7[%swap3A_585, %swap3A_586], %gather3A_583 {strides = array<i32>} : memref<6x512xf32, #tpu.memory_space<vmem>>, vector<16xf32>,
    %add3A_588 = arith.constant 16 : i32
    %add3A_589 = vector.broadcast %add3A_588 : i32 to vector<16xi32>
    %add3A_590 = arith.addi %iota3A, %add3A_589 : vector<16xi32>
    %gather3A_591 = tpu.vector_load_idx %arg6[%add3A_590, %broadcast_in_dim3A_579] : memref<512x8xf32, #tpu.memory_space<vmem>>[vector<16xi32>, vector<16xi32>], vector<16xf32>,
    %swap3A_592 = arith.constant 2 : i32
    %swap3A_593 = arith.index_cast %swap3A_592 : i32 to index
    %swap3A_594 = arith.constant 16 : index
    %swap3A_595 = tpu.vector_load %arg7[%swap3A_593, %swap3A_594] {strides = array<i32>} : memref<6x512xf32, #tpu.memory_space<vmem>>, vector<16xf32>,
    tpu.vector_store %arg7[%swap3A_593, %swap3A_594], %gather3A_591 {strides = array<i32>} : memref<6x512xf32, #tpu.memory_space<vmem>>, vector<16xf32>,
    %add3A_596 = arith.constant 32 : i32
    %add3A_597 = vector.broadcast %add3A_596 : i32 to vector<16xi32>
    %add3A_598 = arith.addi %iota3A, %add3A_597 : vector<16xi32>
    %gather3A_599 = tpu.vector_load_idx %arg6[%add3A_598, %broadcast_in_dim3A_579] : memref<512x8xf32, #tpu.memory_space<vmem>>[vector<16xi32>, vector<16xi32>], vector<16xf32>,
    %swap3A_600 = arith.constant 2 : i32
    %swap3A_601 = arith.index_cast %swap3A_600 : i32 to index
    %swap3A_602 = arith.constant 32 : index
    %swap3A_603 = tpu.vector_load %arg7[%swap3A_601, %swap3A_602] {strides = array<i32>} : memref<6x512xf32, #tpu.memory_space<vmem>>, vector<16xf32>,
    tpu.vector_store %arg7[%swap3A_601, %swap3A_602], %gather3A_599 {strides = array<i32>} : memref<6x512xf32, #tpu.memory_space<vmem>>, vector<16xf32>,
    %add3A_604 = arith.constant 48 : i32
    %add3A_605 = vector.broadcast %add3A_604 : i32 to vector<16xi32>
    %add3A_606 = arith.addi %iota3A, %add3A_605 : vector<16xi32>
    %gather3A_607 = tpu.vector_load_idx %arg6[%add3A_606, %broadcast_in_dim3A_579] : memref<512x8xf32, #tpu.memory_space<vmem>>[vector<16xi32>, vector<16xi32>], vector<16xf32>,
    %swap3A_608 = arith.constant 2 : i32
    %swap3A_609 = arith.index_cast %swap3A_608 : i32 to index
    %swap3A_610 = arith.constant 48 : index
    %swap3A_611 = tpu.vector_load %arg7[%swap3A_609, %swap3A_610] {strides = array<i32>} : memref<6x512xf32, #tpu.memory_space<vmem>>, vector<16xf32>,
    tpu.vector_store %arg7[%swap3A_609, %swap3A_610], %gather3A_607 {strides = array<i32>} : memref<6x512xf32, #tpu.memory_space<vmem>>, vector<16xf32>,
    %add3A_612 = arith.constant 64 : i32
    %add3A_613 = vector.broadcast %add3A_612 : i32 to vector<16xi32>
    %add3A_614 = arith.addi %iota3A, %add3A_613 : vector<16xi32>
    %gather3A_615 = tpu.vector_load_idx %arg6[%add3A_614, %broadcast_in_dim3A_579] : memref<512x8xf32, #tpu.memory_space<vmem>>[vector<16xi32>, vector<16xi32>], vector<16xf32>,
    %swap3A_616 = arith.constant 2 : i32
    %swap3A_617 = arith.index_cast %swap3A_616 : i32 to index
    %swap3A_618 = arith.constant 64 : index
    %swap3A_619 = tpu.vector_load %arg7[%swap3A_617, %swap3A_618] {strides = array<i32>} : memref<6x512xf32, #tpu.memory_space<vmem>>, vector<16xf32>,
    tpu.vector_store %arg7[%swap3A_617, %swap3A_618], %gather3A_615 {strides = array<i32>} : memref<6x512xf32, #tpu.memory_space<vmem>>, vector<16xf32>,
    %add3A_620 = arith.constant 80 : i32
    %add3A_621 = vector.broadcast %add3A_620 : i32 to vector<16xi32>
    %add3A_622 = arith.addi %iota3A, %add3A_621 : vector<16xi32>
    %gather3A_623 = tpu.vector_load_idx %arg6[%add3A_622, %broadcast_in_dim3A_579] : memref<512x8xf32, #tpu.memory_space<vmem>>[vector<16xi32>, vector<16xi32>], vector<16xf32>,
    %swap3A_624 = arith.constant 2 : i32
    %swap3A_625 = arith.index_cast %swap3A_624 : i32 to index
    %swap3A_626 = arith.constant 80 : index
    %swap3A_627 = tpu.vector_load %arg7[%swap3A_625, %swap3A_626] {strides = array<i32>} : memref<6x512xf32, #tpu.memory_space<vmem>>, vector<16xf32>,
    tpu.vector_store %arg7[%swap3A_625, %swap3A_626], %gather3A_623 {strides = array<i32>} : memref<6x512xf32, #tpu.memory_space<vmem>>, vector<16xf32>,
    %add3A_628 = arith.constant 96 : i32
    %add3A_629 = vector.broadcast %add3A_628 : i32 to vector<16xi32>
    %add3A_630 = arith.addi %iota3A, %add3A_629 : vector<16xi32>
    %gather3A_631 = tpu.vector_load_idx %arg6[%add3A_630, %broadcast_in_dim3A_579] : memref<512x8xf32, #tpu.memory_space<vmem>>[vector<16xi32>, vector<16xi32>], vector<16xf32>,
    %swap3A_632 = arith.constant 2 : i32
    %swap3A_633 = arith.index_cast %swap3A_632 : i32 to index
    %swap3A_634 = arith.constant 96 : index
    %swap3A_635 = tpu.vector_load %arg7[%swap3A_633, %swap3A_634] {strides = array<i32>} : memref<6x512xf32, #tpu.memory_space<vmem>>, vector<16xf32>,
    tpu.vector_store %arg7[%swap3A_633, %swap3A_634], %gather3A_631 {strides = array<i32>} : memref<6x512xf32, #tpu.memory_space<vmem>>, vector<16xf32>,
    %add3A_636 = arith.constant 112 : i32
    %add3A_637 = vector.broadcast %add3A_636 : i32 to vector<16xi32>
    %add3A_638 = arith.addi %iota3A, %add3A_637 : vector<16xi32>
    %gather3A_639 = tpu.vector_load_idx %arg6[%add3A_638, %broadcast_in_dim3A_579] : memref<512x8xf32, #tpu.memory_space<vmem>>[vector<16xi32>, vector<16xi32>], vector<16xf32>,
    %swap3A_640 = arith.constant 2 : i32
    %swap3A_641 = arith.index_cast %swap3A_640 : i32 to index
    %swap3A_642 = arith.constant 112 : index
    %swap3A_643 = tpu.vector_load %arg7[%swap3A_641, %swap3A_642] {strides = array<i32>} : memref<6x512xf32, #tpu.memory_space<vmem>>, vector<16xf32>,
    tpu.vector_store %arg7[%swap3A_641, %swap3A_642], %gather3A_639 {strides = array<i32>} : memref<6x512xf32, #tpu.memory_space<vmem>>, vector<16xf32>,
    %add3A_644 = arith.constant 128 : i32
    %add3A_645 = vector.broadcast %add3A_644 : i32 to vector<16xi32>
    %add3A_646 = arith.addi %iota3A, %add3A_645 : vector<16xi32>
    %gather3A_647 = tpu.vector_load_idx %arg6[%add3A_646, %broadcast_in_dim3A_579] : memref<512x8xf32, #tpu.memory_space<vmem>>[vector<16xi32>, vector<16xi32>], vector<16xf32>,
    %swap3A_648 = arith.constant 2 : i32
    %swap3A_649 = arith.index_cast %swap3A_648 : i32 to index
    %swap3A_650 = arith.constant 128 : index
    %swap3A_651 = tpu.vector_load %arg7[%swap3A_649, %swap3A_650] {strides = array<i32>} : memref<6x512xf32, #tpu.memory_space<vmem>>, vector<16xf32>,
    tpu.vector_store %arg7[%swap3A_649, %swap3A_650], %gather3A_647 {strides = array<i32>} : memref<6x512xf32, #tpu.memory_space<vmem>>, vector<16xf32>,
    %add3A_652 = arith.constant 144 : i32
    %add3A_653 = vector.broadcast %add3A_652 : i32 to vector<16xi32>
    %add3A_654 = arith.addi %iota3A, %add3A_653 : vector<16xi32>
    %gather3A_655 = tpu.vector_load_idx %arg6[%add3A_654, %broadcast_in_dim3A_579] : memref<512x8xf32, #tpu.memory_space<vmem>>[vector<16xi32>, vector<16xi32>], vector<16xf32>,
    %swap3A_656 = arith.constant 2 : i32
    %swap3A_657 = arith.index_cast %swap3A_656 : i32 to index
    %swap3A_658 = arith.constant 144 : index
    %swap3A_659 = tpu.vector_load %arg7[%swap3A_657, %swap3A_658] {strides = array<i32>} : memref<6x512xf32, #tpu.memory_space<vmem>>, vector<16xf32>,
    tpu.vector_store %arg7[%swap3A_657, %swap3A_658], %gather3A_655 {strides = array<i32>} : memref<6x512xf32, #tpu.memory_space<vmem>>, vector<16xf32>,
    %add3A_660 = arith.constant 160 : i32
    %add3A_661 = vector.broadcast %add3A_660 : i32 to vector<16xi32>
    %add3A_662 = arith.addi %iota3A, %add3A_661 : vector<16xi32>
    %gather3A_663 = tpu.vector_load_idx %arg6[%add3A_662, %broadcast_in_dim3A_579] : memref<512x8xf32, #tpu.memory_space<vmem>>[vector<16xi32>, vector<16xi32>], vector<16xf32>,
    %swap3A_664 = arith.constant 2 : i32
    %swap3A_665 = arith.index_cast %swap3A_664 : i32 to index
    %swap3A_666 = arith.constant 160 : index
    %swap3A_667 = tpu.vector_load %arg7[%swap3A_665, %swap3A_666] {strides = array<i32>} : memref<6x512xf32, #tpu.memory_space<vmem>>, vector<16xf32>,
    tpu.vector_store %arg7[%swap3A_665, %swap3A_666], %gather3A_663 {strides = array<i32>} : memref<6x512xf32, #tpu.memory_space<vmem>>, vector<16xf32>,
    %add3A_668 = arith.constant 176 : i32
    %add3A_669 = vector.broadcast %add3A_668 : i32 to vector<16xi32>
    %add3A_670 = arith.addi %iota3A, %add3A_669 : vector<16xi32>
    %gather3A_671 = tpu.vector_load_idx %arg6[%add3A_670, %broadcast_in_dim3A_579] : memref<512x8xf32, #tpu.memory_space<vmem>>[vector<16xi32>, vector<16xi32>], vector<16xf32>,
    %swap3A_672 = arith.constant 2 : i32
    %swap3A_673 = arith.index_cast %swap3A_672 : i32 to index
    %swap3A_674 = arith.constant 176 : index
    %swap3A_675 = tpu.vector_load %arg7[%swap3A_673, %swap3A_674] {strides = array<i32>} : memref<6x512xf32, #tpu.memory_space<vmem>>, vector<16xf32>,
    tpu.vector_store %arg7[%swap3A_673, %swap3A_674], %gather3A_671 {strides = array<i32>} : memref<6x512xf32, #tpu.memory_space<vmem>>, vector<16xf32>,
    %add3A_676 = arith.constant 192 : i32
    %add3A_677 = vector.broadcast %add3A_676 : i32 to vector<16xi32>
    %add3A_678 = arith.addi %iota3A, %add3A_677 : vector<16xi32>
    %gather3A_679 = tpu.vector_load_idx %arg6[%add3A_678, %broadcast_in_dim3A_579] : memref<512x8xf32, #tpu.memory_space<vmem>>[vector<16xi32>, vector<16xi32>], vector<16xf32>,
    %swap3A_680 = arith.constant 2 : i32
    %swap3A_681 = arith.index_cast %swap3A_680 : i32 to index
    %swap3A_682 = arith.constant 192 : index
    %swap3A_683 = tpu.vector_load %arg7[%swap3A_681, %swap3A_682] {strides = array<i32>} : memref<6x512xf32, #tpu.memory_space<vmem>>, vector<16xf32>,
    tpu.vector_store %arg7[%swap3A_681, %swap3A_682], %gather3A_679 {strides = array<i32>} : memref<6x512xf32, #tpu.memory_space<vmem>>, vector<16xf32>,
    %add3A_684 = arith.constant 208 : i32
    %add3A_685 = vector.broadcast %add3A_684 : i32 to vector<16xi32>
    %add3A_686 = arith.addi %iota3A, %add3A_685 : vector<16xi32>
    %gather3A_687 = tpu.vector_load_idx %arg6[%add3A_686, %broadcast_in_dim3A_579] : memref<512x8xf32, #tpu.memory_space<vmem>>[vector<16xi32>, vector<16xi32>], vector<16xf32>,
    %swap3A_688 = arith.constant 2 : i32
    %swap3A_689 = arith.index_cast %swap3A_688 : i32 to index
    %swap3A_690 = arith.constant 208 : index
    %swap3A_691 = tpu.vector_load %arg7[%swap3A_689, %swap3A_690] {strides = array<i32>} : memref<6x512xf32, #tpu.memory_space<vmem>>, vector<16xf32>,
    tpu.vector_store %arg7[%swap3A_689, %swap3A_690], %gather3A_687 {strides = array<i32>} : memref<6x512xf32, #tpu.memory_space<vmem>>, vector<16xf32>,
    %add3A_692 = arith.constant 224 : i32
    %add3A_693 = vector.broadcast %add3A_692 : i32 to vector<16xi32>
    %add3A_694 = arith.addi %iota3A, %add3A_693 : vector<16xi32>
    %gather3A_695 = tpu.vector_load_idx %arg6[%add3A_694, %broadcast_in_dim3A_579] : memref<512x8xf32, #tpu.memory_space<vmem>>[vector<16xi32>, vector<16xi32>], vector<16xf32>,
    %swap3A_696 = arith.constant 2 : i32
    %swap3A_697 = arith.index_cast %swap3A_696 : i32 to index
    %swap3A_698 = arith.constant 224 : index
    %swap3A_699 = tpu.vector_load %arg7[%swap3A_697, %swap3A_698] {strides = array<i32>} : memref<6x512xf32, #tpu.memory_space<vmem>>, vector<16xf32>,
    tpu.vector_store %arg7[%swap3A_697, %swap3A_698], %gather3A_695 {strides = array<i32>} : memref<6x512xf32, #tpu.memory_space<vmem>>, vector<16xf32>,
    %add3A_700 = arith.constant 240 : i32
    %add3A_701 = vector.broadcast %add3A_700 : i32 to vector<16xi32>
    %add3A_702 = arith.addi %iota3A, %add3A_701 : vector<16xi32>
    %gather3A_703 = tpu.vector_load_idx %arg6[%add3A_702, %broadcast_in_dim3A_579] : memref<512x8xf32, #tpu.memory_space<vmem>>[vector<16xi32>, vector<16xi32>], vector<16xf32>,
    %swap3A_704 = arith.constant 2 : i32
    %swap3A_705 = arith.index_cast %swap3A_704 : i32 to index
    %swap3A_706 = arith.constant 240 : index
    %swap3A_707 = tpu.vector_load %arg7[%swap3A_705, %swap3A_706] {strides = array<i32>} : memref<6x512xf32, #tpu.memory_space<vmem>>, vector<16xf32>,
    tpu.vector_store %arg7[%swap3A_705, %swap3A_706], %gather3A_703 {strides = array<i32>} : memref<6x512xf32, #tpu.memory_space<vmem>>, vector<16xf32>,
    %add3A_708 = arith.constant 256 : i32
    %add3A_709 = vector.broadcast %add3A_708 : i32 to vector<16xi32>
    %add3A_710 = arith.addi %iota3A, %add3A_709 : vector<16xi32>
    %gather3A_711 = tpu.vector_load_idx %arg6[%add3A_710, %broadcast_in_dim3A_579] : memref<512x8xf32, #tpu.memory_space<vmem>>[vector<16xi32>, vector<16xi32>], vector<16xf32>,
    %swap3A_712 = arith.constant 2 : i32
    %swap3A_713 = arith.index_cast %swap3A_712 : i32 to index
    %swap3A_714 = arith.constant 256 : index
    %swap3A_715 = tpu.vector_load %arg7[%swap3A_713, %swap3A_714] {strides = array<i32>} : memref<6x512xf32, #tpu.memory_space<vmem>>, vector<16xf32>,
    tpu.vector_store %arg7[%swap3A_713, %swap3A_714], %gather3A_711 {strides = array<i32>} : memref<6x512xf32, #tpu.memory_space<vmem>>, vector<16xf32>,
    %add3A_716 = arith.constant 272 : i32
    %add3A_717 = vector.broadcast %add3A_716 : i32 to vector<16xi32>
    %add3A_718 = arith.addi %iota3A, %add3A_717 : vector<16xi32>
    %gather3A_719 = tpu.vector_load_idx %arg6[%add3A_718, %broadcast_in_dim3A_579] : memref<512x8xf32, #tpu.memory_space<vmem>>[vector<16xi32>, vector<16xi32>], vector<16xf32>,
    %swap3A_720 = arith.constant 2 : i32
    %swap3A_721 = arith.index_cast %swap3A_720 : i32 to index
    %swap3A_722 = arith.constant 272 : index
    %swap3A_723 = tpu.vector_load %arg7[%swap3A_721, %swap3A_722] {strides = array<i32>} : memref<6x512xf32, #tpu.memory_space<vmem>>, vector<16xf32>,
    tpu.vector_store %arg7[%swap3A_721, %swap3A_722], %gather3A_719 {strides = array<i32>} : memref<6x512xf32, #tpu.memory_space<vmem>>, vector<16xf32>,
    %add3A_724 = arith.constant 288 : i32
    %add3A_725 = vector.broadcast %add3A_724 : i32 to vector<16xi32>
    %add3A_726 = arith.addi %iota3A, %add3A_725 : vector<16xi32>
    %gather3A_727 = tpu.vector_load_idx %arg6[%add3A_726, %broadcast_in_dim3A_579] : memref<512x8xf32, #tpu.memory_space<vmem>>[vector<16xi32>, vector<16xi32>], vector<16xf32>,
    %swap3A_728 = arith.constant 2 : i32
    %swap3A_729 = arith.index_cast %swap3A_728 : i32 to index
    %swap3A_730 = arith.constant 288 : index
    %swap3A_731 = tpu.vector_load %arg7[%swap3A_729, %swap3A_730] {strides = array<i32>} : memref<6x512xf32, #tpu.memory_space<vmem>>, vector<16xf32>,
    tpu.vector_store %arg7[%swap3A_729, %swap3A_730], %gather3A_727 {strides = array<i32>} : memref<6x512xf32, #tpu.memory_space<vmem>>, vector<16xf32>,
    %add3A_732 = arith.constant 304 : i32
    %add3A_733 = vector.broadcast %add3A_732 : i32 to vector<16xi32>
    %add3A_734 = arith.addi %iota3A, %add3A_733 : vector<16xi32>
    %gather3A_735 = tpu.vector_load_idx %arg6[%add3A_734, %broadcast_in_dim3A_579] : memref<512x8xf32, #tpu.memory_space<vmem>>[vector<16xi32>, vector<16xi32>], vector<16xf32>,
    %swap3A_736 = arith.constant 2 : i32
    %swap3A_737 = arith.index_cast %swap3A_736 : i32 to index
    %swap3A_738 = arith.constant 304 : index
    %swap3A_739 = tpu.vector_load %arg7[%swap3A_737, %swap3A_738] {strides = array<i32>} : memref<6x512xf32, #tpu.memory_space<vmem>>, vector<16xf32>,
    tpu.vector_store %arg7[%swap3A_737, %swap3A_738], %gather3A_735 {strides = array<i32>} : memref<6x512xf32, #tpu.memory_space<vmem>>, vector<16xf32>,
    %add3A_740 = arith.constant 320 : i32
    %add3A_741 = vector.broadcast %add3A_740 : i32 to vector<16xi32>
    %add3A_742 = arith.addi %iota3A, %add3A_741 : vector<16xi32>
    %gather3A_743 = tpu.vector_load_idx %arg6[%add3A_742, %broadcast_in_dim3A_579] : memref<512x8xf32, #tpu.memory_space<vmem>>[vector<16xi32>, vector<16xi32>], vector<16xf32>,
    %swap3A_744 = arith.constant 2 : i32
    %swap3A_745 = arith.index_cast %swap3A_744 : i32 to index
    %swap3A_746 = arith.constant 320 : index
    %swap3A_747 = tpu.vector_load %arg7[%swap3A_745, %swap3A_746] {strides = array<i32>} : memref<6x512xf32, #tpu.memory_space<vmem>>, vector<16xf32>,
    tpu.vector_store %arg7[%swap3A_745, %swap3A_746], %gather3A_743 {strides = array<i32>} : memref<6x512xf32, #tpu.memory_space<vmem>>, vector<16xf32>,
    %add3A_748 = arith.constant 336 : i32
    %add3A_749 = vector.broadcast %add3A_748 : i32 to vector<16xi32>
    %add3A_750 = arith.addi %iota3A, %add3A_749 : vector<16xi32>
    %gather3A_751 = tpu.vector_load_idx %arg6[%add3A_750, %broadcast_in_dim3A_579] : memref<512x8xf32, #tpu.memory_space<vmem>>[vector<16xi32>, vector<16xi32>], vector<16xf32>,
    %swap3A_752 = arith.constant 2 : i32
    %swap3A_753 = arith.index_cast %swap3A_752 : i32 to index
    %swap3A_754 = arith.constant 336 : index
    %swap3A_755 = tpu.vector_load %arg7[%swap3A_753, %swap3A_754] {strides = array<i32>} : memref<6x512xf32, #tpu.memory_space<vmem>>, vector<16xf32>,
    tpu.vector_store %arg7[%swap3A_753, %swap3A_754], %gather3A_751 {strides = array<i32>} : memref<6x512xf32, #tpu.memory_space<vmem>>, vector<16xf32>,
    %add3A_756 = arith.constant 352 : i32
    %add3A_757 = vector.broadcast %add3A_756 : i32 to vector<16xi32>
    %add3A_758 = arith.addi %iota3A, %add3A_757 : vector<16xi32>
    %gather3A_759 = tpu.vector_load_idx %arg6[%add3A_758, %broadcast_in_dim3A_579] : memref<512x8xf32, #tpu.memory_space<vmem>>[vector<16xi32>, vector<16xi32>], vector<16xf32>,
    %swap3A_760 = arith.constant 2 : i32
    %swap3A_761 = arith.index_cast %swap3A_760 : i32 to index
    %swap3A_762 = arith.constant 352 : index
    %swap3A_763 = tpu.vector_load %arg7[%swap3A_761, %swap3A_762] {strides = array<i32>} : memref<6x512xf32, #tpu.memory_space<vmem>>, vector<16xf32>,
    tpu.vector_store %arg7[%swap3A_761, %swap3A_762], %gather3A_759 {strides = array<i32>} : memref<6x512xf32, #tpu.memory_space<vmem>>, vector<16xf32>,
    %add3A_764 = arith.constant 368 : i32
    %add3A_765 = vector.broadcast %add3A_764 : i32 to vector<16xi32>
    %add3A_766 = arith.addi %iota3A, %add3A_765 : vector<16xi32>
    %gather3A_767 = tpu.vector_load_idx %arg6[%add3A_766, %broadcast_in_dim3A_579] : memref<512x8xf32, #tpu.memory_space<vmem>>[vector<16xi32>, vector<16xi32>], vector<16xf32>,
    %swap3A_768 = arith.constant 2 : i32
    %swap3A_769 = arith.index_cast %swap3A_768 : i32 to index
    %swap3A_770 = arith.constant 368 : index
    %swap3A_771 = tpu.vector_load %arg7[%swap3A_769, %swap3A_770] {strides = array<i32>} : memref<6x512xf32, #tpu.memory_space<vmem>>, vector<16xf32>,
    tpu.vector_store %arg7[%swap3A_769, %swap3A_770], %gather3A_767 {strides = array<i32>} : memref<6x512xf32, #tpu.memory_space<vmem>>, vector<16xf32>,
    %add3A_772 = arith.constant 384 : i32
    %add3A_773 = vector.broadcast %add3A_772 : i32 to vector<16xi32>
    %add3A_774 = arith.addi %iota3A, %add3A_773 : vector<16xi32>
    %gather3A_775 = tpu.vector_load_idx %arg6[%add3A_774, %broadcast_in_dim3A_579] : memref<512x8xf32, #tpu.memory_space<vmem>>[vector<16xi32>, vector<16xi32>], vector<16xf32>,
    %swap3A_776 = arith.constant 2 : i32
    %swap3A_777 = arith.index_cast %swap3A_776 : i32 to index
    %swap3A_778 = arith.constant 384 : index
    %swap3A_779 = tpu.vector_load %arg7[%swap3A_777, %swap3A_778] {strides = array<i32>} : memref<6x512xf32, #tpu.memory_space<vmem>>, vector<16xf32>,
    tpu.vector_store %arg7[%swap3A_777, %swap3A_778], %gather3A_775 {strides = array<i32>} : memref<6x512xf32, #tpu.memory_space<vmem>>, vector<16xf32>,
    %add3A_780 = arith.constant 400 : i32
    %add3A_781 = vector.broadcast %add3A_780 : i32 to vector<16xi32>
    %add3A_782 = arith.addi %iota3A, %add3A_781 : vector<16xi32>
    %gather3A_783 = tpu.vector_load_idx %arg6[%add3A_782, %broadcast_in_dim3A_579] : memref<512x8xf32, #tpu.memory_space<vmem>>[vector<16xi32>, vector<16xi32>], vector<16xf32>,
    %swap3A_784 = arith.constant 2 : i32
    %swap3A_785 = arith.index_cast %swap3A_784 : i32 to index
    %swap3A_786 = arith.constant 400 : index
    %swap3A_787 = tpu.vector_load %arg7[%swap3A_785, %swap3A_786] {strides = array<i32>} : memref<6x512xf32, #tpu.memory_space<vmem>>, vector<16xf32>,
    tpu.vector_store %arg7[%swap3A_785, %swap3A_786], %gather3A_783 {strides = array<i32>} : memref<6x512xf32, #tpu.memory_space<vmem>>, vector<16xf32>,
    %add3A_788 = arith.constant 416 : i32
    %add3A_789 = vector.broadcast %add3A_788 : i32 to vector<16xi32>
    %add3A_790 = arith.addi %iota3A, %add3A_789 : vector<16xi32>
    %gather3A_791 = tpu.vector_load_idx %arg6[%add3A_790, %broadcast_in_dim3A_579] : memref<512x8xf32, #tpu.memory_space<vmem>>[vector<16xi32>, vector<16xi32>], vector<16xf32>,
    %swap3A_792 = arith.constant 2 : i32
    %swap3A_793 = arith.index_cast %swap3A_792 : i32 to index
    %swap3A_794 = arith.constant 416 : index
    %swap3A_795 = tpu.vector_load %arg7[%swap3A_793, %swap3A_794] {strides = array<i32>} : memref<6x512xf32, #tpu.memory_space<vmem>>, vector<16xf32>,
    tpu.vector_store %arg7[%swap3A_793, %swap3A_794], %gather3A_791 {strides = array<i32>} : memref<6x512xf32, #tpu.memory_space<vmem>>, vector<16xf32>,
    %add3A_796 = arith.constant 432 : i32
    %add3A_797 = vector.broadcast %add3A_796 : i32 to vector<16xi32>
    %add3A_798 = arith.addi %iota3A, %add3A_797 : vector<16xi32>
    %gather3A_799 = tpu.vector_load_idx %arg6[%add3A_798, %broadcast_in_dim3A_579] : memref<512x8xf32, #tpu.memory_space<vmem>>[vector<16xi32>, vector<16xi32>], vector<16xf32>,
    %swap3A_800 = arith.constant 2 : i32
    %swap3A_801 = arith.index_cast %swap3A_800 : i32 to index
    %swap3A_802 = arith.constant 432 : index
    %swap3A_803 = tpu.vector_load %arg7[%swap3A_801, %swap3A_802] {strides = array<i32>} : memref<6x512xf32, #tpu.memory_space<vmem>>, vector<16xf32>,
    tpu.vector_store %arg7[%swap3A_801, %swap3A_802], %gather3A_799 {strides = array<i32>} : memref<6x512xf32, #tpu.memory_space<vmem>>, vector<16xf32>,
    %add3A_804 = arith.constant 448 : i32
    %add3A_805 = vector.broadcast %add3A_804 : i32 to vector<16xi32>
    %add3A_806 = arith.addi %iota3A, %add3A_805 : vector<16xi32>
    %gather3A_807 = tpu.vector_load_idx %arg6[%add3A_806, %broadcast_in_dim3A_579] : memref<512x8xf32, #tpu.memory_space<vmem>>[vector<16xi32>, vector<16xi32>], vector<16xf32>,
    %swap3A_808 = arith.constant 2 : i32
    %swap3A_809 = arith.index_cast %swap3A_808 : i32 to index
    %swap3A_810 = arith.constant 448 : index
    %swap3A_811 = tpu.vector_load %arg7[%swap3A_809, %swap3A_810] {strides = array<i32>} : memref<6x512xf32, #tpu.memory_space<vmem>>, vector<16xf32>,
    tpu.vector_store %arg7[%swap3A_809, %swap3A_810], %gather3A_807 {strides = array<i32>} : memref<6x512xf32, #tpu.memory_space<vmem>>, vector<16xf32>,
    %add3A_812 = arith.constant 464 : i32
    %add3A_813 = vector.broadcast %add3A_812 : i32 to vector<16xi32>
    %add3A_814 = arith.addi %iota3A, %add3A_813 : vector<16xi32>
    %gather3A_815 = tpu.vector_load_idx %arg6[%add3A_814, %broadcast_in_dim3A_579] : memref<512x8xf32, #tpu.memory_space<vmem>>[vector<16xi32>, vector<16xi32>], vector<16xf32>,
    %swap3A_816 = arith.constant 2 : i32
    %swap3A_817 = arith.index_cast %swap3A_816 : i32 to index
    %swap3A_818 = arith.constant 464 : index
    %swap3A_819 = tpu.vector_load %arg7[%swap3A_817, %swap3A_818] {strides = array<i32>} : memref<6x512xf32, #tpu.memory_space<vmem>>, vector<16xf32>,
    tpu.vector_store %arg7[%swap3A_817, %swap3A_818], %gather3A_815 {strides = array<i32>} : memref<6x512xf32, #tpu.memory_space<vmem>>, vector<16xf32>,
    %add3A_820 = arith.constant 480 : i32
    %add3A_821 = vector.broadcast %add3A_820 : i32 to vector<16xi32>
    %add3A_822 = arith.addi %iota3A, %add3A_821 : vector<16xi32>
    %gather3A_823 = tpu.vector_load_idx %arg6[%add3A_822, %broadcast_in_dim3A_579] : memref<512x8xf32, #tpu.memory_space<vmem>>[vector<16xi32>, vector<16xi32>], vector<16xf32>,
    %swap3A_824 = arith.constant 2 : i32
    %swap3A_825 = arith.index_cast %swap3A_824 : i32 to index
    %swap3A_826 = arith.constant 480 : index
    %swap3A_827 = tpu.vector_load %arg7[%swap3A_825, %swap3A_826] {strides = array<i32>} : memref<6x512xf32, #tpu.memory_space<vmem>>, vector<16xf32>,
    tpu.vector_store %arg7[%swap3A_825, %swap3A_826], %gather3A_823 {strides = array<i32>} : memref<6x512xf32, #tpu.memory_space<vmem>>, vector<16xf32>,
    %add3A_828 = arith.constant 496 : i32
    %add3A_829 = vector.broadcast %add3A_828 : i32 to vector<16xi32>
    %add3A_830 = arith.addi %iota3A, %add3A_829 : vector<16xi32>
    %gather3A_831 = tpu.vector_load_idx %arg6[%add3A_830, %broadcast_in_dim3A_579] : memref<512x8xf32, #tpu.memory_space<vmem>>[vector<16xi32>, vector<16xi32>], vector<16xf32>,
    %swap3A_832 = arith.constant 2 : i32
    %swap3A_833 = arith.index_cast %swap3A_832 : i32 to index
    %swap3A_834 = arith.constant 496 : index
    %swap3A_835 = tpu.vector_load %arg7[%swap3A_833, %swap3A_834] {strides = array<i32>} : memref<6x512xf32, #tpu.memory_space<vmem>>, vector<16xf32>,
    tpu.vector_store %arg7[%swap3A_833, %swap3A_834], %gather3A_831 {strides = array<i32>} : memref<6x512xf32, #tpu.memory_space<vmem>>, vector<16xf32>,
    %broadcast_in_dim3A_836 = arith.constant 3 : i32
    %broadcast_in_dim3A_837 = vector.broadcast %broadcast_in_dim3A_836 : i32 to vector<16xi32>
    %add3A_838 = arith.constant 0 : i32
    %add3A_839 = vector.broadcast %add3A_838 : i32 to vector<16xi32>
    %add3A_840 = arith.addi %iota3A, %add3A_839 : vector<16xi32>
    %gather3A_841 = tpu.vector_load_idx %arg6[%add3A_840, %broadcast_in_dim3A_837] : memref<512x8xf32, #tpu.memory_space<vmem>>[vector<16xi32>, vector<16xi32>], vector<16xf32>,
    %swap3A_842 = arith.constant 3 : i32
    %swap3A_843 = arith.index_cast %swap3A_842 : i32 to index
    %swap3A_844 = arith.constant 0 : index
    %swap3A_845 = tpu.vector_load %arg7[%swap3A_843, %swap3A_844] {strides = array<i32>} : memref<6x512xf32, #tpu.memory_space<vmem>>, vector<16xf32>,
    tpu.vector_store %arg7[%swap3A_843, %swap3A_844], %gather3A_841 {strides = array<i32>} : memref<6x512xf32, #tpu.memory_space<vmem>>, vector<16xf32>,
    %add3A_846 = arith.constant 16 : i32
    %add3A_847 = vector.broadcast %add3A_846 : i32 to vector<16xi32>
    %add3A_848 = arith.addi %iota3A, %add3A_847 : vector<16xi32>
    %gather3A_849 = tpu.vector_load_idx %arg6[%add3A_848, %broadcast_in_dim3A_837] : memref<512x8xf32, #tpu.memory_space<vmem>>[vector<16xi32>, vector<16xi32>], vector<16xf32>,
    %swap3A_850 = arith.constant 3 : i32
    %swap3A_851 = arith.index_cast %swap3A_850 : i32 to index
    %swap3A_852 = arith.constant 16 : index
    %swap3A_853 = tpu.vector_load %arg7[%swap3A_851, %swap3A_852] {strides = array<i32>} : memref<6x512xf32, #tpu.memory_space<vmem>>, vector<16xf32>,
    tpu.vector_store %arg7[%swap3A_851, %swap3A_852], %gather3A_849 {strides = array<i32>} : memref<6x512xf32, #tpu.memory_space<vmem>>, vector<16xf32>,
    %add3A_854 = arith.constant 32 : i32
    %add3A_855 = vector.broadcast %add3A_854 : i32 to vector<16xi32>
    %add3A_856 = arith.addi %iota3A, %add3A_855 : vector<16xi32>
    %gather3A_857 = tpu.vector_load_idx %arg6[%add3A_856, %broadcast_in_dim3A_837] : memref<512x8xf32, #tpu.memory_space<vmem>>[vector<16xi32>, vector<16xi32>], vector<16xf32>,
    %swap3A_858 = arith.constant 3 : i32
    %swap3A_859 = arith.index_cast %swap3A_858 : i32 to index
    %swap3A_860 = arith.constant 32 : index
    %swap3A_861 = tpu.vector_load %arg7[%swap3A_859, %swap3A_860] {strides = array<i32>} : memref<6x512xf32, #tpu.memory_space<vmem>>, vector<16xf32>,
    tpu.vector_store %arg7[%swap3A_859, %swap3A_860], %gather3A_857 {strides = array<i32>} : memref<6x512xf32, #tpu.memory_space<vmem>>, vector<16xf32>,
    %add3A_862 = arith.constant 48 : i32
    %add3A_863 = vector.broadcast %add3A_862 : i32 to vector<16xi32>
    %add3A_864 = arith.addi %iota3A, %add3A_863 : vector<16xi32>
    %gather3A_865 = tpu.vector_load_idx %arg6[%add3A_864, %broadcast_in_dim3A_837] : memref<512x8xf32, #tpu.memory_space<vmem>>[vector<16xi32>, vector<16xi32>], vector<16xf32>,
    %swap3A_866 = arith.constant 3 : i32
    %swap3A_867 = arith.index_cast %swap3A_866 : i32 to index
    %swap3A_868 = arith.constant 48 : index
    %swap3A_869 = tpu.vector_load %arg7[%swap3A_867, %swap3A_868] {strides = array<i32>} : memref<6x512xf32, #tpu.memory_space<vmem>>, vector<16xf32>,
    tpu.vector_store %arg7[%swap3A_867, %swap3A_868], %gather3A_865 {strides = array<i32>} : memref<6x512xf32, #tpu.memory_space<vmem>>, vector<16xf32>,
    %add3A_870 = arith.constant 64 : i32
    %add3A_871 = vector.broadcast %add3A_870 : i32 to vector<16xi32>
    %add3A_872 = arith.addi %iota3A, %add3A_871 : vector<16xi32>
    %gather3A_873 = tpu.vector_load_idx %arg6[%add3A_872, %broadcast_in_dim3A_837] : memref<512x8xf32, #tpu.memory_space<vmem>>[vector<16xi32>, vector<16xi32>], vector<16xf32>,
    %swap3A_874 = arith.constant 3 : i32
    %swap3A_875 = arith.index_cast %swap3A_874 : i32 to index
    %swap3A_876 = arith.constant 64 : index
    %swap3A_877 = tpu.vector_load %arg7[%swap3A_875, %swap3A_876] {strides = array<i32>} : memref<6x512xf32, #tpu.memory_space<vmem>>, vector<16xf32>,
    tpu.vector_store %arg7[%swap3A_875, %swap3A_876], %gather3A_873 {strides = array<i32>} : memref<6x512xf32, #tpu.memory_space<vmem>>, vector<16xf32>,
    %add3A_878 = arith.constant 80 : i32
    %add3A_879 = vector.broadcast %add3A_878 : i32 to vector<16xi32>
    %add3A_880 = arith.addi %iota3A, %add3A_879 : vector<16xi32>
    %gather3A_881 = tpu.vector_load_idx %arg6[%add3A_880, %broadcast_in_dim3A_837] : memref<512x8xf32, #tpu.memory_space<vmem>>[vector<16xi32>, vector<16xi32>], vector<16xf32>,
    %swap3A_882 = arith.constant 3 : i32
    %swap3A_883 = arith.index_cast %swap3A_882 : i32 to index
    %swap3A_884 = arith.constant 80 : index
    %swap3A_885 = tpu.vector_load %arg7[%swap3A_883, %swap3A_884] {strides = array<i32>} : memref<6x512xf32, #tpu.memory_space<vmem>>, vector<16xf32>,
    tpu.vector_store %arg7[%swap3A_883, %swap3A_884], %gather3A_881 {strides = array<i32>} : memref<6x512xf32, #tpu.memory_space<vmem>>, vector<16xf32>,
    %add3A_886 = arith.constant 96 : i32
    %add3A_887 = vector.broadcast %add3A_886 : i32 to vector<16xi32>
    %add3A_888 = arith.addi %iota3A, %add3A_887 : vector<16xi32>
    %gather3A_889 = tpu.vector_load_idx %arg6[%add3A_888, %broadcast_in_dim3A_837] : memref<512x8xf32, #tpu.memory_space<vmem>>[vector<16xi32>, vector<16xi32>], vector<16xf32>,
    %swap3A_890 = arith.constant 3 : i32
    %swap3A_891 = arith.index_cast %swap3A_890 : i32 to index
    %swap3A_892 = arith.constant 96 : index
    %swap3A_893 = tpu.vector_load %arg7[%swap3A_891, %swap3A_892] {strides = array<i32>} : memref<6x512xf32, #tpu.memory_space<vmem>>, vector<16xf32>,
    tpu.vector_store %arg7[%swap3A_891, %swap3A_892], %gather3A_889 {strides = array<i32>} : memref<6x512xf32, #tpu.memory_space<vmem>>, vector<16xf32>,
    %add3A_894 = arith.constant 112 : i32
    %add3A_895 = vector.broadcast %add3A_894 : i32 to vector<16xi32>
    %add3A_896 = arith.addi %iota3A, %add3A_895 : vector<16xi32>
    %gather3A_897 = tpu.vector_load_idx %arg6[%add3A_896, %broadcast_in_dim3A_837] : memref<512x8xf32, #tpu.memory_space<vmem>>[vector<16xi32>, vector<16xi32>], vector<16xf32>,
    %swap3A_898 = arith.constant 3 : i32
    %swap3A_899 = arith.index_cast %swap3A_898 : i32 to index
    %swap3A_900 = arith.constant 112 : index
    %swap3A_901 = tpu.vector_load %arg7[%swap3A_899, %swap3A_900] {strides = array<i32>} : memref<6x512xf32, #tpu.memory_space<vmem>>, vector<16xf32>,
    tpu.vector_store %arg7[%swap3A_899, %swap3A_900], %gather3A_897 {strides = array<i32>} : memref<6x512xf32, #tpu.memory_space<vmem>>, vector<16xf32>,
    %add3A_902 = arith.constant 128 : i32
    %add3A_903 = vector.broadcast %add3A_902 : i32 to vector<16xi32>
    %add3A_904 = arith.addi %iota3A, %add3A_903 : vector<16xi32>
    %gather3A_905 = tpu.vector_load_idx %arg6[%add3A_904, %broadcast_in_dim3A_837] : memref<512x8xf32, #tpu.memory_space<vmem>>[vector<16xi32>, vector<16xi32>], vector<16xf32>,
    %swap3A_906 = arith.constant 3 : i32
    %swap3A_907 = arith.index_cast %swap3A_906 : i32 to index
    %swap3A_908 = arith.constant 128 : index
    %swap3A_909 = tpu.vector_load %arg7[%swap3A_907, %swap3A_908] {strides = array<i32>} : memref<6x512xf32, #tpu.memory_space<vmem>>, vector<16xf32>,
    tpu.vector_store %arg7[%swap3A_907, %swap3A_908], %gather3A_905 {strides = array<i32>} : memref<6x512xf32, #tpu.memory_space<vmem>>, vector<16xf32>,
    %add3A_910 = arith.constant 144 : i32
    %add3A_911 = vector.broadcast %add3A_910 : i32 to vector<16xi32>
    %add3A_912 = arith.addi %iota3A, %add3A_911 : vector<16xi32>
    %gather3A_913 = tpu.vector_load_idx %arg6[%add3A_912, %broadcast_in_dim3A_837] : memref<512x8xf32, #tpu.memory_space<vmem>>[vector<16xi32>, vector<16xi32>], vector<16xf32>,
    %swap3A_914 = arith.constant 3 : i32
    %swap3A_915 = arith.index_cast %swap3A_914 : i32 to index
    %swap3A_916 = arith.constant 144 : index
    %swap3A_917 = tpu.vector_load %arg7[%swap3A_915, %swap3A_916] {strides = array<i32>} : memref<6x512xf32, #tpu.memory_space<vmem>>, vector<16xf32>,
    tpu.vector_store %arg7[%swap3A_915, %swap3A_916], %gather3A_913 {strides = array<i32>} : memref<6x512xf32, #tpu.memory_space<vmem>>, vector<16xf32>,
    %add3A_918 = arith.constant 160 : i32
    %add3A_919 = vector.broadcast %add3A_918 : i32 to vector<16xi32>
    %add3A_920 = arith.addi %iota3A, %add3A_919 : vector<16xi32>
    %gather3A_921 = tpu.vector_load_idx %arg6[%add3A_920, %broadcast_in_dim3A_837] : memref<512x8xf32, #tpu.memory_space<vmem>>[vector<16xi32>, vector<16xi32>], vector<16xf32>,
    %swap3A_922 = arith.constant 3 : i32
    %swap3A_923 = arith.index_cast %swap3A_922 : i32 to index
    %swap3A_924 = arith.constant 160 : index
    %swap3A_925 = tpu.vector_load %arg7[%swap3A_923, %swap3A_924] {strides = array<i32>} : memref<6x512xf32, #tpu.memory_space<vmem>>, vector<16xf32>,
    tpu.vector_store %arg7[%swap3A_923, %swap3A_924], %gather3A_921 {strides = array<i32>} : memref<6x512xf32, #tpu.memory_space<vmem>>, vector<16xf32>,
    %add3A_926 = arith.constant 176 : i32
    %add3A_927 = vector.broadcast %add3A_926 : i32 to vector<16xi32>
    %add3A_928 = arith.addi %iota3A, %add3A_927 : vector<16xi32>
    %gather3A_929 = tpu.vector_load_idx %arg6[%add3A_928, %broadcast_in_dim3A_837] : memref<512x8xf32, #tpu.memory_space<vmem>>[vector<16xi32>, vector<16xi32>], vector<16xf32>,
    %swap3A_930 = arith.constant 3 : i32
    %swap3A_931 = arith.index_cast %swap3A_930 : i32 to index
    %swap3A_932 = arith.constant 176 : index
    %swap3A_933 = tpu.vector_load %arg7[%swap3A_931, %swap3A_932] {strides = array<i32>} : memref<6x512xf32, #tpu.memory_space<vmem>>, vector<16xf32>,
    tpu.vector_store %arg7[%swap3A_931, %swap3A_932], %gather3A_929 {strides = array<i32>} : memref<6x512xf32, #tpu.memory_space<vmem>>, vector<16xf32>,
    %add3A_934 = arith.constant 192 : i32
    %add3A_935 = vector.broadcast %add3A_934 : i32 to vector<16xi32>
    %add3A_936 = arith.addi %iota3A, %add3A_935 : vector<16xi32>
    %gather3A_937 = tpu.vector_load_idx %arg6[%add3A_936, %broadcast_in_dim3A_837] : memref<512x8xf32, #tpu.memory_space<vmem>>[vector<16xi32>, vector<16xi32>], vector<16xf32>,
    %swap3A_938 = arith.constant 3 : i32
    %swap3A_939 = arith.index_cast %swap3A_938 : i32 to index
    %swap3A_940 = arith.constant 192 : index
    %swap3A_941 = tpu.vector_load %arg7[%swap3A_939, %swap3A_940] {strides = array<i32>} : memref<6x512xf32, #tpu.memory_space<vmem>>, vector<16xf32>,
    tpu.vector_store %arg7[%swap3A_939, %swap3A_940], %gather3A_937 {strides = array<i32>} : memref<6x512xf32, #tpu.memory_space<vmem>>, vector<16xf32>,
    %add3A_942 = arith.constant 208 : i32
    %add3A_943 = vector.broadcast %add3A_942 : i32 to vector<16xi32>
    %add3A_944 = arith.addi %iota3A, %add3A_943 : vector<16xi32>
    %gather3A_945 = tpu.vector_load_idx %arg6[%add3A_944, %broadcast_in_dim3A_837] : memref<512x8xf32, #tpu.memory_space<vmem>>[vector<16xi32>, vector<16xi32>], vector<16xf32>,
    %swap3A_946 = arith.constant 3 : i32
    %swap3A_947 = arith.index_cast %swap3A_946 : i32 to index
    %swap3A_948 = arith.constant 208 : index
    %swap3A_949 = tpu.vector_load %arg7[%swap3A_947, %swap3A_948] {strides = array<i32>} : memref<6x512xf32, #tpu.memory_space<vmem>>, vector<16xf32>,
    tpu.vector_store %arg7[%swap3A_947, %swap3A_948], %gather3A_945 {strides = array<i32>} : memref<6x512xf32, #tpu.memory_space<vmem>>, vector<16xf32>,
    %add3A_950 = arith.constant 224 : i32
    %add3A_951 = vector.broadcast %add3A_950 : i32 to vector<16xi32>
    %add3A_952 = arith.addi %iota3A, %add3A_951 : vector<16xi32>
    %gather3A_953 = tpu.vector_load_idx %arg6[%add3A_952, %broadcast_in_dim3A_837] : memref<512x8xf32, #tpu.memory_space<vmem>>[vector<16xi32>, vector<16xi32>], vector<16xf32>,
    %swap3A_954 = arith.constant 3 : i32
    %swap3A_955 = arith.index_cast %swap3A_954 : i32 to index
    %swap3A_956 = arith.constant 224 : index
    %swap3A_957 = tpu.vector_load %arg7[%swap3A_955, %swap3A_956] {strides = array<i32>} : memref<6x512xf32, #tpu.memory_space<vmem>>, vector<16xf32>,
    tpu.vector_store %arg7[%swap3A_955, %swap3A_956], %gather3A_953 {strides = array<i32>} : memref<6x512xf32, #tpu.memory_space<vmem>>, vector<16xf32>,
    %add3A_958 = arith.constant 240 : i32
    %add3A_959 = vector.broadcast %add3A_958 : i32 to vector<16xi32>
    %add3A_960 = arith.addi %iota3A, %add3A_959 : vector<16xi32>
    %gather3A_961 = tpu.vector_load_idx %arg6[%add3A_960, %broadcast_in_dim3A_837] : memref<512x8xf32, #tpu.memory_space<vmem>>[vector<16xi32>, vector<16xi32>], vector<16xf32>,
    %swap3A_962 = arith.constant 3 : i32
    %swap3A_963 = arith.index_cast %swap3A_962 : i32 to index
    %swap3A_964 = arith.constant 240 : index
    %swap3A_965 = tpu.vector_load %arg7[%swap3A_963, %swap3A_964] {strides = array<i32>} : memref<6x512xf32, #tpu.memory_space<vmem>>, vector<16xf32>,
    tpu.vector_store %arg7[%swap3A_963, %swap3A_964], %gather3A_961 {strides = array<i32>} : memref<6x512xf32, #tpu.memory_space<vmem>>, vector<16xf32>,
    %add3A_966 = arith.constant 256 : i32
    %add3A_967 = vector.broadcast %add3A_966 : i32 to vector<16xi32>
    %add3A_968 = arith.addi %iota3A, %add3A_967 : vector<16xi32>
    %gather3A_969 = tpu.vector_load_idx %arg6[%add3A_968, %broadcast_in_dim3A_837] : memref<512x8xf32, #tpu.memory_space<vmem>>[vector<16xi32>, vector<16xi32>], vector<16xf32>,
    %swap3A_970 = arith.constant 3 : i32
    %swap3A_971 = arith.index_cast %swap3A_970 : i32 to index
    %swap3A_972 = arith.constant 256 : index
    %swap3A_973 = tpu.vector_load %arg7[%swap3A_971, %swap3A_972] {strides = array<i32>} : memref<6x512xf32, #tpu.memory_space<vmem>>, vector<16xf32>,
    tpu.vector_store %arg7[%swap3A_971, %swap3A_972], %gather3A_969 {strides = array<i32>} : memref<6x512xf32, #tpu.memory_space<vmem>>, vector<16xf32>,
    %add3A_974 = arith.constant 272 : i32
    %add3A_975 = vector.broadcast %add3A_974 : i32 to vector<16xi32>
    %add3A_976 = arith.addi %iota3A, %add3A_975 : vector<16xi32>
    %gather3A_977 = tpu.vector_load_idx %arg6[%add3A_976, %broadcast_in_dim3A_837] : memref<512x8xf32, #tpu.memory_space<vmem>>[vector<16xi32>, vector<16xi32>], vector<16xf32>,
    %swap3A_978 = arith.constant 3 : i32
    %swap3A_979 = arith.index_cast %swap3A_978 : i32 to index
    %swap3A_980 = arith.constant 272 : index
    %swap3A_981 = tpu.vector_load %arg7[%swap3A_979, %swap3A_980] {strides = array<i32>} : memref<6x512xf32, #tpu.memory_space<vmem>>, vector<16xf32>,
    tpu.vector_store %arg7[%swap3A_979, %swap3A_980], %gather3A_977 {strides = array<i32>} : memref<6x512xf32, #tpu.memory_space<vmem>>, vector<16xf32>,
    %add3A_982 = arith.constant 288 : i32
    %add3A_983 = vector.broadcast %add3A_982 : i32 to vector<16xi32>
    %add3A_984 = arith.addi %iota3A, %add3A_983 : vector<16xi32>
    %gather3A_985 = tpu.vector_load_idx %arg6[%add3A_984, %broadcast_in_dim3A_837] : memref<512x8xf32, #tpu.memory_space<vmem>>[vector<16xi32>, vector<16xi32>], vector<16xf32>,
    %swap3A_986 = arith.constant 3 : i32
    %swap3A_987 = arith.index_cast %swap3A_986 : i32 to index
    %swap3A_988 = arith.constant 288 : index
    %swap3A_989 = tpu.vector_load %arg7[%swap3A_987, %swap3A_988] {strides = array<i32>} : memref<6x512xf32, #tpu.memory_space<vmem>>, vector<16xf32>,
    tpu.vector_store %arg7[%swap3A_987, %swap3A_988], %gather3A_985 {strides = array<i32>} : memref<6x512xf32, #tpu.memory_space<vmem>>, vector<16xf32>,
    %add3A_990 = arith.constant 304 : i32
    %add3A_991 = vector.broadcast %add3A_990 : i32 to vector<16xi32>
    %add3A_992 = arith.addi %iota3A, %add3A_991 : vector<16xi32>
    %gather3A_993 = tpu.vector_load_idx %arg6[%add3A_992, %broadcast_in_dim3A_837] : memref<512x8xf32, #tpu.memory_space<vmem>>[vector<16xi32>, vector<16xi32>], vector<16xf32>,
    %swap3A_994 = arith.constant 3 : i32
    %swap3A_995 = arith.index_cast %swap3A_994 : i32 to index
    %swap3A_996 = arith.constant 304 : index
    %swap3A_997 = tpu.vector_load %arg7[%swap3A_995, %swap3A_996] {strides = array<i32>} : memref<6x512xf32, #tpu.memory_space<vmem>>, vector<16xf32>,
    tpu.vector_store %arg7[%swap3A_995, %swap3A_996], %gather3A_993 {strides = array<i32>} : memref<6x512xf32, #tpu.memory_space<vmem>>, vector<16xf32>,
    %add3A_998 = arith.constant 320 : i32
    %add3A_999 = vector.broadcast %add3A_998 : i32 to vector<16xi32>
    %add3A_1000 = arith.addi %iota3A, %add3A_999 : vector<16xi32>
    %gather3A_1001 = tpu.vector_load_idx %arg6[%add3A_1000, %broadcast_in_dim3A_837] : memref<512x8xf32, #tpu.memory_space<vmem>>[vector<16xi32>, vector<16xi32>], vector<16xf32>,
    %swap3A_1002 = arith.constant 3 : i32
    %swap3A_1003 = arith.index_cast %swap3A_1002 : i32 to index
    %swap3A_1004 = arith.constant 320 : index
    %swap3A_1005 = tpu.vector_load %arg7[%swap3A_1003, %swap3A_1004] {strides = array<i32>} : memref<6x512xf32, #tpu.memory_space<vmem>>, vector<16xf32>,
    tpu.vector_store %arg7[%swap3A_1003, %swap3A_1004], %gather3A_1001 {strides = array<i32>} : memref<6x512xf32, #tpu.memory_space<vmem>>, vector<16xf32>,
    %add3A_1006 = arith.constant 336 : i32
    %add3A_1007 = vector.broadcast %add3A_1006 : i32 to vector<16xi32>
    %add3A_1008 = arith.addi %iota3A, %add3A_1007 : vector<16xi32>
    %gather3A_1009 = tpu.vector_load_idx %arg6[%add3A_1008, %broadcast_in_dim3A_837] : memref<512x8xf32, #tpu.memory_space<vmem>>[vector<16xi32>, vector<16xi32>], vector<16xf32>,
    %swap3A_1010 = arith.constant 3 : i32
    %swap3A_1011 = arith.index_cast %swap3A_1010 : i32 to index
    %swap3A_1012 = arith.constant 336 : index
    %swap3A_1013 = tpu.vector_load %arg7[%swap3A_1011, %swap3A_1012] {strides = array<i32>} : memref<6x512xf32, #tpu.memory_space<vmem>>, vector<16xf32>,
    tpu.vector_store %arg7[%swap3A_1011, %swap3A_1012], %gather3A_1009 {strides = array<i32>} : memref<6x512xf32, #tpu.memory_space<vmem>>, vector<16xf32>,
    %add3A_1014 = arith.constant 352 : i32
    %add3A_1015 = vector.broadcast %add3A_1014 : i32 to vector<16xi32>
    %add3A_1016 = arith.addi %iota3A, %add3A_1015 : vector<16xi32>
    %gather3A_1017 = tpu.vector_load_idx %arg6[%add3A_1016, %broadcast_in_dim3A_837] : memref<512x8xf32, #tpu.memory_space<vmem>>[vector<16xi32>, vector<16xi32>], vector<16xf32>,
    %swap3A_1018 = arith.constant 3 : i32
    %swap3A_1019 = arith.index_cast %swap3A_1018 : i32 to index
    %swap3A_1020 = arith.constant 352 : index
    %swap3A_1021 = tpu.vector_load %arg7[%swap3A_1019, %swap3A_1020] {strides = array<i32>} : memref<6x512xf32, #tpu.memory_space<vmem>>, vector<16xf32>,
    tpu.vector_store %arg7[%swap3A_1019, %swap3A_1020], %gather3A_1017 {strides = array<i32>} : memref<6x512xf32, #tpu.memory_space<vmem>>, vector<16xf32>,
    %add3A_1022 = arith.constant 368 : i32
    %add3A_1023 = vector.broadcast %add3A_1022 : i32 to vector<16xi32>
    %add3A_1024 = arith.addi %iota3A, %add3A_1023 : vector<16xi32>
    %gather3A_1025 = tpu.vector_load_idx %arg6[%add3A_1024, %broadcast_in_dim3A_837] : memref<512x8xf32, #tpu.memory_space<vmem>>[vector<16xi32>, vector<16xi32>], vector<16xf32>,
    %swap3A_1026 = arith.constant 3 : i32
    %swap3A_1027 = arith.index_cast %swap3A_1026 : i32 to index
    %swap3A_1028 = arith.constant 368 : index
    %swap3A_1029 = tpu.vector_load %arg7[%swap3A_1027, %swap3A_1028] {strides = array<i32>} : memref<6x512xf32, #tpu.memory_space<vmem>>, vector<16xf32>,
    tpu.vector_store %arg7[%swap3A_1027, %swap3A_1028], %gather3A_1025 {strides = array<i32>} : memref<6x512xf32, #tpu.memory_space<vmem>>, vector<16xf32>,
    %add3A_1030 = arith.constant 384 : i32
    %add3A_1031 = vector.broadcast %add3A_1030 : i32 to vector<16xi32>
    %add3A_1032 = arith.addi %iota3A, %add3A_1031 : vector<16xi32>
    %gather3A_1033 = tpu.vector_load_idx %arg6[%add3A_1032, %broadcast_in_dim3A_837] : memref<512x8xf32, #tpu.memory_space<vmem>>[vector<16xi32>, vector<16xi32>], vector<16xf32>,
    %swap3A_1034 = arith.constant 3 : i32
    %swap3A_1035 = arith.index_cast %swap3A_1034 : i32 to index
    %swap3A_1036 = arith.constant 384 : index
    %swap3A_1037 = tpu.vector_load %arg7[%swap3A_1035, %swap3A_1036] {strides = array<i32>} : memref<6x512xf32, #tpu.memory_space<vmem>>, vector<16xf32>,
    tpu.vector_store %arg7[%swap3A_1035, %swap3A_1036], %gather3A_1033 {strides = array<i32>} : memref<6x512xf32, #tpu.memory_space<vmem>>, vector<16xf32>,
    %add3A_1038 = arith.constant 400 : i32
    %add3A_1039 = vector.broadcast %add3A_1038 : i32 to vector<16xi32>
    %add3A_1040 = arith.addi %iota3A, %add3A_1039 : vector<16xi32>
    %gather3A_1041 = tpu.vector_load_idx %arg6[%add3A_1040, %broadcast_in_dim3A_837] : memref<512x8xf32, #tpu.memory_space<vmem>>[vector<16xi32>, vector<16xi32>], vector<16xf32>,
    %swap3A_1042 = arith.constant 3 : i32
    %swap3A_1043 = arith.index_cast %swap3A_1042 : i32 to index
    %swap3A_1044 = arith.constant 400 : index
    %swap3A_1045 = tpu.vector_load %arg7[%swap3A_1043, %swap3A_1044] {strides = array<i32>} : memref<6x512xf32, #tpu.memory_space<vmem>>, vector<16xf32>,
    tpu.vector_store %arg7[%swap3A_1043, %swap3A_1044], %gather3A_1041 {strides = array<i32>} : memref<6x512xf32, #tpu.memory_space<vmem>>, vector<16xf32>,
    %add3A_1046 = arith.constant 416 : i32
    %add3A_1047 = vector.broadcast %add3A_1046 : i32 to vector<16xi32>
    %add3A_1048 = arith.addi %iota3A, %add3A_1047 : vector<16xi32>
    %gather3A_1049 = tpu.vector_load_idx %arg6[%add3A_1048, %broadcast_in_dim3A_837] : memref<512x8xf32, #tpu.memory_space<vmem>>[vector<16xi32>, vector<16xi32>], vector<16xf32>,
    %swap3A_1050 = arith.constant 3 : i32
    %swap3A_1051 = arith.index_cast %swap3A_1050 : i32 to index
    %swap3A_1052 = arith.constant 416 : index
    %swap3A_1053 = tpu.vector_load %arg7[%swap3A_1051, %swap3A_1052] {strides = array<i32>} : memref<6x512xf32, #tpu.memory_space<vmem>>, vector<16xf32>,
    tpu.vector_store %arg7[%swap3A_1051, %swap3A_1052], %gather3A_1049 {strides = array<i32>} : memref<6x512xf32, #tpu.memory_space<vmem>>, vector<16xf32>,
    %add3A_1054 = arith.constant 432 : i32
    %add3A_1055 = vector.broadcast %add3A_1054 : i32 to vector<16xi32>
    %add3A_1056 = arith.addi %iota3A, %add3A_1055 : vector<16xi32>
    %gather3A_1057 = tpu.vector_load_idx %arg6[%add3A_1056, %broadcast_in_dim3A_837] : memref<512x8xf32, #tpu.memory_space<vmem>>[vector<16xi32>, vector<16xi32>], vector<16xf32>,
    %swap3A_1058 = arith.constant 3 : i32
    %swap3A_1059 = arith.index_cast %swap3A_1058 : i32 to index
    %swap3A_1060 = arith.constant 432 : index
    %swap3A_1061 = tpu.vector_load %arg7[%swap3A_1059, %swap3A_1060] {strides = array<i32>} : memref<6x512xf32, #tpu.memory_space<vmem>>, vector<16xf32>,
    tpu.vector_store %arg7[%swap3A_1059, %swap3A_1060], %gather3A_1057 {strides = array<i32>} : memref<6x512xf32, #tpu.memory_space<vmem>>, vector<16xf32>,
    %add3A_1062 = arith.constant 448 : i32
    %add3A_1063 = vector.broadcast %add3A_1062 : i32 to vector<16xi32>
    %add3A_1064 = arith.addi %iota3A, %add3A_1063 : vector<16xi32>
    %gather3A_1065 = tpu.vector_load_idx %arg6[%add3A_1064, %broadcast_in_dim3A_837] : memref<512x8xf32, #tpu.memory_space<vmem>>[vector<16xi32>, vector<16xi32>], vector<16xf32>,
    %swap3A_1066 = arith.constant 3 : i32
    %swap3A_1067 = arith.index_cast %swap3A_1066 : i32 to index
    %swap3A_1068 = arith.constant 448 : index
    %swap3A_1069 = tpu.vector_load %arg7[%swap3A_1067, %swap3A_1068] {strides = array<i32>} : memref<6x512xf32, #tpu.memory_space<vmem>>, vector<16xf32>,
    tpu.vector_store %arg7[%swap3A_1067, %swap3A_1068], %gather3A_1065 {strides = array<i32>} : memref<6x512xf32, #tpu.memory_space<vmem>>, vector<16xf32>,
    %add3A_1070 = arith.constant 464 : i32
    %add3A_1071 = vector.broadcast %add3A_1070 : i32 to vector<16xi32>
    %add3A_1072 = arith.addi %iota3A, %add3A_1071 : vector<16xi32>
    %gather3A_1073 = tpu.vector_load_idx %arg6[%add3A_1072, %broadcast_in_dim3A_837] : memref<512x8xf32, #tpu.memory_space<vmem>>[vector<16xi32>, vector<16xi32>], vector<16xf32>,
    %swap3A_1074 = arith.constant 3 : i32
    %swap3A_1075 = arith.index_cast %swap3A_1074 : i32 to index
    %swap3A_1076 = arith.constant 464 : index
    %swap3A_1077 = tpu.vector_load %arg7[%swap3A_1075, %swap3A_1076] {strides = array<i32>} : memref<6x512xf32, #tpu.memory_space<vmem>>, vector<16xf32>,
    tpu.vector_store %arg7[%swap3A_1075, %swap3A_1076], %gather3A_1073 {strides = array<i32>} : memref<6x512xf32, #tpu.memory_space<vmem>>, vector<16xf32>,
    %add3A_1078 = arith.constant 480 : i32
    %add3A_1079 = vector.broadcast %add3A_1078 : i32 to vector<16xi32>
    %add3A_1080 = arith.addi %iota3A, %add3A_1079 : vector<16xi32>
    %gather3A_1081 = tpu.vector_load_idx %arg6[%add3A_1080, %broadcast_in_dim3A_837] : memref<512x8xf32, #tpu.memory_space<vmem>>[vector<16xi32>, vector<16xi32>], vector<16xf32>,
    %swap3A_1082 = arith.constant 3 : i32
    %swap3A_1083 = arith.index_cast %swap3A_1082 : i32 to index
    %swap3A_1084 = arith.constant 480 : index
    %swap3A_1085 = tpu.vector_load %arg7[%swap3A_1083, %swap3A_1084] {strides = array<i32>} : memref<6x512xf32, #tpu.memory_space<vmem>>, vector<16xf32>,
    tpu.vector_store %arg7[%swap3A_1083, %swap3A_1084], %gather3A_1081 {strides = array<i32>} : memref<6x512xf32, #tpu.memory_space<vmem>>, vector<16xf32>,
    %add3A_1086 = arith.constant 496 : i32
    %add3A_1087 = vector.broadcast %add3A_1086 : i32 to vector<16xi32>
    %add3A_1088 = arith.addi %iota3A, %add3A_1087 : vector<16xi32>
    %gather3A_1089 = tpu.vector_load_idx %arg6[%add3A_1088, %broadcast_in_dim3A_837] : memref<512x8xf32, #tpu.memory_space<vmem>>[vector<16xi32>, vector<16xi32>], vector<16xf32>,
    %swap3A_1090 = arith.constant 3 : i32
    %swap3A_1091 = arith.index_cast %swap3A_1090 : i32 to index
    %swap3A_1092 = arith.constant 496 : index
    %swap3A_1093 = tpu.vector_load %arg7[%swap3A_1091, %swap3A_1092] {strides = array<i32>} : memref<6x512xf32, #tpu.memory_space<vmem>>, vector<16xf32>,
    tpu.vector_store %arg7[%swap3A_1091, %swap3A_1092], %gather3A_1089 {strides = array<i32>} : memref<6x512xf32, #tpu.memory_space<vmem>>, vector<16xf32>,
    %broadcast_in_dim3A_1094 = arith.constant 4 : i32
    %broadcast_in_dim3A_1095 = vector.broadcast %broadcast_in_dim3A_1094 : i32 to vector<16xi32>
    %add3A_1096 = arith.constant 0 : i32
    %add3A_1097 = vector.broadcast %add3A_1096 : i32 to vector<16xi32>
    %add3A_1098 = arith.addi %iota3A, %add3A_1097 : vector<16xi32>
    %gather3A_1099 = tpu.vector_load_idx %arg6[%add3A_1098, %broadcast_in_dim3A_1095] : memref<512x8xf32, #tpu.memory_space<vmem>>[vector<16xi32>, vector<16xi32>], vector<16xf32>,
    %swap3A_1100 = arith.constant 4 : i32
    %swap3A_1101 = arith.index_cast %swap3A_1100 : i32 to index
    %swap3A_1102 = arith.constant 0 : index
    %swap3A_1103 = tpu.vector_load %arg7[%swap3A_1101, %swap3A_1102] {strides = array<i32>} : memref<6x512xf32, #tpu.memory_space<vmem>>, vector<16xf32>,
    tpu.vector_store %arg7[%swap3A_1101, %swap3A_1102], %gather3A_1099 {strides = array<i32>} : memref<6x512xf32, #tpu.memory_space<vmem>>, vector<16xf32>,
    %add3A_1104 = arith.constant 16 : i32
    %add3A_1105 = vector.broadcast %add3A_1104 : i32 to vector<16xi32>
    %add3A_1106 = arith.addi %iota3A, %add3A_1105 : vector<16xi32>
    %gather3A_1107 = tpu.vector_load_idx %arg6[%add3A_1106, %broadcast_in_dim3A_1095] : memref<512x8xf32, #tpu.memory_space<vmem>>[vector<16xi32>, vector<16xi32>], vector<16xf32>,
    %swap3A_1108 = arith.constant 4 : i32
    %swap3A_1109 = arith.index_cast %swap3A_1108 : i32 to index
    %swap3A_1110 = arith.constant 16 : index
    %swap3A_1111 = tpu.vector_load %arg7[%swap3A_1109, %swap3A_1110] {strides = array<i32>} : memref<6x512xf32, #tpu.memory_space<vmem>>, vector<16xf32>,
    tpu.vector_store %arg7[%swap3A_1109, %swap3A_1110], %gather3A_1107 {strides = array<i32>} : memref<6x512xf32, #tpu.memory_space<vmem>>, vector<16xf32>,
    %add3A_1112 = arith.constant 32 : i32
    %add3A_1113 = vector.broadcast %add3A_1112 : i32 to vector<16xi32>
    %add3A_1114 = arith.addi %iota3A, %add3A_1113 : vector<16xi32>
    %gather3A_1115 = tpu.vector_load_idx %arg6[%add3A_1114, %broadcast_in_dim3A_1095] : memref<512x8xf32, #tpu.memory_space<vmem>>[vector<16xi32>, vector<16xi32>], vector<16xf32>,
    %swap3A_1116 = arith.constant 4 : i32
    %swap3A_1117 = arith.index_cast %swap3A_1116 : i32 to index
    %swap3A_1118 = arith.constant 32 : index
    %swap3A_1119 = tpu.vector_load %arg7[%swap3A_1117, %swap3A_1118] {strides = array<i32>} : memref<6x512xf32, #tpu.memory_space<vmem>>, vector<16xf32>,
    tpu.vector_store %arg7[%swap3A_1117, %swap3A_1118], %gather3A_1115 {strides = array<i32>} : memref<6x512xf32, #tpu.memory_space<vmem>>, vector<16xf32>,
    %add3A_1120 = arith.constant 48 : i32
    %add3A_1121 = vector.broadcast %add3A_1120 : i32 to vector<16xi32>
    %add3A_1122 = arith.addi %iota3A, %add3A_1121 : vector<16xi32>
    %gather3A_1123 = tpu.vector_load_idx %arg6[%add3A_1122, %broadcast_in_dim3A_1095] : memref<512x8xf32, #tpu.memory_space<vmem>>[vector<16xi32>, vector<16xi32>], vector<16xf32>,
    %swap3A_1124 = arith.constant 4 : i32
    %swap3A_1125 = arith.index_cast %swap3A_1124 : i32 to index
    %swap3A_1126 = arith.constant 48 : index
    %swap3A_1127 = tpu.vector_load %arg7[%swap3A_1125, %swap3A_1126] {strides = array<i32>} : memref<6x512xf32, #tpu.memory_space<vmem>>, vector<16xf32>,
    tpu.vector_store %arg7[%swap3A_1125, %swap3A_1126], %gather3A_1123 {strides = array<i32>} : memref<6x512xf32, #tpu.memory_space<vmem>>, vector<16xf32>,
    %add3A_1128 = arith.constant 64 : i32
    %add3A_1129 = vector.broadcast %add3A_1128 : i32 to vector<16xi32>
    %add3A_1130 = arith.addi %iota3A, %add3A_1129 : vector<16xi32>
    %gather3A_1131 = tpu.vector_load_idx %arg6[%add3A_1130, %broadcast_in_dim3A_1095] : memref<512x8xf32, #tpu.memory_space<vmem>>[vector<16xi32>, vector<16xi32>], vector<16xf32>,
    %swap3A_1132 = arith.constant 4 : i32
    %swap3A_1133 = arith.index_cast %swap3A_1132 : i32 to index
    %swap3A_1134 = arith.constant 64 : index
    %swap3A_1135 = tpu.vector_load %arg7[%swap3A_1133, %swap3A_1134] {strides = array<i32>} : memref<6x512xf32, #tpu.memory_space<vmem>>, vector<16xf32>,
    tpu.vector_store %arg7[%swap3A_1133, %swap3A_1134], %gather3A_1131 {strides = array<i32>} : memref<6x512xf32, #tpu.memory_space<vmem>>, vector<16xf32>,
    %add3A_1136 = arith.constant 80 : i32
    %add3A_1137 = vector.broadcast %add3A_1136 : i32 to vector<16xi32>
    %add3A_1138 = arith.addi %iota3A, %add3A_1137 : vector<16xi32>
    %gather3A_1139 = tpu.vector_load_idx %arg6[%add3A_1138, %broadcast_in_dim3A_1095] : memref<512x8xf32, #tpu.memory_space<vmem>>[vector<16xi32>, vector<16xi32>], vector<16xf32>,
    %swap3A_1140 = arith.constant 4 : i32
    %swap3A_1141 = arith.index_cast %swap3A_1140 : i32 to index
    %swap3A_1142 = arith.constant 80 : index
    %swap3A_1143 = tpu.vector_load %arg7[%swap3A_1141, %swap3A_1142] {strides = array<i32>} : memref<6x512xf32, #tpu.memory_space<vmem>>, vector<16xf32>,
    tpu.vector_store %arg7[%swap3A_1141, %swap3A_1142], %gather3A_1139 {strides = array<i32>} : memref<6x512xf32, #tpu.memory_space<vmem>>, vector<16xf32>,
    %add3A_1144 = arith.constant 96 : i32
    %add3A_1145 = vector.broadcast %add3A_1144 : i32 to vector<16xi32>
    %add3A_1146 = arith.addi %iota3A, %add3A_1145 : vector<16xi32>
    %gather3A_1147 = tpu.vector_load_idx %arg6[%add3A_1146, %broadcast_in_dim3A_1095] : memref<512x8xf32, #tpu.memory_space<vmem>>[vector<16xi32>, vector<16xi32>], vector<16xf32>,
    %swap3A_1148 = arith.constant 4 : i32
    %swap3A_1149 = arith.index_cast %swap3A_1148 : i32 to index
    %swap3A_1150 = arith.constant 96 : index
    %swap3A_1151 = tpu.vector_load %arg7[%swap3A_1149, %swap3A_1150] {strides = array<i32>} : memref<6x512xf32, #tpu.memory_space<vmem>>, vector<16xf32>,
    tpu.vector_store %arg7[%swap3A_1149, %swap3A_1150], %gather3A_1147 {strides = array<i32>} : memref<6x512xf32, #tpu.memory_space<vmem>>, vector<16xf32>,
    %add3A_1152 = arith.constant 112 : i32
    %add3A_1153 = vector.broadcast %add3A_1152 : i32 to vector<16xi32>
    %add3A_1154 = arith.addi %iota3A, %add3A_1153 : vector<16xi32>
    %gather3A_1155 = tpu.vector_load_idx %arg6[%add3A_1154, %broadcast_in_dim3A_1095] : memref<512x8xf32, #tpu.memory_space<vmem>>[vector<16xi32>, vector<16xi32>], vector<16xf32>,
    %swap3A_1156 = arith.constant 4 : i32
    %swap3A_1157 = arith.index_cast %swap3A_1156 : i32 to index
    %swap3A_1158 = arith.constant 112 : index
    %swap3A_1159 = tpu.vector_load %arg7[%swap3A_1157, %swap3A_1158] {strides = array<i32>} : memref<6x512xf32, #tpu.memory_space<vmem>>, vector<16xf32>,
    tpu.vector_store %arg7[%swap3A_1157, %swap3A_1158], %gather3A_1155 {strides = array<i32>} : memref<6x512xf32, #tpu.memory_space<vmem>>, vector<16xf32>,
    %add3A_1160 = arith.constant 128 : i32
    %add3A_1161 = vector.broadcast %add3A_1160 : i32 to vector<16xi32>
    %add3A_1162 = arith.addi %iota3A, %add3A_1161 : vector<16xi32>
    %gather3A_1163 = tpu.vector_load_idx %arg6[%add3A_1162, %broadcast_in_dim3A_1095] : memref<512x8xf32, #tpu.memory_space<vmem>>[vector<16xi32>, vector<16xi32>], vector<16xf32>,
    %swap3A_1164 = arith.constant 4 : i32
    %swap3A_1165 = arith.index_cast %swap3A_1164 : i32 to index
    %swap3A_1166 = arith.constant 128 : index
    %swap3A_1167 = tpu.vector_load %arg7[%swap3A_1165, %swap3A_1166] {strides = array<i32>} : memref<6x512xf32, #tpu.memory_space<vmem>>, vector<16xf32>,
    tpu.vector_store %arg7[%swap3A_1165, %swap3A_1166], %gather3A_1163 {strides = array<i32>} : memref<6x512xf32, #tpu.memory_space<vmem>>, vector<16xf32>,
    %add3A_1168 = arith.constant 144 : i32
    %add3A_1169 = vector.broadcast %add3A_1168 : i32 to vector<16xi32>
    %add3A_1170 = arith.addi %iota3A, %add3A_1169 : vector<16xi32>
    %gather3A_1171 = tpu.vector_load_idx %arg6[%add3A_1170, %broadcast_in_dim3A_1095] : memref<512x8xf32, #tpu.memory_space<vmem>>[vector<16xi32>, vector<16xi32>], vector<16xf32>,
    %swap3A_1172 = arith.constant 4 : i32
    %swap3A_1173 = arith.index_cast %swap3A_1172 : i32 to index
    %swap3A_1174 = arith.constant 144 : index
    %swap3A_1175 = tpu.vector_load %arg7[%swap3A_1173, %swap3A_1174] {strides = array<i32>} : memref<6x512xf32, #tpu.memory_space<vmem>>, vector<16xf32>,
    tpu.vector_store %arg7[%swap3A_1173, %swap3A_1174], %gather3A_1171 {strides = array<i32>} : memref<6x512xf32, #tpu.memory_space<vmem>>, vector<16xf32>,
    %add3A_1176 = arith.constant 160 : i32
    %add3A_1177 = vector.broadcast %add3A_1176 : i32 to vector<16xi32>
    %add3A_1178 = arith.addi %iota3A, %add3A_1177 : vector<16xi32>
    %gather3A_1179 = tpu.vector_load_idx %arg6[%add3A_1178, %broadcast_in_dim3A_1095] : memref<512x8xf32, #tpu.memory_space<vmem>>[vector<16xi32>, vector<16xi32>], vector<16xf32>,
    %swap3A_1180 = arith.constant 4 : i32
    %swap3A_1181 = arith.index_cast %swap3A_1180 : i32 to index
    %swap3A_1182 = arith.constant 160 : index
    %swap3A_1183 = tpu.vector_load %arg7[%swap3A_1181, %swap3A_1182] {strides = array<i32>} : memref<6x512xf32, #tpu.memory_space<vmem>>, vector<16xf32>,
    tpu.vector_store %arg7[%swap3A_1181, %swap3A_1182], %gather3A_1179 {strides = array<i32>} : memref<6x512xf32, #tpu.memory_space<vmem>>, vector<16xf32>,
    %add3A_1184 = arith.constant 176 : i32
    %add3A_1185 = vector.broadcast %add3A_1184 : i32 to vector<16xi32>
    %add3A_1186 = arith.addi %iota3A, %add3A_1185 : vector<16xi32>
    %gather3A_1187 = tpu.vector_load_idx %arg6[%add3A_1186, %broadcast_in_dim3A_1095] : memref<512x8xf32, #tpu.memory_space<vmem>>[vector<16xi32>, vector<16xi32>], vector<16xf32>,
    %swap3A_1188 = arith.constant 4 : i32
    %swap3A_1189 = arith.index_cast %swap3A_1188 : i32 to index
    %swap3A_1190 = arith.constant 176 : index
    %swap3A_1191 = tpu.vector_load %arg7[%swap3A_1189, %swap3A_1190] {strides = array<i32>} : memref<6x512xf32, #tpu.memory_space<vmem>>, vector<16xf32>,
    tpu.vector_store %arg7[%swap3A_1189, %swap3A_1190], %gather3A_1187 {strides = array<i32>} : memref<6x512xf32, #tpu.memory_space<vmem>>, vector<16xf32>,
    %add3A_1192 = arith.constant 192 : i32
    %add3A_1193 = vector.broadcast %add3A_1192 : i32 to vector<16xi32>
    %add3A_1194 = arith.addi %iota3A, %add3A_1193 : vector<16xi32>
    %gather3A_1195 = tpu.vector_load_idx %arg6[%add3A_1194, %broadcast_in_dim3A_1095] : memref<512x8xf32, #tpu.memory_space<vmem>>[vector<16xi32>, vector<16xi32>], vector<16xf32>,
    %swap3A_1196 = arith.constant 4 : i32
    %swap3A_1197 = arith.index_cast %swap3A_1196 : i32 to index
    %swap3A_1198 = arith.constant 192 : index
    %swap3A_1199 = tpu.vector_load %arg7[%swap3A_1197, %swap3A_1198] {strides = array<i32>} : memref<6x512xf32, #tpu.memory_space<vmem>>, vector<16xf32>,
    tpu.vector_store %arg7[%swap3A_1197, %swap3A_1198], %gather3A_1195 {strides = array<i32>} : memref<6x512xf32, #tpu.memory_space<vmem>>, vector<16xf32>,
    %add3A_1200 = arith.constant 208 : i32
    %add3A_1201 = vector.broadcast %add3A_1200 : i32 to vector<16xi32>
    %add3A_1202 = arith.addi %iota3A, %add3A_1201 : vector<16xi32>
    %gather3A_1203 = tpu.vector_load_idx %arg6[%add3A_1202, %broadcast_in_dim3A_1095] : memref<512x8xf32, #tpu.memory_space<vmem>>[vector<16xi32>, vector<16xi32>], vector<16xf32>,
    %swap3A_1204 = arith.constant 4 : i32
    %swap3A_1205 = arith.index_cast %swap3A_1204 : i32 to index
    %swap3A_1206 = arith.constant 208 : index
    %swap3A_1207 = tpu.vector_load %arg7[%swap3A_1205, %swap3A_1206] {strides = array<i32>} : memref<6x512xf32, #tpu.memory_space<vmem>>, vector<16xf32>,
    tpu.vector_store %arg7[%swap3A_1205, %swap3A_1206], %gather3A_1203 {strides = array<i32>} : memref<6x512xf32, #tpu.memory_space<vmem>>, vector<16xf32>,
    %add3A_1208 = arith.constant 224 : i32
    %add3A_1209 = vector.broadcast %add3A_1208 : i32 to vector<16xi32>
    %add3A_1210 = arith.addi %iota3A, %add3A_1209 : vector<16xi32>
    %gather3A_1211 = tpu.vector_load_idx %arg6[%add3A_1210, %broadcast_in_dim3A_1095] : memref<512x8xf32, #tpu.memory_space<vmem>>[vector<16xi32>, vector<16xi32>], vector<16xf32>,
    %swap3A_1212 = arith.constant 4 : i32
    %swap3A_1213 = arith.index_cast %swap3A_1212 : i32 to index
    %swap3A_1214 = arith.constant 224 : index
    %swap3A_1215 = tpu.vector_load %arg7[%swap3A_1213, %swap3A_1214] {strides = array<i32>} : memref<6x512xf32, #tpu.memory_space<vmem>>, vector<16xf32>,
    tpu.vector_store %arg7[%swap3A_1213, %swap3A_1214], %gather3A_1211 {strides = array<i32>} : memref<6x512xf32, #tpu.memory_space<vmem>>, vector<16xf32>,
    %add3A_1216 = arith.constant 240 : i32
    %add3A_1217 = vector.broadcast %add3A_1216 : i32 to vector<16xi32>
    %add3A_1218 = arith.addi %iota3A, %add3A_1217 : vector<16xi32>
    %gather3A_1219 = tpu.vector_load_idx %arg6[%add3A_1218, %broadcast_in_dim3A_1095] : memref<512x8xf32, #tpu.memory_space<vmem>>[vector<16xi32>, vector<16xi32>], vector<16xf32>,
    %swap3A_1220 = arith.constant 4 : i32
    %swap3A_1221 = arith.index_cast %swap3A_1220 : i32 to index
    %swap3A_1222 = arith.constant 240 : index
    %swap3A_1223 = tpu.vector_load %arg7[%swap3A_1221, %swap3A_1222] {strides = array<i32>} : memref<6x512xf32, #tpu.memory_space<vmem>>, vector<16xf32>,
    tpu.vector_store %arg7[%swap3A_1221, %swap3A_1222], %gather3A_1219 {strides = array<i32>} : memref<6x512xf32, #tpu.memory_space<vmem>>, vector<16xf32>,
    %add3A_1224 = arith.constant 256 : i32
    %add3A_1225 = vector.broadcast %add3A_1224 : i32 to vector<16xi32>
    %add3A_1226 = arith.addi %iota3A, %add3A_1225 : vector<16xi32>
    %gather3A_1227 = tpu.vector_load_idx %arg6[%add3A_1226, %broadcast_in_dim3A_1095] : memref<512x8xf32, #tpu.memory_space<vmem>>[vector<16xi32>, vector<16xi32>], vector<16xf32>,
    %swap3A_1228 = arith.constant 4 : i32
    %swap3A_1229 = arith.index_cast %swap3A_1228 : i32 to index
    %swap3A_1230 = arith.constant 256 : index
    %swap3A_1231 = tpu.vector_load %arg7[%swap3A_1229, %swap3A_1230] {strides = array<i32>} : memref<6x512xf32, #tpu.memory_space<vmem>>, vector<16xf32>,
    tpu.vector_store %arg7[%swap3A_1229, %swap3A_1230], %gather3A_1227 {strides = array<i32>} : memref<6x512xf32, #tpu.memory_space<vmem>>, vector<16xf32>,
    %add3A_1232 = arith.constant 272 : i32
    %add3A_1233 = vector.broadcast %add3A_1232 : i32 to vector<16xi32>
    %add3A_1234 = arith.addi %iota3A, %add3A_1233 : vector<16xi32>
    %gather3A_1235 = tpu.vector_load_idx %arg6[%add3A_1234, %broadcast_in_dim3A_1095] : memref<512x8xf32, #tpu.memory_space<vmem>>[vector<16xi32>, vector<16xi32>], vector<16xf32>,
    %swap3A_1236 = arith.constant 4 : i32
    %swap3A_1237 = arith.index_cast %swap3A_1236 : i32 to index
    %swap3A_1238 = arith.constant 272 : index
    %swap3A_1239 = tpu.vector_load %arg7[%swap3A_1237, %swap3A_1238] {strides = array<i32>} : memref<6x512xf32, #tpu.memory_space<vmem>>, vector<16xf32>,
    tpu.vector_store %arg7[%swap3A_1237, %swap3A_1238], %gather3A_1235 {strides = array<i32>} : memref<6x512xf32, #tpu.memory_space<vmem>>, vector<16xf32>,
    %add3A_1240 = arith.constant 288 : i32
    %add3A_1241 = vector.broadcast %add3A_1240 : i32 to vector<16xi32>
    %add3A_1242 = arith.addi %iota3A, %add3A_1241 : vector<16xi32>
    %gather3A_1243 = tpu.vector_load_idx %arg6[%add3A_1242, %broadcast_in_dim3A_1095] : memref<512x8xf32, #tpu.memory_space<vmem>>[vector<16xi32>, vector<16xi32>], vector<16xf32>,
    %swap3A_1244 = arith.constant 4 : i32
    %swap3A_1245 = arith.index_cast %swap3A_1244 : i32 to index
    %swap3A_1246 = arith.constant 288 : index
    %swap3A_1247 = tpu.vector_load %arg7[%swap3A_1245, %swap3A_1246] {strides = array<i32>} : memref<6x512xf32, #tpu.memory_space<vmem>>, vector<16xf32>,
    tpu.vector_store %arg7[%swap3A_1245, %swap3A_1246], %gather3A_1243 {strides = array<i32>} : memref<6x512xf32, #tpu.memory_space<vmem>>, vector<16xf32>,
    %add3A_1248 = arith.constant 304 : i32
    %add3A_1249 = vector.broadcast %add3A_1248 : i32 to vector<16xi32>
    %add3A_1250 = arith.addi %iota3A, %add3A_1249 : vector<16xi32>
    %gather3A_1251 = tpu.vector_load_idx %arg6[%add3A_1250, %broadcast_in_dim3A_1095] : memref<512x8xf32, #tpu.memory_space<vmem>>[vector<16xi32>, vector<16xi32>], vector<16xf32>,
    %swap3A_1252 = arith.constant 4 : i32
    %swap3A_1253 = arith.index_cast %swap3A_1252 : i32 to index
    %swap3A_1254 = arith.constant 304 : index
    %swap3A_1255 = tpu.vector_load %arg7[%swap3A_1253, %swap3A_1254] {strides = array<i32>} : memref<6x512xf32, #tpu.memory_space<vmem>>, vector<16xf32>,
    tpu.vector_store %arg7[%swap3A_1253, %swap3A_1254], %gather3A_1251 {strides = array<i32>} : memref<6x512xf32, #tpu.memory_space<vmem>>, vector<16xf32>,
    %add3A_1256 = arith.constant 320 : i32
    %add3A_1257 = vector.broadcast %add3A_1256 : i32 to vector<16xi32>
    %add3A_1258 = arith.addi %iota3A, %add3A_1257 : vector<16xi32>
    %gather3A_1259 = tpu.vector_load_idx %arg6[%add3A_1258, %broadcast_in_dim3A_1095] : memref<512x8xf32, #tpu.memory_space<vmem>>[vector<16xi32>, vector<16xi32>], vector<16xf32>,
    %swap3A_1260 = arith.constant 4 : i32
    %swap3A_1261 = arith.index_cast %swap3A_1260 : i32 to index
    %swap3A_1262 = arith.constant 320 : index
    %swap3A_1263 = tpu.vector_load %arg7[%swap3A_1261, %swap3A_1262] {strides = array<i32>} : memref<6x512xf32, #tpu.memory_space<vmem>>, vector<16xf32>,
    tpu.vector_store %arg7[%swap3A_1261, %swap3A_1262], %gather3A_1259 {strides = array<i32>} : memref<6x512xf32, #tpu.memory_space<vmem>>, vector<16xf32>,
    %add3A_1264 = arith.constant 336 : i32
    %add3A_1265 = vector.broadcast %add3A_1264 : i32 to vector<16xi32>
    %add3A_1266 = arith.addi %iota3A, %add3A_1265 : vector<16xi32>
    %gather3A_1267 = tpu.vector_load_idx %arg6[%add3A_1266, %broadcast_in_dim3A_1095] : memref<512x8xf32, #tpu.memory_space<vmem>>[vector<16xi32>, vector<16xi32>], vector<16xf32>,
    %swap3A_1268 = arith.constant 4 : i32
    %swap3A_1269 = arith.index_cast %swap3A_1268 : i32 to index
    %swap3A_1270 = arith.constant 336 : index
    %swap3A_1271 = tpu.vector_load %arg7[%swap3A_1269, %swap3A_1270] {strides = array<i32>} : memref<6x512xf32, #tpu.memory_space<vmem>>, vector<16xf32>,
    tpu.vector_store %arg7[%swap3A_1269, %swap3A_1270], %gather3A_1267 {strides = array<i32>} : memref<6x512xf32, #tpu.memory_space<vmem>>, vector<16xf32>,
    %add3A_1272 = arith.constant 352 : i32
    %add3A_1273 = vector.broadcast %add3A_1272 : i32 to vector<16xi32>
    %add3A_1274 = arith.addi %iota3A, %add3A_1273 : vector<16xi32>
    %gather3A_1275 = tpu.vector_load_idx %arg6[%add3A_1274, %broadcast_in_dim3A_1095] : memref<512x8xf32, #tpu.memory_space<vmem>>[vector<16xi32>, vector<16xi32>], vector<16xf32>,
    %swap3A_1276 = arith.constant 4 : i32
    %swap3A_1277 = arith.index_cast %swap3A_1276 : i32 to index
    %swap3A_1278 = arith.constant 352 : index
    %swap3A_1279 = tpu.vector_load %arg7[%swap3A_1277, %swap3A_1278] {strides = array<i32>} : memref<6x512xf32, #tpu.memory_space<vmem>>, vector<16xf32>,
    tpu.vector_store %arg7[%swap3A_1277, %swap3A_1278], %gather3A_1275 {strides = array<i32>} : memref<6x512xf32, #tpu.memory_space<vmem>>, vector<16xf32>,
    %add3A_1280 = arith.constant 368 : i32
    %add3A_1281 = vector.broadcast %add3A_1280 : i32 to vector<16xi32>
    %add3A_1282 = arith.addi %iota3A, %add3A_1281 : vector<16xi32>
    %gather3A_1283 = tpu.vector_load_idx %arg6[%add3A_1282, %broadcast_in_dim3A_1095] : memref<512x8xf32, #tpu.memory_space<vmem>>[vector<16xi32>, vector<16xi32>], vector<16xf32>,
    %swap3A_1284 = arith.constant 4 : i32
    %swap3A_1285 = arith.index_cast %swap3A_1284 : i32 to index
    %swap3A_1286 = arith.constant 368 : index
    %swap3A_1287 = tpu.vector_load %arg7[%swap3A_1285, %swap3A_1286] {strides = array<i32>} : memref<6x512xf32, #tpu.memory_space<vmem>>, vector<16xf32>,
    tpu.vector_store %arg7[%swap3A_1285, %swap3A_1286], %gather3A_1283 {strides = array<i32>} : memref<6x512xf32, #tpu.memory_space<vmem>>, vector<16xf32>,
    %add3A_1288 = arith.constant 384 : i32
    %add3A_1289 = vector.broadcast %add3A_1288 : i32 to vector<16xi32>
    %add3A_1290 = arith.addi %iota3A, %add3A_1289 : vector<16xi32>
    %gather3A_1291 = tpu.vector_load_idx %arg6[%add3A_1290, %broadcast_in_dim3A_1095] : memref<512x8xf32, #tpu.memory_space<vmem>>[vector<16xi32>, vector<16xi32>], vector<16xf32>,
    %swap3A_1292 = arith.constant 4 : i32
    %swap3A_1293 = arith.index_cast %swap3A_1292 : i32 to index
    %swap3A_1294 = arith.constant 384 : index
    %swap3A_1295 = tpu.vector_load %arg7[%swap3A_1293, %swap3A_1294] {strides = array<i32>} : memref<6x512xf32, #tpu.memory_space<vmem>>, vector<16xf32>,
    tpu.vector_store %arg7[%swap3A_1293, %swap3A_1294], %gather3A_1291 {strides = array<i32>} : memref<6x512xf32, #tpu.memory_space<vmem>>, vector<16xf32>,
    %add3A_1296 = arith.constant 400 : i32
    %add3A_1297 = vector.broadcast %add3A_1296 : i32 to vector<16xi32>
    %add3A_1298 = arith.addi %iota3A, %add3A_1297 : vector<16xi32>
    %gather3A_1299 = tpu.vector_load_idx %arg6[%add3A_1298, %broadcast_in_dim3A_1095] : memref<512x8xf32, #tpu.memory_space<vmem>>[vector<16xi32>, vector<16xi32>], vector<16xf32>,
    %swap3A_1300 = arith.constant 4 : i32
    %swap3A_1301 = arith.index_cast %swap3A_1300 : i32 to index
    %swap3A_1302 = arith.constant 400 : index
    %swap3A_1303 = tpu.vector_load %arg7[%swap3A_1301, %swap3A_1302] {strides = array<i32>} : memref<6x512xf32, #tpu.memory_space<vmem>>, vector<16xf32>,
    tpu.vector_store %arg7[%swap3A_1301, %swap3A_1302], %gather3A_1299 {strides = array<i32>} : memref<6x512xf32, #tpu.memory_space<vmem>>, vector<16xf32>,
    %add3A_1304 = arith.constant 416 : i32
    %add3A_1305 = vector.broadcast %add3A_1304 : i32 to vector<16xi32>
    %add3A_1306 = arith.addi %iota3A, %add3A_1305 : vector<16xi32>
    %gather3A_1307 = tpu.vector_load_idx %arg6[%add3A_1306, %broadcast_in_dim3A_1095] : memref<512x8xf32, #tpu.memory_space<vmem>>[vector<16xi32>, vector<16xi32>], vector<16xf32>,
    %swap3A_1308 = arith.constant 4 : i32
    %swap3A_1309 = arith.index_cast %swap3A_1308 : i32 to index
    %swap3A_1310 = arith.constant 416 : index
    %swap3A_1311 = tpu.vector_load %arg7[%swap3A_1309, %swap3A_1310] {strides = array<i32>} : memref<6x512xf32, #tpu.memory_space<vmem>>, vector<16xf32>,
    tpu.vector_store %arg7[%swap3A_1309, %swap3A_1310], %gather3A_1307 {strides = array<i32>} : memref<6x512xf32, #tpu.memory_space<vmem>>, vector<16xf32>,
    %add3A_1312 = arith.constant 432 : i32
    %add3A_1313 = vector.broadcast %add3A_1312 : i32 to vector<16xi32>
    %add3A_1314 = arith.addi %iota3A, %add3A_1313 : vector<16xi32>
    %gather3A_1315 = tpu.vector_load_idx %arg6[%add3A_1314, %broadcast_in_dim3A_1095] : memref<512x8xf32, #tpu.memory_space<vmem>>[vector<16xi32>, vector<16xi32>], vector<16xf32>,
    %swap3A_1316 = arith.constant 4 : i32
    %swap3A_1317 = arith.index_cast %swap3A_1316 : i32 to index
    %swap3A_1318 = arith.constant 432 : index
    %swap3A_1319 = tpu.vector_load %arg7[%swap3A_1317, %swap3A_1318] {strides = array<i32>} : memref<6x512xf32, #tpu.memory_space<vmem>>, vector<16xf32>,
    tpu.vector_store %arg7[%swap3A_1317, %swap3A_1318], %gather3A_1315 {strides = array<i32>} : memref<6x512xf32, #tpu.memory_space<vmem>>, vector<16xf32>,
    %add3A_1320 = arith.constant 448 : i32
    %add3A_1321 = vector.broadcast %add3A_1320 : i32 to vector<16xi32>
    %add3A_1322 = arith.addi %iota3A, %add3A_1321 : vector<16xi32>
    %gather3A_1323 = tpu.vector_load_idx %arg6[%add3A_1322, %broadcast_in_dim3A_1095] : memref<512x8xf32, #tpu.memory_space<vmem>>[vector<16xi32>, vector<16xi32>], vector<16xf32>,
    %swap3A_1324 = arith.constant 4 : i32
    %swap3A_1325 = arith.index_cast %swap3A_1324 : i32 to index
    %swap3A_1326 = arith.constant 448 : index
    %swap3A_1327 = tpu.vector_load %arg7[%swap3A_1325, %swap3A_1326] {strides = array<i32>} : memref<6x512xf32, #tpu.memory_space<vmem>>, vector<16xf32>,
    tpu.vector_store %arg7[%swap3A_1325, %swap3A_1326], %gather3A_1323 {strides = array<i32>} : memref<6x512xf32, #tpu.memory_space<vmem>>, vector<16xf32>,
    %add3A_1328 = arith.constant 464 : i32
    %add3A_1329 = vector.broadcast %add3A_1328 : i32 to vector<16xi32>
    %add3A_1330 = arith.addi %iota3A, %add3A_1329 : vector<16xi32>
    %gather3A_1331 = tpu.vector_load_idx %arg6[%add3A_1330, %broadcast_in_dim3A_1095] : memref<512x8xf32, #tpu.memory_space<vmem>>[vector<16xi32>, vector<16xi32>], vector<16xf32>,
    %swap3A_1332 = arith.constant 4 : i32
    %swap3A_1333 = arith.index_cast %swap3A_1332 : i32 to index
    %swap3A_1334 = arith.constant 464 : index
    %swap3A_1335 = tpu.vector_load %arg7[%swap3A_1333, %swap3A_1334] {strides = array<i32>} : memref<6x512xf32, #tpu.memory_space<vmem>>, vector<16xf32>,
    tpu.vector_store %arg7[%swap3A_1333, %swap3A_1334], %gather3A_1331 {strides = array<i32>} : memref<6x512xf32, #tpu.memory_space<vmem>>, vector<16xf32>,
    %add3A_1336 = arith.constant 480 : i32
    %add3A_1337 = vector.broadcast %add3A_1336 : i32 to vector<16xi32>
    %add3A_1338 = arith.addi %iota3A, %add3A_1337 : vector<16xi32>
    %gather3A_1339 = tpu.vector_load_idx %arg6[%add3A_1338, %broadcast_in_dim3A_1095] : memref<512x8xf32, #tpu.memory_space<vmem>>[vector<16xi32>, vector<16xi32>], vector<16xf32>,
    %swap3A_1340 = arith.constant 4 : i32
    %swap3A_1341 = arith.index_cast %swap3A_1340 : i32 to index
    %swap3A_1342 = arith.constant 480 : index
    %swap3A_1343 = tpu.vector_load %arg7[%swap3A_1341, %swap3A_1342] {strides = array<i32>} : memref<6x512xf32, #tpu.memory_space<vmem>>, vector<16xf32>,
    tpu.vector_store %arg7[%swap3A_1341, %swap3A_1342], %gather3A_1339 {strides = array<i32>} : memref<6x512xf32, #tpu.memory_space<vmem>>, vector<16xf32>,
    %add3A_1344 = arith.constant 496 : i32
    %add3A_1345 = vector.broadcast %add3A_1344 : i32 to vector<16xi32>
    %add3A_1346 = arith.addi %iota3A, %add3A_1345 : vector<16xi32>
    %gather3A_1347 = tpu.vector_load_idx %arg6[%add3A_1346, %broadcast_in_dim3A_1095] : memref<512x8xf32, #tpu.memory_space<vmem>>[vector<16xi32>, vector<16xi32>], vector<16xf32>,
    %swap3A_1348 = arith.constant 4 : i32
    %swap3A_1349 = arith.index_cast %swap3A_1348 : i32 to index
    %swap3A_1350 = arith.constant 496 : index
    %swap3A_1351 = tpu.vector_load %arg7[%swap3A_1349, %swap3A_1350] {strides = array<i32>} : memref<6x512xf32, #tpu.memory_space<vmem>>, vector<16xf32>,
    tpu.vector_store %arg7[%swap3A_1349, %swap3A_1350], %gather3A_1347 {strides = array<i32>} : memref<6x512xf32, #tpu.memory_space<vmem>>, vector<16xf32>,
    %broadcast_in_dim3A_1352 = arith.constant 5 : i32
    %broadcast_in_dim3A_1353 = vector.broadcast %broadcast_in_dim3A_1352 : i32 to vector<16xi32>
    %add3A_1354 = arith.constant 0 : i32
    %add3A_1355 = vector.broadcast %add3A_1354 : i32 to vector<16xi32>
    %add3A_1356 = arith.addi %iota3A, %add3A_1355 : vector<16xi32>
    %gather3A_1357 = tpu.vector_load_idx %arg6[%add3A_1356, %broadcast_in_dim3A_1353] : memref<512x8xf32, #tpu.memory_space<vmem>>[vector<16xi32>, vector<16xi32>], vector<16xf32>,
    %swap3A_1358 = arith.constant 5 : i32
    %swap3A_1359 = arith.index_cast %swap3A_1358 : i32 to index
    %swap3A_1360 = arith.constant 0 : index
    %swap3A_1361 = tpu.vector_load %arg7[%swap3A_1359, %swap3A_1360] {strides = array<i32>} : memref<6x512xf32, #tpu.memory_space<vmem>>, vector<16xf32>,
    tpu.vector_store %arg7[%swap3A_1359, %swap3A_1360], %gather3A_1357 {strides = array<i32>} : memref<6x512xf32, #tpu.memory_space<vmem>>, vector<16xf32>,
    %add3A_1362 = arith.constant 16 : i32
    %add3A_1363 = vector.broadcast %add3A_1362 : i32 to vector<16xi32>
    %add3A_1364 = arith.addi %iota3A, %add3A_1363 : vector<16xi32>
    %gather3A_1365 = tpu.vector_load_idx %arg6[%add3A_1364, %broadcast_in_dim3A_1353] : memref<512x8xf32, #tpu.memory_space<vmem>>[vector<16xi32>, vector<16xi32>], vector<16xf32>,
    %swap3A_1366 = arith.constant 5 : i32
    %swap3A_1367 = arith.index_cast %swap3A_1366 : i32 to index
    %swap3A_1368 = arith.constant 16 : index
    %swap3A_1369 = tpu.vector_load %arg7[%swap3A_1367, %swap3A_1368] {strides = array<i32>} : memref<6x512xf32, #tpu.memory_space<vmem>>, vector<16xf32>,
    tpu.vector_store %arg7[%swap3A_1367, %swap3A_1368], %gather3A_1365 {strides = array<i32>} : memref<6x512xf32, #tpu.memory_space<vmem>>, vector<16xf32>,
    %add3A_1370 = arith.constant 32 : i32
    %add3A_1371 = vector.broadcast %add3A_1370 : i32 to vector<16xi32>
    %add3A_1372 = arith.addi %iota3A, %add3A_1371 : vector<16xi32>
    %gather3A_1373 = tpu.vector_load_idx %arg6[%add3A_1372, %broadcast_in_dim3A_1353] : memref<512x8xf32, #tpu.memory_space<vmem>>[vector<16xi32>, vector<16xi32>], vector<16xf32>,
    %swap3A_1374 = arith.constant 5 : i32
    %swap3A_1375 = arith.index_cast %swap3A_1374 : i32 to index
    %swap3A_1376 = arith.constant 32 : index
    %swap3A_1377 = tpu.vector_load %arg7[%swap3A_1375, %swap3A_1376] {strides = array<i32>} : memref<6x512xf32, #tpu.memory_space<vmem>>, vector<16xf32>,
    tpu.vector_store %arg7[%swap3A_1375, %swap3A_1376], %gather3A_1373 {strides = array<i32>} : memref<6x512xf32, #tpu.memory_space<vmem>>, vector<16xf32>,
    %add3A_1378 = arith.constant 48 : i32
    %add3A_1379 = vector.broadcast %add3A_1378 : i32 to vector<16xi32>
    %add3A_1380 = arith.addi %iota3A, %add3A_1379 : vector<16xi32>
    %gather3A_1381 = tpu.vector_load_idx %arg6[%add3A_1380, %broadcast_in_dim3A_1353] : memref<512x8xf32, #tpu.memory_space<vmem>>[vector<16xi32>, vector<16xi32>], vector<16xf32>,
    %swap3A_1382 = arith.constant 5 : i32
    %swap3A_1383 = arith.index_cast %swap3A_1382 : i32 to index
    %swap3A_1384 = arith.constant 48 : index
    %swap3A_1385 = tpu.vector_load %arg7[%swap3A_1383, %swap3A_1384] {strides = array<i32>} : memref<6x512xf32, #tpu.memory_space<vmem>>, vector<16xf32>,
    tpu.vector_store %arg7[%swap3A_1383, %swap3A_1384], %gather3A_1381 {strides = array<i32>} : memref<6x512xf32, #tpu.memory_space<vmem>>, vector<16xf32>,
    %add3A_1386 = arith.constant 64 : i32
    %add3A_1387 = vector.broadcast %add3A_1386 : i32 to vector<16xi32>
    %add3A_1388 = arith.addi %iota3A, %add3A_1387 : vector<16xi32>
    %gather3A_1389 = tpu.vector_load_idx %arg6[%add3A_1388, %broadcast_in_dim3A_1353] : memref<512x8xf32, #tpu.memory_space<vmem>>[vector<16xi32>, vector<16xi32>], vector<16xf32>,
    %swap3A_1390 = arith.constant 5 : i32
    %swap3A_1391 = arith.index_cast %swap3A_1390 : i32 to index
    %swap3A_1392 = arith.constant 64 : index
    %swap3A_1393 = tpu.vector_load %arg7[%swap3A_1391, %swap3A_1392] {strides = array<i32>} : memref<6x512xf32, #tpu.memory_space<vmem>>, vector<16xf32>,
    tpu.vector_store %arg7[%swap3A_1391, %swap3A_1392], %gather3A_1389 {strides = array<i32>} : memref<6x512xf32, #tpu.memory_space<vmem>>, vector<16xf32>,
    %add3A_1394 = arith.constant 80 : i32
    %add3A_1395 = vector.broadcast %add3A_1394 : i32 to vector<16xi32>
    %add3A_1396 = arith.addi %iota3A, %add3A_1395 : vector<16xi32>
    %gather3A_1397 = tpu.vector_load_idx %arg6[%add3A_1396, %broadcast_in_dim3A_1353] : memref<512x8xf32, #tpu.memory_space<vmem>>[vector<16xi32>, vector<16xi32>], vector<16xf32>,
    %swap3A_1398 = arith.constant 5 : i32
    %swap3A_1399 = arith.index_cast %swap3A_1398 : i32 to index
    %swap3A_1400 = arith.constant 80 : index
    %swap3A_1401 = tpu.vector_load %arg7[%swap3A_1399, %swap3A_1400] {strides = array<i32>} : memref<6x512xf32, #tpu.memory_space<vmem>>, vector<16xf32>,
    tpu.vector_store %arg7[%swap3A_1399, %swap3A_1400], %gather3A_1397 {strides = array<i32>} : memref<6x512xf32, #tpu.memory_space<vmem>>, vector<16xf32>,
    %add3A_1402 = arith.constant 96 : i32
    %add3A_1403 = vector.broadcast %add3A_1402 : i32 to vector<16xi32>
    %add3A_1404 = arith.addi %iota3A, %add3A_1403 : vector<16xi32>
    %gather3A_1405 = tpu.vector_load_idx %arg6[%add3A_1404, %broadcast_in_dim3A_1353] : memref<512x8xf32, #tpu.memory_space<vmem>>[vector<16xi32>, vector<16xi32>], vector<16xf32>,
    %swap3A_1406 = arith.constant 5 : i32
    %swap3A_1407 = arith.index_cast %swap3A_1406 : i32 to index
    %swap3A_1408 = arith.constant 96 : index
    %swap3A_1409 = tpu.vector_load %arg7[%swap3A_1407, %swap3A_1408] {strides = array<i32>} : memref<6x512xf32, #tpu.memory_space<vmem>>, vector<16xf32>,
    tpu.vector_store %arg7[%swap3A_1407, %swap3A_1408], %gather3A_1405 {strides = array<i32>} : memref<6x512xf32, #tpu.memory_space<vmem>>, vector<16xf32>,
    %add3A_1410 = arith.constant 112 : i32
    %add3A_1411 = vector.broadcast %add3A_1410 : i32 to vector<16xi32>
    %add3A_1412 = arith.addi %iota3A, %add3A_1411 : vector<16xi32>
    %gather3A_1413 = tpu.vector_load_idx %arg6[%add3A_1412, %broadcast_in_dim3A_1353] : memref<512x8xf32, #tpu.memory_space<vmem>>[vector<16xi32>, vector<16xi32>], vector<16xf32>,
    %swap3A_1414 = arith.constant 5 : i32
    %swap3A_1415 = arith.index_cast %swap3A_1414 : i32 to index
    %swap3A_1416 = arith.constant 112 : index
    %swap3A_1417 = tpu.vector_load %arg7[%swap3A_1415, %swap3A_1416] {strides = array<i32>} : memref<6x512xf32, #tpu.memory_space<vmem>>, vector<16xf32>,
    tpu.vector_store %arg7[%swap3A_1415, %swap3A_1416], %gather3A_1413 {strides = array<i32>} : memref<6x512xf32, #tpu.memory_space<vmem>>, vector<16xf32>,
    %add3A_1418 = arith.constant 128 : i32
    %add3A_1419 = vector.broadcast %add3A_1418 : i32 to vector<16xi32>
    %add3A_1420 = arith.addi %iota3A, %add3A_1419 : vector<16xi32>
    %gather3A_1421 = tpu.vector_load_idx %arg6[%add3A_1420, %broadcast_in_dim3A_1353] : memref<512x8xf32, #tpu.memory_space<vmem>>[vector<16xi32>, vector<16xi32>], vector<16xf32>,
    %swap3A_1422 = arith.constant 5 : i32
    %swap3A_1423 = arith.index_cast %swap3A_1422 : i32 to index
    %swap3A_1424 = arith.constant 128 : index
    %swap3A_1425 = tpu.vector_load %arg7[%swap3A_1423, %swap3A_1424] {strides = array<i32>} : memref<6x512xf32, #tpu.memory_space<vmem>>, vector<16xf32>,
    tpu.vector_store %arg7[%swap3A_1423, %swap3A_1424], %gather3A_1421 {strides = array<i32>} : memref<6x512xf32, #tpu.memory_space<vmem>>, vector<16xf32>,
    %add3A_1426 = arith.constant 144 : i32
    %add3A_1427 = vector.broadcast %add3A_1426 : i32 to vector<16xi32>
    %add3A_1428 = arith.addi %iota3A, %add3A_1427 : vector<16xi32>
    %gather3A_1429 = tpu.vector_load_idx %arg6[%add3A_1428, %broadcast_in_dim3A_1353] : memref<512x8xf32, #tpu.memory_space<vmem>>[vector<16xi32>, vector<16xi32>], vector<16xf32>,
    %swap3A_1430 = arith.constant 5 : i32
    %swap3A_1431 = arith.index_cast %swap3A_1430 : i32 to index
    %swap3A_1432 = arith.constant 144 : index
    %swap3A_1433 = tpu.vector_load %arg7[%swap3A_1431, %swap3A_1432] {strides = array<i32>} : memref<6x512xf32, #tpu.memory_space<vmem>>, vector<16xf32>,
    tpu.vector_store %arg7[%swap3A_1431, %swap3A_1432], %gather3A_1429 {strides = array<i32>} : memref<6x512xf32, #tpu.memory_space<vmem>>, vector<16xf32>,
    %add3A_1434 = arith.constant 160 : i32
    %add3A_1435 = vector.broadcast %add3A_1434 : i32 to vector<16xi32>
    %add3A_1436 = arith.addi %iota3A, %add3A_1435 : vector<16xi32>
    %gather3A_1437 = tpu.vector_load_idx %arg6[%add3A_1436, %broadcast_in_dim3A_1353] : memref<512x8xf32, #tpu.memory_space<vmem>>[vector<16xi32>, vector<16xi32>], vector<16xf32>,
    %swap3A_1438 = arith.constant 5 : i32
    %swap3A_1439 = arith.index_cast %swap3A_1438 : i32 to index
    %swap3A_1440 = arith.constant 160 : index
    %swap3A_1441 = tpu.vector_load %arg7[%swap3A_1439, %swap3A_1440] {strides = array<i32>} : memref<6x512xf32, #tpu.memory_space<vmem>>, vector<16xf32>,
    tpu.vector_store %arg7[%swap3A_1439, %swap3A_1440], %gather3A_1437 {strides = array<i32>} : memref<6x512xf32, #tpu.memory_space<vmem>>, vector<16xf32>,
    %add3A_1442 = arith.constant 176 : i32
    %add3A_1443 = vector.broadcast %add3A_1442 : i32 to vector<16xi32>
    %add3A_1444 = arith.addi %iota3A, %add3A_1443 : vector<16xi32>
    %gather3A_1445 = tpu.vector_load_idx %arg6[%add3A_1444, %broadcast_in_dim3A_1353] : memref<512x8xf32, #tpu.memory_space<vmem>>[vector<16xi32>, vector<16xi32>], vector<16xf32>,
    %swap3A_1446 = arith.constant 5 : i32
    %swap3A_1447 = arith.index_cast %swap3A_1446 : i32 to index
    %swap3A_1448 = arith.constant 176 : index
    %swap3A_1449 = tpu.vector_load %arg7[%swap3A_1447, %swap3A_1448] {strides = array<i32>} : memref<6x512xf32, #tpu.memory_space<vmem>>, vector<16xf32>,
    tpu.vector_store %arg7[%swap3A_1447, %swap3A_1448], %gather3A_1445 {strides = array<i32>} : memref<6x512xf32, #tpu.memory_space<vmem>>, vector<16xf32>,
    %add3A_1450 = arith.constant 192 : i32
    %add3A_1451 = vector.broadcast %add3A_1450 : i32 to vector<16xi32>
    %add3A_1452 = arith.addi %iota3A, %add3A_1451 : vector<16xi32>
    %gather3A_1453 = tpu.vector_load_idx %arg6[%add3A_1452, %broadcast_in_dim3A_1353] : memref<512x8xf32, #tpu.memory_space<vmem>>[vector<16xi32>, vector<16xi32>], vector<16xf32>,
    %swap3A_1454 = arith.constant 5 : i32
    %swap3A_1455 = arith.index_cast %swap3A_1454 : i32 to index
    %swap3A_1456 = arith.constant 192 : index
    %swap3A_1457 = tpu.vector_load %arg7[%swap3A_1455, %swap3A_1456] {strides = array<i32>} : memref<6x512xf32, #tpu.memory_space<vmem>>, vector<16xf32>,
    tpu.vector_store %arg7[%swap3A_1455, %swap3A_1456], %gather3A_1453 {strides = array<i32>} : memref<6x512xf32, #tpu.memory_space<vmem>>, vector<16xf32>,
    %add3A_1458 = arith.constant 208 : i32
    %add3A_1459 = vector.broadcast %add3A_1458 : i32 to vector<16xi32>
    %add3A_1460 = arith.addi %iota3A, %add3A_1459 : vector<16xi32>
    %gather3A_1461 = tpu.vector_load_idx %arg6[%add3A_1460, %broadcast_in_dim3A_1353] : memref<512x8xf32, #tpu.memory_space<vmem>>[vector<16xi32>, vector<16xi32>], vector<16xf32>,
    %swap3A_1462 = arith.constant 5 : i32
    %swap3A_1463 = arith.index_cast %swap3A_1462 : i32 to index
    %swap3A_1464 = arith.constant 208 : index
    %swap3A_1465 = tpu.vector_load %arg7[%swap3A_1463, %swap3A_1464] {strides = array<i32>} : memref<6x512xf32, #tpu.memory_space<vmem>>, vector<16xf32>,
    tpu.vector_store %arg7[%swap3A_1463, %swap3A_1464], %gather3A_1461 {strides = array<i32>} : memref<6x512xf32, #tpu.memory_space<vmem>>, vector<16xf32>,
    %add3A_1466 = arith.constant 224 : i32
    %add3A_1467 = vector.broadcast %add3A_1466 : i32 to vector<16xi32>
    %add3A_1468 = arith.addi %iota3A, %add3A_1467 : vector<16xi32>
    %gather3A_1469 = tpu.vector_load_idx %arg6[%add3A_1468, %broadcast_in_dim3A_1353] : memref<512x8xf32, #tpu.memory_space<vmem>>[vector<16xi32>, vector<16xi32>], vector<16xf32>,
    %swap3A_1470 = arith.constant 5 : i32
    %swap3A_1471 = arith.index_cast %swap3A_1470 : i32 to index
    %swap3A_1472 = arith.constant 224 : index
    %swap3A_1473 = tpu.vector_load %arg7[%swap3A_1471, %swap3A_1472] {strides = array<i32>} : memref<6x512xf32, #tpu.memory_space<vmem>>, vector<16xf32>,
    tpu.vector_store %arg7[%swap3A_1471, %swap3A_1472], %gather3A_1469 {strides = array<i32>} : memref<6x512xf32, #tpu.memory_space<vmem>>, vector<16xf32>,
    %add3A_1474 = arith.constant 240 : i32
    %add3A_1475 = vector.broadcast %add3A_1474 : i32 to vector<16xi32>
    %add3A_1476 = arith.addi %iota3A, %add3A_1475 : vector<16xi32>
    %gather3A_1477 = tpu.vector_load_idx %arg6[%add3A_1476, %broadcast_in_dim3A_1353] : memref<512x8xf32, #tpu.memory_space<vmem>>[vector<16xi32>, vector<16xi32>], vector<16xf32>,
    %swap3A_1478 = arith.constant 5 : i32
    %swap3A_1479 = arith.index_cast %swap3A_1478 : i32 to index
    %swap3A_1480 = arith.constant 240 : index
    %swap3A_1481 = tpu.vector_load %arg7[%swap3A_1479, %swap3A_1480] {strides = array<i32>} : memref<6x512xf32, #tpu.memory_space<vmem>>, vector<16xf32>,
    tpu.vector_store %arg7[%swap3A_1479, %swap3A_1480], %gather3A_1477 {strides = array<i32>} : memref<6x512xf32, #tpu.memory_space<vmem>>, vector<16xf32>,
    %add3A_1482 = arith.constant 256 : i32
    %add3A_1483 = vector.broadcast %add3A_1482 : i32 to vector<16xi32>
    %add3A_1484 = arith.addi %iota3A, %add3A_1483 : vector<16xi32>
    %gather3A_1485 = tpu.vector_load_idx %arg6[%add3A_1484, %broadcast_in_dim3A_1353] : memref<512x8xf32, #tpu.memory_space<vmem>>[vector<16xi32>, vector<16xi32>], vector<16xf32>,
    %swap3A_1486 = arith.constant 5 : i32
    %swap3A_1487 = arith.index_cast %swap3A_1486 : i32 to index
    %swap3A_1488 = arith.constant 256 : index
    %swap3A_1489 = tpu.vector_load %arg7[%swap3A_1487, %swap3A_1488] {strides = array<i32>} : memref<6x512xf32, #tpu.memory_space<vmem>>, vector<16xf32>,
    tpu.vector_store %arg7[%swap3A_1487, %swap3A_1488], %gather3A_1485 {strides = array<i32>} : memref<6x512xf32, #tpu.memory_space<vmem>>, vector<16xf32>,
    %add3A_1490 = arith.constant 272 : i32
    %add3A_1491 = vector.broadcast %add3A_1490 : i32 to vector<16xi32>
    %add3A_1492 = arith.addi %iota3A, %add3A_1491 : vector<16xi32>
    %gather3A_1493 = tpu.vector_load_idx %arg6[%add3A_1492, %broadcast_in_dim3A_1353] : memref<512x8xf32, #tpu.memory_space<vmem>>[vector<16xi32>, vector<16xi32>], vector<16xf32>,
    %swap3A_1494 = arith.constant 5 : i32
    %swap3A_1495 = arith.index_cast %swap3A_1494 : i32 to index
    %swap3A_1496 = arith.constant 272 : index
    %swap3A_1497 = tpu.vector_load %arg7[%swap3A_1495, %swap3A_1496] {strides = array<i32>} : memref<6x512xf32, #tpu.memory_space<vmem>>, vector<16xf32>,
    tpu.vector_store %arg7[%swap3A_1495, %swap3A_1496], %gather3A_1493 {strides = array<i32>} : memref<6x512xf32, #tpu.memory_space<vmem>>, vector<16xf32>,
    %add3A_1498 = arith.constant 288 : i32
    %add3A_1499 = vector.broadcast %add3A_1498 : i32 to vector<16xi32>
    %add3A_1500 = arith.addi %iota3A, %add3A_1499 : vector<16xi32>
    %gather3A_1501 = tpu.vector_load_idx %arg6[%add3A_1500, %broadcast_in_dim3A_1353] : memref<512x8xf32, #tpu.memory_space<vmem>>[vector<16xi32>, vector<16xi32>], vector<16xf32>,
    %swap3A_1502 = arith.constant 5 : i32
    %swap3A_1503 = arith.index_cast %swap3A_1502 : i32 to index
    %swap3A_1504 = arith.constant 288 : index
    %swap3A_1505 = tpu.vector_load %arg7[%swap3A_1503, %swap3A_1504] {strides = array<i32>} : memref<6x512xf32, #tpu.memory_space<vmem>>, vector<16xf32>,
    tpu.vector_store %arg7[%swap3A_1503, %swap3A_1504], %gather3A_1501 {strides = array<i32>} : memref<6x512xf32, #tpu.memory_space<vmem>>, vector<16xf32>,
    %add3A_1506 = arith.constant 304 : i32
    %add3A_1507 = vector.broadcast %add3A_1506 : i32 to vector<16xi32>
    %add3A_1508 = arith.addi %iota3A, %add3A_1507 : vector<16xi32>
    %gather3A_1509 = tpu.vector_load_idx %arg6[%add3A_1508, %broadcast_in_dim3A_1353] : memref<512x8xf32, #tpu.memory_space<vmem>>[vector<16xi32>, vector<16xi32>], vector<16xf32>,
    %swap3A_1510 = arith.constant 5 : i32
    %swap3A_1511 = arith.index_cast %swap3A_1510 : i32 to index
    %swap3A_1512 = arith.constant 304 : index
    %swap3A_1513 = tpu.vector_load %arg7[%swap3A_1511, %swap3A_1512] {strides = array<i32>} : memref<6x512xf32, #tpu.memory_space<vmem>>, vector<16xf32>,
    tpu.vector_store %arg7[%swap3A_1511, %swap3A_1512], %gather3A_1509 {strides = array<i32>} : memref<6x512xf32, #tpu.memory_space<vmem>>, vector<16xf32>,
    %add3A_1514 = arith.constant 320 : i32
    %add3A_1515 = vector.broadcast %add3A_1514 : i32 to vector<16xi32>
    %add3A_1516 = arith.addi %iota3A, %add3A_1515 : vector<16xi32>
    %gather3A_1517 = tpu.vector_load_idx %arg6[%add3A_1516, %broadcast_in_dim3A_1353] : memref<512x8xf32, #tpu.memory_space<vmem>>[vector<16xi32>, vector<16xi32>], vector<16xf32>,
    %swap3A_1518 = arith.constant 5 : i32
    %swap3A_1519 = arith.index_cast %swap3A_1518 : i32 to index
    %swap3A_1520 = arith.constant 320 : index
    %swap3A_1521 = tpu.vector_load %arg7[%swap3A_1519, %swap3A_1520] {strides = array<i32>} : memref<6x512xf32, #tpu.memory_space<vmem>>, vector<16xf32>,
    tpu.vector_store %arg7[%swap3A_1519, %swap3A_1520], %gather3A_1517 {strides = array<i32>} : memref<6x512xf32, #tpu.memory_space<vmem>>, vector<16xf32>,
    %add3A_1522 = arith.constant 336 : i32
    %add3A_1523 = vector.broadcast %add3A_1522 : i32 to vector<16xi32>
    %add3A_1524 = arith.addi %iota3A, %add3A_1523 : vector<16xi32>
    %gather3A_1525 = tpu.vector_load_idx %arg6[%add3A_1524, %broadcast_in_dim3A_1353] : memref<512x8xf32, #tpu.memory_space<vmem>>[vector<16xi32>, vector<16xi32>], vector<16xf32>,
    %swap3A_1526 = arith.constant 5 : i32
    %swap3A_1527 = arith.index_cast %swap3A_1526 : i32 to index
    %swap3A_1528 = arith.constant 336 : index
    %swap3A_1529 = tpu.vector_load %arg7[%swap3A_1527, %swap3A_1528] {strides = array<i32>} : memref<6x512xf32, #tpu.memory_space<vmem>>, vector<16xf32>,
    tpu.vector_store %arg7[%swap3A_1527, %swap3A_1528], %gather3A_1525 {strides = array<i32>} : memref<6x512xf32, #tpu.memory_space<vmem>>, vector<16xf32>,
    %add3A_1530 = arith.constant 352 : i32
    %add3A_1531 = vector.broadcast %add3A_1530 : i32 to vector<16xi32>
    %add3A_1532 = arith.addi %iota3A, %add3A_1531 : vector<16xi32>
    %gather3A_1533 = tpu.vector_load_idx %arg6[%add3A_1532, %broadcast_in_dim3A_1353] : memref<512x8xf32, #tpu.memory_space<vmem>>[vector<16xi32>, vector<16xi32>], vector<16xf32>,
    %swap3A_1534 = arith.constant 5 : i32
    %swap3A_1535 = arith.index_cast %swap3A_1534 : i32 to index
    %swap3A_1536 = arith.constant 352 : index
    %swap3A_1537 = tpu.vector_load %arg7[%swap3A_1535, %swap3A_1536] {strides = array<i32>} : memref<6x512xf32, #tpu.memory_space<vmem>>, vector<16xf32>,
    tpu.vector_store %arg7[%swap3A_1535, %swap3A_1536], %gather3A_1533 {strides = array<i32>} : memref<6x512xf32, #tpu.memory_space<vmem>>, vector<16xf32>,
    %add3A_1538 = arith.constant 368 : i32
    %add3A_1539 = vector.broadcast %add3A_1538 : i32 to vector<16xi32>
    %add3A_1540 = arith.addi %iota3A, %add3A_1539 : vector<16xi32>
    %gather3A_1541 = tpu.vector_load_idx %arg6[%add3A_1540, %broadcast_in_dim3A_1353] : memref<512x8xf32, #tpu.memory_space<vmem>>[vector<16xi32>, vector<16xi32>], vector<16xf32>,
    %swap3A_1542 = arith.constant 5 : i32
    %swap3A_1543 = arith.index_cast %swap3A_1542 : i32 to index
    %swap3A_1544 = arith.constant 368 : index
    %swap3A_1545 = tpu.vector_load %arg7[%swap3A_1543, %swap3A_1544] {strides = array<i32>} : memref<6x512xf32, #tpu.memory_space<vmem>>, vector<16xf32>,
    tpu.vector_store %arg7[%swap3A_1543, %swap3A_1544], %gather3A_1541 {strides = array<i32>} : memref<6x512xf32, #tpu.memory_space<vmem>>, vector<16xf32>,
    %add3A_1546 = arith.constant 384 : i32
    %add3A_1547 = vector.broadcast %add3A_1546 : i32 to vector<16xi32>
    %add3A_1548 = arith.addi %iota3A, %add3A_1547 : vector<16xi32>
    %gather3A_1549 = tpu.vector_load_idx %arg6[%add3A_1548, %broadcast_in_dim3A_1353] : memref<512x8xf32, #tpu.memory_space<vmem>>[vector<16xi32>, vector<16xi32>], vector<16xf32>,
    %swap3A_1550 = arith.constant 5 : i32
    %swap3A_1551 = arith.index_cast %swap3A_1550 : i32 to index
    %swap3A_1552 = arith.constant 384 : index
    %swap3A_1553 = tpu.vector_load %arg7[%swap3A_1551, %swap3A_1552] {strides = array<i32>} : memref<6x512xf32, #tpu.memory_space<vmem>>, vector<16xf32>,
    tpu.vector_store %arg7[%swap3A_1551, %swap3A_1552], %gather3A_1549 {strides = array<i32>} : memref<6x512xf32, #tpu.memory_space<vmem>>, vector<16xf32>,
    %add3A_1554 = arith.constant 400 : i32
    %add3A_1555 = vector.broadcast %add3A_1554 : i32 to vector<16xi32>
    %add3A_1556 = arith.addi %iota3A, %add3A_1555 : vector<16xi32>
    %gather3A_1557 = tpu.vector_load_idx %arg6[%add3A_1556, %broadcast_in_dim3A_1353] : memref<512x8xf32, #tpu.memory_space<vmem>>[vector<16xi32>, vector<16xi32>], vector<16xf32>,
    %swap3A_1558 = arith.constant 5 : i32
    %swap3A_1559 = arith.index_cast %swap3A_1558 : i32 to index
    %swap3A_1560 = arith.constant 400 : index
    %swap3A_1561 = tpu.vector_load %arg7[%swap3A_1559, %swap3A_1560] {strides = array<i32>} : memref<6x512xf32, #tpu.memory_space<vmem>>, vector<16xf32>,
    tpu.vector_store %arg7[%swap3A_1559, %swap3A_1560], %gather3A_1557 {strides = array<i32>} : memref<6x512xf32, #tpu.memory_space<vmem>>, vector<16xf32>,
    %add3A_1562 = arith.constant 416 : i32
    %add3A_1563 = vector.broadcast %add3A_1562 : i32 to vector<16xi32>
    %add3A_1564 = arith.addi %iota3A, %add3A_1563 : vector<16xi32>
    %gather3A_1565 = tpu.vector_load_idx %arg6[%add3A_1564, %broadcast_in_dim3A_1353] : memref<512x8xf32, #tpu.memory_space<vmem>>[vector<16xi32>, vector<16xi32>], vector<16xf32>,
    %swap3A_1566 = arith.constant 5 : i32
    %swap3A_1567 = arith.index_cast %swap3A_1566 : i32 to index
    %swap3A_1568 = arith.constant 416 : index
    %swap3A_1569 = tpu.vector_load %arg7[%swap3A_1567, %swap3A_1568] {strides = array<i32>} : memref<6x512xf32, #tpu.memory_space<vmem>>, vector<16xf32>,
    tpu.vector_store %arg7[%swap3A_1567, %swap3A_1568], %gather3A_1565 {strides = array<i32>} : memref<6x512xf32, #tpu.memory_space<vmem>>, vector<16xf32>,
    %add3A_1570 = arith.constant 432 : i32
    %add3A_1571 = vector.broadcast %add3A_1570 : i32 to vector<16xi32>
    %add3A_1572 = arith.addi %iota3A, %add3A_1571 : vector<16xi32>
    %gather3A_1573 = tpu.vector_load_idx %arg6[%add3A_1572, %broadcast_in_dim3A_1353] : memref<512x8xf32, #tpu.memory_space<vmem>>[vector<16xi32>, vector<16xi32>], vector<16xf32>,
    %swap3A_1574 = arith.constant 5 : i32
    %swap3A_1575 = arith.index_cast %swap3A_1574 : i32 to index
    %swap3A_1576 = arith.constant 432 : index
    %swap3A_1577 = tpu.vector_load %arg7[%swap3A_1575, %swap3A_1576] {strides = array<i32>} : memref<6x512xf32, #tpu.memory_space<vmem>>, vector<16xf32>,
    tpu.vector_store %arg7[%swap3A_1575, %swap3A_1576], %gather3A_1573 {strides = array<i32>} : memref<6x512xf32, #tpu.memory_space<vmem>>, vector<16xf32>,
    %add3A_1578 = arith.constant 448 : i32
    %add3A_1579 = vector.broadcast %add3A_1578 : i32 to vector<16xi32>
    %add3A_1580 = arith.addi %iota3A, %add3A_1579 : vector<16xi32>
    %gather3A_1581 = tpu.vector_load_idx %arg6[%add3A_1580, %broadcast_in_dim3A_1353] : memref<512x8xf32, #tpu.memory_space<vmem>>[vector<16xi32>, vector<16xi32>], vector<16xf32>,
    %swap3A_1582 = arith.constant 5 : i32
    %swap3A_1583 = arith.index_cast %swap3A_1582 : i32 to index
    %swap3A_1584 = arith.constant 448 : index
    %swap3A_1585 = tpu.vector_load %arg7[%swap3A_1583, %swap3A_1584] {strides = array<i32>} : memref<6x512xf32, #tpu.memory_space<vmem>>, vector<16xf32>,
    tpu.vector_store %arg7[%swap3A_1583, %swap3A_1584], %gather3A_1581 {strides = array<i32>} : memref<6x512xf32, #tpu.memory_space<vmem>>, vector<16xf32>,
    %add3A_1586 = arith.constant 464 : i32
    %add3A_1587 = vector.broadcast %add3A_1586 : i32 to vector<16xi32>
    %add3A_1588 = arith.addi %iota3A, %add3A_1587 : vector<16xi32>
    %gather3A_1589 = tpu.vector_load_idx %arg6[%add3A_1588, %broadcast_in_dim3A_1353] : memref<512x8xf32, #tpu.memory_space<vmem>>[vector<16xi32>, vector<16xi32>], vector<16xf32>,
    %swap3A_1590 = arith.constant 5 : i32
    %swap3A_1591 = arith.index_cast %swap3A_1590 : i32 to index
    %swap3A_1592 = arith.constant 464 : index
    %swap3A_1593 = tpu.vector_load %arg7[%swap3A_1591, %swap3A_1592] {strides = array<i32>} : memref<6x512xf32, #tpu.memory_space<vmem>>, vector<16xf32>,
    tpu.vector_store %arg7[%swap3A_1591, %swap3A_1592], %gather3A_1589 {strides = array<i32>} : memref<6x512xf32, #tpu.memory_space<vmem>>, vector<16xf32>,
    %add3A_1594 = arith.constant 480 : i32
    %add3A_1595 = vector.broadcast %add3A_1594 : i32 to vector<16xi32>
    %add3A_1596 = arith.addi %iota3A, %add3A_1595 : vector<16xi32>
    %gather3A_1597 = tpu.vector_load_idx %arg6[%add3A_1596, %broadcast_in_dim3A_1353] : memref<512x8xf32, #tpu.memory_space<vmem>>[vector<16xi32>, vector<16xi32>], vector<16xf32>,
    %swap3A_1598 = arith.constant 5 : i32
    %swap3A_1599 = arith.index_cast %swap3A_1598 : i32 to index
    %swap3A_1600 = arith.constant 480 : index
    %swap3A_1601 = tpu.vector_load %arg7[%swap3A_1599, %swap3A_1600] {strides = array<i32>} : memref<6x512xf32, #tpu.memory_space<vmem>>, vector<16xf32>,
    tpu.vector_store %arg7[%swap3A_1599, %swap3A_1600], %gather3A_1597 {strides = array<i32>} : memref<6x512xf32, #tpu.memory_space<vmem>>, vector<16xf32>,
    %add3A_1602 = arith.constant 496 : i32
    %add3A_1603 = vector.broadcast %add3A_1602 : i32 to vector<16xi32>
    %add3A_1604 = arith.addi %iota3A, %add3A_1603 : vector<16xi32>
    %gather3A_1605 = tpu.vector_load_idx %arg6[%add3A_1604, %broadcast_in_dim3A_1353] : memref<512x8xf32, #tpu.memory_space<vmem>>[vector<16xi32>, vector<16xi32>], vector<16xf32>,
    %swap3A_1606 = arith.constant 5 : i32
    %swap3A_1607 = arith.index_cast %swap3A_1606 : i32 to index
    %swap3A_1608 = arith.constant 496 : index
    %swap3A_1609 = tpu.vector_load %arg7[%swap3A_1607, %swap3A_1608] {strides = array<i32>} : memref<6x512xf32, #tpu.memory_space<vmem>>, vector<16xf32>,
    tpu.vector_store %arg7[%swap3A_1607, %swap3A_1608], %gather3A_1605 {strides = array<i32>} : memref<6x512xf32, #tpu.memory_space<vmem>>, vector<16xf32>,
    %run_scoped3A = arith.constant 0 : i32
    %run_scoped3A_1610 = arith.constant 0 : i32
    "tpu.region"() ({
      %run_scoped3A_1621 = tpu.sem_alloc : memref<!tpu.dma_semaphore, #tpu.memory_space<semaphore_mem>>
      %dma_start3A_1622 = arith.constant 0 : i32
      %dma_start3A_1623 = tpu.memref_slice %arg7[%run_scoped3A, %dma_start3A_1622] : memref<6x512xf32, #tpu.memory_space<vmem>> -> memref<1x512xf32, #tpu.memory_space<vmem>>
      %dma_start3A_1624 = tpu.memref_squeeze %dma_start3A_1623 : memref<1x512xf32, #tpu.memory_space<vmem>> -> memref<512xf32, #tpu.memory_space<vmem>>
      %dma_start3A_1625 = tpu.memref_slice %arg4[%run_scoped3A_1610, %mul3A_2] : memref<8x16384xf32, #tpu.memory_space<hbm>> -> memref<1x512xf32, #tpu.memory_space<hbm>>
      %dma_start3A_1626 = tpu.memref_squeeze %dma_start3A_1625 : memref<1x512xf32, #tpu.memory_space<hbm>> -> memref<512xf32, #tpu.memory_space<hbm>>
      %dma_start3A_1627 = tpu.memref_slice %arg4[%run_scoped3A_1610, %mul3A_2] : memref<8x16384xf32, #tpu.memory_space<hbm>> -> memref<1x512xf32, #tpu.memory_space<hbm>>
      %dma_start3A_1628 = tpu.memref_squeeze %dma_start3A_1627 : memref<1x512xf32, #tpu.memory_space<hbm>> -> memref<512xf32, #tpu.memory_space<hbm>>
      %dma_start3A_1629 = arith.constant 0 : i32
      %dma_start3A_1630 = tpu.memref_slice %arg7[%run_scoped3A, %dma_start3A_1629] : memref<6x512xf32, #tpu.memory_space<vmem>> -> memref<1x512xf32, #tpu.memory_space<vmem>>
      %dma_start3A_1631 = tpu.memref_squeeze %dma_start3A_1630 : memref<1x512xf32, #tpu.memory_space<vmem>> -> memref<512xf32, #tpu.memory_space<vmem>>
      tpu.enqueue_dma source(%dma_start3A_1631 : memref<512xf32, #tpu.memory_space<vmem>>) target(%dma_start3A_1628 : memref<512xf32, #tpu.memory_space<hbm>>) target_semaphore(%run_scoped3A_1621 : memref<!tpu.dma_semaphore, #tpu.memory_space<semaphore_mem>>)
      %dma_wait3A_1632 = arith.constant 0 : i32
      %dma_wait3A_1633 = tpu.memref_slice %arg7[%run_scoped3A, %dma_wait3A_1632] : memref<6x512xf32, #tpu.memory_space<vmem>> -> memref<1x512xf32, #tpu.memory_space<vmem>>
      %dma_wait3A_1634 = tpu.memref_squeeze %dma_wait3A_1633 : memref<1x512xf32, #tpu.memory_space<vmem>> -> memref<512xf32, #tpu.memory_space<vmem>>
      %dma_wait3A_1635 = tpu.memref_slice %arg4[%run_scoped3A_1610, %mul3A_2] : memref<8x16384xf32, #tpu.memory_space<hbm>> -> memref<1x512xf32, #tpu.memory_space<hbm>>
      %dma_wait3A_1636 = tpu.memref_squeeze %dma_wait3A_1635 : memref<1x512xf32, #tpu.memory_space<hbm>> -> memref<512xf32, #tpu.memory_space<hbm>>
      %dma_wait3A_1637 = tpu.memref_slice %arg4[%run_scoped3A_1610, %mul3A_2] : memref<8x16384xf32, #tpu.memory_space<hbm>> -> memref<1x512xf32, #tpu.memory_space<hbm>>
      %dma_wait3A_1638 = tpu.memref_squeeze %dma_wait3A_1637 : memref<1x512xf32, #tpu.memory_space<hbm>> -> memref<512xf32, #tpu.memory_space<hbm>>
      %dma_wait3A_1639 = arith.constant 0 : i32
      %dma_wait3A_1640 = tpu.memref_slice %arg7[%run_scoped3A, %dma_wait3A_1639] : memref<6x512xf32, #tpu.memory_space<vmem>> -> memref<1x512xf32, #tpu.memory_space<vmem>>
      %dma_wait3A_1641 = tpu.memref_squeeze %dma_wait3A_1640 : memref<1x512xf32, #tpu.memory_space<vmem>> -> memref<512xf32, #tpu.memory_space<vmem>>
      tpu.wait_dma2 semaphore(%run_scoped3A_1621 : memref<!tpu.dma_semaphore, #tpu.memory_space<semaphore_mem>>) src(%dma_wait3A_1641 : memref<512xf32, #tpu.memory_space<vmem>>) dst(%dma_wait3A_1638 : memref<512xf32, #tpu.memory_space<hbm>>)
      tpu.yield
    }) : () -> ()
    %run_scoped3A_1611 = arith.constant 1 : i32
    %run_scoped3A_1612 = arith.constant 1 : i32
    "tpu.region"() ({
      %run_scoped3A_1621 = tpu.sem_alloc : memref<!tpu.dma_semaphore, #tpu.memory_space<semaphore_mem>>
      %dma_start3A_1622 = arith.constant 0 : i32
      %dma_start3A_1623 = tpu.memref_slice %arg7[%run_scoped3A_1611, %dma_start3A_1622] : memref<6x512xf32, #tpu.memory_space<vmem>> -> memref<1x512xf32, #tpu.memory_space<vmem>>
      %dma_start3A_1624 = tpu.memref_squeeze %dma_start3A_1623 : memref<1x512xf32, #tpu.memory_space<vmem>> -> memref<512xf32, #tpu.memory_space<vmem>>
      %dma_start3A_1625 = tpu.memref_slice %arg4[%run_scoped3A_1612, %mul3A_2] : memref<8x16384xf32, #tpu.memory_space<hbm>> -> memref<1x512xf32, #tpu.memory_space<hbm>>
      %dma_start3A_1626 = tpu.memref_squeeze %dma_start3A_1625 : memref<1x512xf32, #tpu.memory_space<hbm>> -> memref<512xf32, #tpu.memory_space<hbm>>
      %dma_start3A_1627 = tpu.memref_slice %arg4[%run_scoped3A_1612, %mul3A_2] : memref<8x16384xf32, #tpu.memory_space<hbm>> -> memref<1x512xf32, #tpu.memory_space<hbm>>
      %dma_start3A_1628 = tpu.memref_squeeze %dma_start3A_1627 : memref<1x512xf32, #tpu.memory_space<hbm>> -> memref<512xf32, #tpu.memory_space<hbm>>
      %dma_start3A_1629 = arith.constant 0 : i32
      %dma_start3A_1630 = tpu.memref_slice %arg7[%run_scoped3A_1611, %dma_start3A_1629] : memref<6x512xf32, #tpu.memory_space<vmem>> -> memref<1x512xf32, #tpu.memory_space<vmem>>
      %dma_start3A_1631 = tpu.memref_squeeze %dma_start3A_1630 : memref<1x512xf32, #tpu.memory_space<vmem>> -> memref<512xf32, #tpu.memory_space<vmem>>
      tpu.enqueue_dma source(%dma_start3A_1631 : memref<512xf32, #tpu.memory_space<vmem>>) target(%dma_start3A_1628 : memref<512xf32, #tpu.memory_space<hbm>>) target_semaphore(%run_scoped3A_1621 : memref<!tpu.dma_semaphore, #tpu.memory_space<semaphore_mem>>)
      %dma_wait3A_1632 = arith.constant 0 : i32
      %dma_wait3A_1633 = tpu.memref_slice %arg7[%run_scoped3A_1611, %dma_wait3A_1632] : memref<6x512xf32, #tpu.memory_space<vmem>> -> memref<1x512xf32, #tpu.memory_space<vmem>>
      %dma_wait3A_1634 = tpu.memref_squeeze %dma_wait3A_1633 : memref<1x512xf32, #tpu.memory_space<vmem>> -> memref<512xf32, #tpu.memory_space<vmem>>
      %dma_wait3A_1635 = tpu.memref_slice %arg4[%run_scoped3A_1612, %mul3A_2] : memref<8x16384xf32, #tpu.memory_space<hbm>> -> memref<1x512xf32, #tpu.memory_space<hbm>>
      %dma_wait3A_1636 = tpu.memref_squeeze %dma_wait3A_1635 : memref<1x512xf32, #tpu.memory_space<hbm>> -> memref<512xf32, #tpu.memory_space<hbm>>
      %dma_wait3A_1637 = tpu.memref_slice %arg4[%run_scoped3A_1612, %mul3A_2] : memref<8x16384xf32, #tpu.memory_space<hbm>> -> memref<1x512xf32, #tpu.memory_space<hbm>>
      %dma_wait3A_1638 = tpu.memref_squeeze %dma_wait3A_1637 : memref<1x512xf32, #tpu.memory_space<hbm>> -> memref<512xf32, #tpu.memory_space<hbm>>
      %dma_wait3A_1639 = arith.constant 0 : i32
      %dma_wait3A_1640 = tpu.memref_slice %arg7[%run_scoped3A_1611, %dma_wait3A_1639] : memref<6x512xf32, #tpu.memory_space<vmem>> -> memref<1x512xf32, #tpu.memory_space<vmem>>
      %dma_wait3A_1641 = tpu.memref_squeeze %dma_wait3A_1640 : memref<1x512xf32, #tpu.memory_space<vmem>> -> memref<512xf32, #tpu.memory_space<vmem>>
      tpu.wait_dma2 semaphore(%run_scoped3A_1621 : memref<!tpu.dma_semaphore, #tpu.memory_space<semaphore_mem>>) src(%dma_wait3A_1641 : memref<512xf32, #tpu.memory_space<vmem>>) dst(%dma_wait3A_1638 : memref<512xf32, #tpu.memory_space<hbm>>)
      tpu.yield
    }) : () -> ()
    %run_scoped3A_1613 = arith.constant 2 : i32
    %run_scoped3A_1614 = arith.constant 2 : i32
    "tpu.region"() ({
      %run_scoped3A_1621 = tpu.sem_alloc : memref<!tpu.dma_semaphore, #tpu.memory_space<semaphore_mem>>
      %dma_start3A_1622 = arith.constant 0 : i32
      %dma_start3A_1623 = tpu.memref_slice %arg7[%run_scoped3A_1613, %dma_start3A_1622] : memref<6x512xf32, #tpu.memory_space<vmem>> -> memref<1x512xf32, #tpu.memory_space<vmem>>
      %dma_start3A_1624 = tpu.memref_squeeze %dma_start3A_1623 : memref<1x512xf32, #tpu.memory_space<vmem>> -> memref<512xf32, #tpu.memory_space<vmem>>
      %dma_start3A_1625 = tpu.memref_slice %arg4[%run_scoped3A_1614, %mul3A_2] : memref<8x16384xf32, #tpu.memory_space<hbm>> -> memref<1x512xf32, #tpu.memory_space<hbm>>
      %dma_start3A_1626 = tpu.memref_squeeze %dma_start3A_1625 : memref<1x512xf32, #tpu.memory_space<hbm>> -> memref<512xf32, #tpu.memory_space<hbm>>
      %dma_start3A_1627 = tpu.memref_slice %arg4[%run_scoped3A_1614, %mul3A_2] : memref<8x16384xf32, #tpu.memory_space<hbm>> -> memref<1x512xf32, #tpu.memory_space<hbm>>
      %dma_start3A_1628 = tpu.memref_squeeze %dma_start3A_1627 : memref<1x512xf32, #tpu.memory_space<hbm>> -> memref<512xf32, #tpu.memory_space<hbm>>
      %dma_start3A_1629 = arith.constant 0 : i32
      %dma_start3A_1630 = tpu.memref_slice %arg7[%run_scoped3A_1613, %dma_start3A_1629] : memref<6x512xf32, #tpu.memory_space<vmem>> -> memref<1x512xf32, #tpu.memory_space<vmem>>
      %dma_start3A_1631 = tpu.memref_squeeze %dma_start3A_1630 : memref<1x512xf32, #tpu.memory_space<vmem>> -> memref<512xf32, #tpu.memory_space<vmem>>
      tpu.enqueue_dma source(%dma_start3A_1631 : memref<512xf32, #tpu.memory_space<vmem>>) target(%dma_start3A_1628 : memref<512xf32, #tpu.memory_space<hbm>>) target_semaphore(%run_scoped3A_1621 : memref<!tpu.dma_semaphore, #tpu.memory_space<semaphore_mem>>)
      %dma_wait3A_1632 = arith.constant 0 : i32
      %dma_wait3A_1633 = tpu.memref_slice %arg7[%run_scoped3A_1613, %dma_wait3A_1632] : memref<6x512xf32, #tpu.memory_space<vmem>> -> memref<1x512xf32, #tpu.memory_space<vmem>>
      %dma_wait3A_1634 = tpu.memref_squeeze %dma_wait3A_1633 : memref<1x512xf32, #tpu.memory_space<vmem>> -> memref<512xf32, #tpu.memory_space<vmem>>
      %dma_wait3A_1635 = tpu.memref_slice %arg4[%run_scoped3A_1614, %mul3A_2] : memref<8x16384xf32, #tpu.memory_space<hbm>> -> memref<1x512xf32, #tpu.memory_space<hbm>>
      %dma_wait3A_1636 = tpu.memref_squeeze %dma_wait3A_1635 : memref<1x512xf32, #tpu.memory_space<hbm>> -> memref<512xf32, #tpu.memory_space<hbm>>
      %dma_wait3A_1637 = tpu.memref_slice %arg4[%run_scoped3A_1614, %mul3A_2] : memref<8x16384xf32, #tpu.memory_space<hbm>> -> memref<1x512xf32, #tpu.memory_space<hbm>>
      %dma_wait3A_1638 = tpu.memref_squeeze %dma_wait3A_1637 : memref<1x512xf32, #tpu.memory_space<hbm>> -> memref<512xf32, #tpu.memory_space<hbm>>
      %dma_wait3A_1639 = arith.constant 0 : i32
      %dma_wait3A_1640 = tpu.memref_slice %arg7[%run_scoped3A_1613, %dma_wait3A_1639] : memref<6x512xf32, #tpu.memory_space<vmem>> -> memref<1x512xf32, #tpu.memory_space<vmem>>
      %dma_wait3A_1641 = tpu.memref_squeeze %dma_wait3A_1640 : memref<1x512xf32, #tpu.memory_space<vmem>> -> memref<512xf32, #tpu.memory_space<vmem>>
      tpu.wait_dma2 semaphore(%run_scoped3A_1621 : memref<!tpu.dma_semaphore, #tpu.memory_space<semaphore_mem>>) src(%dma_wait3A_1641 : memref<512xf32, #tpu.memory_space<vmem>>) dst(%dma_wait3A_1638 : memref<512xf32, #tpu.memory_space<hbm>>)
      tpu.yield
    }) : () -> ()
    %run_scoped3A_1615 = arith.constant 3 : i32
    %run_scoped3A_1616 = arith.constant 3 : i32
    "tpu.region"() ({
      %run_scoped3A_1621 = tpu.sem_alloc : memref<!tpu.dma_semaphore, #tpu.memory_space<semaphore_mem>>
      %dma_start3A_1622 = arith.constant 0 : i32
      %dma_start3A_1623 = tpu.memref_slice %arg7[%run_scoped3A_1615, %dma_start3A_1622] : memref<6x512xf32, #tpu.memory_space<vmem>> -> memref<1x512xf32, #tpu.memory_space<vmem>>
      %dma_start3A_1624 = tpu.memref_squeeze %dma_start3A_1623 : memref<1x512xf32, #tpu.memory_space<vmem>> -> memref<512xf32, #tpu.memory_space<vmem>>
      %dma_start3A_1625 = tpu.memref_slice %arg4[%run_scoped3A_1616, %mul3A_2] : memref<8x16384xf32, #tpu.memory_space<hbm>> -> memref<1x512xf32, #tpu.memory_space<hbm>>
      %dma_start3A_1626 = tpu.memref_squeeze %dma_start3A_1625 : memref<1x512xf32, #tpu.memory_space<hbm>> -> memref<512xf32, #tpu.memory_space<hbm>>
      %dma_start3A_1627 = tpu.memref_slice %arg4[%run_scoped3A_1616, %mul3A_2] : memref<8x16384xf32, #tpu.memory_space<hbm>> -> memref<1x512xf32, #tpu.memory_space<hbm>>
      %dma_start3A_1628 = tpu.memref_squeeze %dma_start3A_1627 : memref<1x512xf32, #tpu.memory_space<hbm>> -> memref<512xf32, #tpu.memory_space<hbm>>
      %dma_start3A_1629 = arith.constant 0 : i32
      %dma_start3A_1630 = tpu.memref_slice %arg7[%run_scoped3A_1615, %dma_start3A_1629] : memref<6x512xf32, #tpu.memory_space<vmem>> -> memref<1x512xf32, #tpu.memory_space<vmem>>
      %dma_start3A_1631 = tpu.memref_squeeze %dma_start3A_1630 : memref<1x512xf32, #tpu.memory_space<vmem>> -> memref<512xf32, #tpu.memory_space<vmem>>
      tpu.enqueue_dma source(%dma_start3A_1631 : memref<512xf32, #tpu.memory_space<vmem>>) target(%dma_start3A_1628 : memref<512xf32, #tpu.memory_space<hbm>>) target_semaphore(%run_scoped3A_1621 : memref<!tpu.dma_semaphore, #tpu.memory_space<semaphore_mem>>)
      %dma_wait3A_1632 = arith.constant 0 : i32
      %dma_wait3A_1633 = tpu.memref_slice %arg7[%run_scoped3A_1615, %dma_wait3A_1632] : memref<6x512xf32, #tpu.memory_space<vmem>> -> memref<1x512xf32, #tpu.memory_space<vmem>>
      %dma_wait3A_1634 = tpu.memref_squeeze %dma_wait3A_1633 : memref<1x512xf32, #tpu.memory_space<vmem>> -> memref<512xf32, #tpu.memory_space<vmem>>
      %dma_wait3A_1635 = tpu.memref_slice %arg4[%run_scoped3A_1616, %mul3A_2] : memref<8x16384xf32, #tpu.memory_space<hbm>> -> memref<1x512xf32, #tpu.memory_space<hbm>>
      %dma_wait3A_1636 = tpu.memref_squeeze %dma_wait3A_1635 : memref<1x512xf32, #tpu.memory_space<hbm>> -> memref<512xf32, #tpu.memory_space<hbm>>
      %dma_wait3A_1637 = tpu.memref_slice %arg4[%run_scoped3A_1616, %mul3A_2] : memref<8x16384xf32, #tpu.memory_space<hbm>> -> memref<1x512xf32, #tpu.memory_space<hbm>>
      %dma_wait3A_1638 = tpu.memref_squeeze %dma_wait3A_1637 : memref<1x512xf32, #tpu.memory_space<hbm>> -> memref<512xf32, #tpu.memory_space<hbm>>
      %dma_wait3A_1639 = arith.constant 0 : i32
      %dma_wait3A_1640 = tpu.memref_slice %arg7[%run_scoped3A_1615, %dma_wait3A_1639] : memref<6x512xf32, #tpu.memory_space<vmem>> -> memref<1x512xf32, #tpu.memory_space<vmem>>
      %dma_wait3A_1641 = tpu.memref_squeeze %dma_wait3A_1640 : memref<1x512xf32, #tpu.memory_space<vmem>> -> memref<512xf32, #tpu.memory_space<vmem>>
      tpu.wait_dma2 semaphore(%run_scoped3A_1621 : memref<!tpu.dma_semaphore, #tpu.memory_space<semaphore_mem>>) src(%dma_wait3A_1641 : memref<512xf32, #tpu.memory_space<vmem>>) dst(%dma_wait3A_1638 : memref<512xf32, #tpu.memory_space<hbm>>)
      tpu.yield
    }) : () -> ()
    %run_scoped3A_1617 = arith.constant 4 : i32
    %run_scoped3A_1618 = arith.constant 4 : i32
    "tpu.region"() ({
      %run_scoped3A_1621 = tpu.sem_alloc : memref<!tpu.dma_semaphore, #tpu.memory_space<semaphore_mem>>
      %dma_start3A_1622 = arith.constant 0 : i32
      %dma_start3A_1623 = tpu.memref_slice %arg7[%run_scoped3A_1617, %dma_start3A_1622] : memref<6x512xf32, #tpu.memory_space<vmem>> -> memref<1x512xf32, #tpu.memory_space<vmem>>
      %dma_start3A_1624 = tpu.memref_squeeze %dma_start3A_1623 : memref<1x512xf32, #tpu.memory_space<vmem>> -> memref<512xf32, #tpu.memory_space<vmem>>
      %dma_start3A_1625 = tpu.memref_slice %arg4[%run_scoped3A_1618, %mul3A_2] : memref<8x16384xf32, #tpu.memory_space<hbm>> -> memref<1x512xf32, #tpu.memory_space<hbm>>
      %dma_start3A_1626 = tpu.memref_squeeze %dma_start3A_1625 : memref<1x512xf32, #tpu.memory_space<hbm>> -> memref<512xf32, #tpu.memory_space<hbm>>
      %dma_start3A_1627 = tpu.memref_slice %arg4[%run_scoped3A_1618, %mul3A_2] : memref<8x16384xf32, #tpu.memory_space<hbm>> -> memref<1x512xf32, #tpu.memory_space<hbm>>
      %dma_start3A_1628 = tpu.memref_squeeze %dma_start3A_1627 : memref<1x512xf32, #tpu.memory_space<hbm>> -> memref<512xf32, #tpu.memory_space<hbm>>
      %dma_start3A_1629 = arith.constant 0 : i32
      %dma_start3A_1630 = tpu.memref_slice %arg7[%run_scoped3A_1617, %dma_start3A_1629] : memref<6x512xf32, #tpu.memory_space<vmem>> -> memref<1x512xf32, #tpu.memory_space<vmem>>
      %dma_start3A_1631 = tpu.memref_squeeze %dma_start3A_1630 : memref<1x512xf32, #tpu.memory_space<vmem>> -> memref<512xf32, #tpu.memory_space<vmem>>
      tpu.enqueue_dma source(%dma_start3A_1631 : memref<512xf32, #tpu.memory_space<vmem>>) target(%dma_start3A_1628 : memref<512xf32, #tpu.memory_space<hbm>>) target_semaphore(%run_scoped3A_1621 : memref<!tpu.dma_semaphore, #tpu.memory_space<semaphore_mem>>)
      %dma_wait3A_1632 = arith.constant 0 : i32
      %dma_wait3A_1633 = tpu.memref_slice %arg7[%run_scoped3A_1617, %dma_wait3A_1632] : memref<6x512xf32, #tpu.memory_space<vmem>> -> memref<1x512xf32, #tpu.memory_space<vmem>>
      %dma_wait3A_1634 = tpu.memref_squeeze %dma_wait3A_1633 : memref<1x512xf32, #tpu.memory_space<vmem>> -> memref<512xf32, #tpu.memory_space<vmem>>
      %dma_wait3A_1635 = tpu.memref_slice %arg4[%run_scoped3A_1618, %mul3A_2] : memref<8x16384xf32, #tpu.memory_space<hbm>> -> memref<1x512xf32, #tpu.memory_space<hbm>>
      %dma_wait3A_1636 = tpu.memref_squeeze %dma_wait3A_1635 : memref<1x512xf32, #tpu.memory_space<hbm>> -> memref<512xf32, #tpu.memory_space<hbm>>
      %dma_wait3A_1637 = tpu.memref_slice %arg4[%run_scoped3A_1618, %mul3A_2] : memref<8x16384xf32, #tpu.memory_space<hbm>> -> memref<1x512xf32, #tpu.memory_space<hbm>>
      %dma_wait3A_1638 = tpu.memref_squeeze %dma_wait3A_1637 : memref<1x512xf32, #tpu.memory_space<hbm>> -> memref<512xf32, #tpu.memory_space<hbm>>
      %dma_wait3A_1639 = arith.constant 0 : i32
      %dma_wait3A_1640 = tpu.memref_slice %arg7[%run_scoped3A_1617, %dma_wait3A_1639] : memref<6x512xf32, #tpu.memory_space<vmem>> -> memref<1x512xf32, #tpu.memory_space<vmem>>
      %dma_wait3A_1641 = tpu.memref_squeeze %dma_wait3A_1640 : memref<1x512xf32, #tpu.memory_space<vmem>> -> memref<512xf32, #tpu.memory_space<vmem>>
      tpu.wait_dma2 semaphore(%run_scoped3A_1621 : memref<!tpu.dma_semaphore, #tpu.memory_space<semaphore_mem>>) src(%dma_wait3A_1641 : memref<512xf32, #tpu.memory_space<vmem>>) dst(%dma_wait3A_1638 : memref<512xf32, #tpu.memory_space<hbm>>)
      tpu.yield
    }) : () -> ()
    %run_scoped3A_1619 = arith.constant 5 : i32
    %run_scoped3A_1620 = arith.constant 5 : i32
    "tpu.region"() ({
      %run_scoped3A_1621 = tpu.sem_alloc : memref<!tpu.dma_semaphore, #tpu.memory_space<semaphore_mem>>
      %dma_start3A_1622 = arith.constant 0 : i32
      %dma_start3A_1623 = tpu.memref_slice %arg7[%run_scoped3A_1619, %dma_start3A_1622] : memref<6x512xf32, #tpu.memory_space<vmem>> -> memref<1x512xf32, #tpu.memory_space<vmem>>
      %dma_start3A_1624 = tpu.memref_squeeze %dma_start3A_1623 : memref<1x512xf32, #tpu.memory_space<vmem>> -> memref<512xf32, #tpu.memory_space<vmem>>
      %dma_start3A_1625 = tpu.memref_slice %arg4[%run_scoped3A_1620, %mul3A_2] : memref<8x16384xf32, #tpu.memory_space<hbm>> -> memref<1x512xf32, #tpu.memory_space<hbm>>
      %dma_start3A_1626 = tpu.memref_squeeze %dma_start3A_1625 : memref<1x512xf32, #tpu.memory_space<hbm>> -> memref<512xf32, #tpu.memory_space<hbm>>
      %dma_start3A_1627 = tpu.memref_slice %arg4[%run_scoped3A_1620, %mul3A_2] : memref<8x16384xf32, #tpu.memory_space<hbm>> -> memref<1x512xf32, #tpu.memory_space<hbm>>
      %dma_start3A_1628 = tpu.memref_squeeze %dma_start3A_1627 : memref<1x512xf32, #tpu.memory_space<hbm>> -> memref<512xf32, #tpu.memory_space<hbm>>
      %dma_start3A_1629 = arith.constant 0 : i32
      %dma_start3A_1630 = tpu.memref_slice %arg7[%run_scoped3A_1619, %dma_start3A_1629] : memref<6x512xf32, #tpu.memory_space<vmem>> -> memref<1x512xf32, #tpu.memory_space<vmem>>
      %dma_start3A_1631 = tpu.memref_squeeze %dma_start3A_1630 : memref<1x512xf32, #tpu.memory_space<vmem>> -> memref<512xf32, #tpu.memory_space<vmem>>
      tpu.enqueue_dma source(%dma_start3A_1631 : memref<512xf32, #tpu.memory_space<vmem>>) target(%dma_start3A_1628 : memref<512xf32, #tpu.memory_space<hbm>>) target_semaphore(%run_scoped3A_1621 : memref<!tpu.dma_semaphore, #tpu.memory_space<semaphore_mem>>)
      %dma_wait3A_1632 = arith.constant 0 : i32
      %dma_wait3A_1633 = tpu.memref_slice %arg7[%run_scoped3A_1619, %dma_wait3A_1632] : memref<6x512xf32, #tpu.memory_space<vmem>> -> memref<1x512xf32, #tpu.memory_space<vmem>>
      %dma_wait3A_1634 = tpu.memref_squeeze %dma_wait3A_1633 : memref<1x512xf32, #tpu.memory_space<vmem>> -> memref<512xf32, #tpu.memory_space<vmem>>
      %dma_wait3A_1635 = tpu.memref_slice %arg4[%run_scoped3A_1620, %mul3A_2] : memref<8x16384xf32, #tpu.memory_space<hbm>> -> memref<1x512xf32, #tpu.memory_space<hbm>>
      %dma_wait3A_1636 = tpu.memref_squeeze %dma_wait3A_1635 : memref<1x512xf32, #tpu.memory_space<hbm>> -> memref<512xf32, #tpu.memory_space<hbm>>
      %dma_wait3A_1637 = tpu.memref_slice %arg4[%run_scoped3A_1620, %mul3A_2] : memref<8x16384xf32, #tpu.memory_space<hbm>> -> memref<1x512xf32, #tpu.memory_space<hbm>>
      %dma_wait3A_1638 = tpu.memref_squeeze %dma_wait3A_1637 : memref<1x512xf32, #tpu.memory_space<hbm>> -> memref<512xf32, #tpu.memory_space<hbm>>
      %dma_wait3A_1639 = arith.constant 0 : i32
      %dma_wait3A_1640 = tpu.memref_slice %arg7[%run_scoped3A_1619, %dma_wait3A_1639] : memref<6x512xf32, #tpu.memory_space<vmem>> -> memref<1x512xf32, #tpu.memory_space<vmem>>
      %dma_wait3A_1641 = tpu.memref_squeeze %dma_wait3A_1640 : memref<1x512xf32, #tpu.memory_space<vmem>> -> memref<512xf32, #tpu.memory_space<vmem>>
      tpu.wait_dma2 semaphore(%run_scoped3A_1621 : memref<!tpu.dma_semaphore, #tpu.memory_space<semaphore_mem>>) src(%dma_wait3A_1641 : memref<512xf32, #tpu.memory_space<vmem>>) dst(%dma_wait3A_1638 : memref<512xf32, #tpu.memory_space<hbm>>)
      tpu.yield
    }) : () -> ()
    return
  }
}

module attributes {stable_mosaic.version = 14 : i64} {
  func.func @_pose_body(%arg0: i32, %arg1: memref<8x4096xf32, #tpu.memory_space<vmem>>, %arg2: memref<3x4xf32, #tpu.memory_space<smem>>, %arg3: memref<4096x16xf32, #tpu.memory_space<vmem>>) attributes {dimension_semantics = [#tpu.dimension_semantics<arbitrary>], iteration_bounds = array<i64: 4>, scalar_prefetch = 0 : i64, scratch_operands = 0 : i64, tpu.core_type = #tpu.core_type<tc>, window_params = [{transform_indices = @transform_0, window_bounds = array<i64: 8, 4096>}, {transform_indices = @transform_1, window_bounds = array<i64: 3, 4>}, {transform_indices = @transform_2, window_bounds = array<i64: 4096, 16>}]} {
    %get3A = arith.constant 0 : index
    %get3A_0 = arith.constant 0 : index
    %get3A_1 = vector.load %arg1[%get3A, %get3A_0] : memref<8x4096xf32, #tpu.memory_space<vmem>>, vector<8x4096xf32>
    %slice3A = vector.extract_strided_slice %get3A_1 {offsets = [0, 0], sizes = [1, 4096], strides = [1, 1]} : vector<8x4096xf32> to vector<1x4096xf32>
    %slice3A_2 = vector.extract_strided_slice %get3A_1 {offsets = [1, 0], sizes = [1, 4096], strides = [1, 1]} : vector<8x4096xf32> to vector<1x4096xf32>
    %slice3A_3 = vector.extract_strided_slice %get3A_1 {offsets = [2, 0], sizes = [1, 4096], strides = [1, 1]} : vector<8x4096xf32> to vector<1x4096xf32>
    %slice3A_4 = vector.extract_strided_slice %get3A_1 {offsets = [3, 0], sizes = [1, 4096], strides = [1, 1]} : vector<8x4096xf32> to vector<1x4096xf32>
    %slice3A_5 = vector.extract_strided_slice %get3A_1 {offsets = [4, 0], sizes = [1, 4096], strides = [1, 1]} : vector<8x4096xf32> to vector<1x4096xf32>
    %slice3A_6 = vector.extract_strided_slice %get3A_1 {offsets = [5, 0], sizes = [1, 4096], strides = [1, 1]} : vector<8x4096xf32> to vector<1x4096xf32>
    %mul3A = arith.mulf %slice3A, %slice3A : vector<1x4096xf32>
    %mul3A_7 = arith.mulf %slice3A_2, %slice3A_2 : vector<1x4096xf32>
    %add3A = arith.addf %mul3A, %mul3A_7 : vector<1x4096xf32>
    %mul3A_8 = arith.mulf %slice3A_3, %slice3A_3 : vector<1x4096xf32>
    %add3A_9 = arith.addf %add3A, %mul3A_8 : vector<1x4096xf32>
    %add3A_10 = arith.constant 9.99999996E-13 : f32
    %add3A_11 = vector.broadcast %add3A_10 : f32 to vector<1x4096xf32>
    %add3A_12 = arith.addf %add3A_9, %add3A_11 : vector<1x4096xf32>
    %sqrt3A = math.sqrt %add3A_12 : vector<1x4096xf32>
    %div3A = arith.constant 1.000000e+00 : f32
    %div3A_13 = vector.broadcast %div3A : f32 to vector<1x4096xf32>
    %div3A_14 = arith.divf %div3A_13, %sqrt3A : vector<1x4096xf32>
    %mul3A_15 = arith.mulf %slice3A, %div3A_14 : vector<1x4096xf32>
    %mul3A_16 = arith.mulf %slice3A_2, %div3A_14 : vector<1x4096xf32>
    %mul3A_17 = arith.mulf %slice3A_3, %div3A_14 : vector<1x4096xf32>
    %sin3A = math.sin %sqrt3A : vector<1x4096xf32>
    %cos3A = math.cos %sqrt3A : vector<1x4096xf32>
    %sub3A = arith.constant 1.000000e+00 : f32
    %sub3A_18 = vector.broadcast %sub3A : f32 to vector<1x4096xf32>
    %sub3A_19 = arith.subf %sub3A_18, %cos3A : vector<1x4096xf32>
    %mul3A_20 = arith.mulf %mul3A_15, %mul3A_15 : vector<1x4096xf32>
    %mul3A_21 = arith.mulf %mul3A_20, %sub3A_19 : vector<1x4096xf32>
    %add3A_22 = arith.addf %cos3A, %mul3A_21 : vector<1x4096xf32>
    %mul3A_23 = arith.mulf %mul3A_15, %mul3A_16 : vector<1x4096xf32>
    %mul3A_24 = arith.mulf %mul3A_23, %sub3A_19 : vector<1x4096xf32>
    %mul3A_25 = arith.mulf %mul3A_17, %sin3A : vector<1x4096xf32>
    %sub3A_26 = arith.subf %mul3A_24, %mul3A_25 : vector<1x4096xf32>
    %mul3A_27 = arith.mulf %mul3A_15, %mul3A_17 : vector<1x4096xf32>
    %mul3A_28 = arith.mulf %mul3A_27, %sub3A_19 : vector<1x4096xf32>
    %mul3A_29 = arith.mulf %mul3A_16, %sin3A : vector<1x4096xf32>
    %add3A_30 = arith.addf %mul3A_28, %mul3A_29 : vector<1x4096xf32>
    %mul3A_31 = arith.mulf %mul3A_16, %mul3A_15 : vector<1x4096xf32>
    %mul3A_32 = arith.mulf %mul3A_31, %sub3A_19 : vector<1x4096xf32>
    %mul3A_33 = arith.mulf %mul3A_17, %sin3A : vector<1x4096xf32>
    %add3A_34 = arith.addf %mul3A_32, %mul3A_33 : vector<1x4096xf32>
    %mul3A_35 = arith.mulf %mul3A_16, %mul3A_16 : vector<1x4096xf32>
    %mul3A_36 = arith.mulf %mul3A_35, %sub3A_19 : vector<1x4096xf32>
    %add3A_37 = arith.addf %cos3A, %mul3A_36 : vector<1x4096xf32>
    %mul3A_38 = arith.mulf %mul3A_16, %mul3A_17 : vector<1x4096xf32>
    %mul3A_39 = arith.mulf %mul3A_38, %sub3A_19 : vector<1x4096xf32>
    %mul3A_40 = arith.mulf %mul3A_15, %sin3A : vector<1x4096xf32>
    %sub3A_41 = arith.subf %mul3A_39, %mul3A_40 : vector<1x4096xf32>
    %mul3A_42 = arith.mulf %mul3A_17, %mul3A_15 : vector<1x4096xf32>
    %mul3A_43 = arith.mulf %mul3A_42, %sub3A_19 : vector<1x4096xf32>
    %mul3A_44 = arith.mulf %mul3A_16, %sin3A : vector<1x4096xf32>
    %sub3A_45 = arith.subf %mul3A_43, %mul3A_44 : vector<1x4096xf32>
    %mul3A_46 = arith.mulf %mul3A_17, %mul3A_16 : vector<1x4096xf32>
    %mul3A_47 = arith.mulf %mul3A_46, %sub3A_19 : vector<1x4096xf32>
    %mul3A_48 = arith.mulf %mul3A_15, %sin3A : vector<1x4096xf32>
    %add3A_49 = arith.addf %mul3A_47, %mul3A_48 : vector<1x4096xf32>
    %mul3A_50 = arith.mulf %mul3A_17, %mul3A_17 : vector<1x4096xf32>
    %mul3A_51 = arith.mulf %mul3A_50, %sub3A_19 : vector<1x4096xf32>
    %add3A_52 = arith.addf %cos3A, %mul3A_51 : vector<1x4096xf32>
    %get3A_53 = arith.constant 0 : index
    %get3A_54 = arith.constant 0 : index
    %get3A_55 = memref.load %arg2[%get3A_53, %get3A_54] : memref<3x4xf32, #tpu.memory_space<smem>>
    %get3A_56 = arith.constant 0 : index
    %get3A_57 = arith.constant 1 : index
    %get3A_58 = memref.load %arg2[%get3A_56, %get3A_57] : memref<3x4xf32, #tpu.memory_space<smem>>
    %get3A_59 = arith.constant 0 : index
    %get3A_60 = arith.constant 2 : index
    %get3A_61 = memref.load %arg2[%get3A_59, %get3A_60] : memref<3x4xf32, #tpu.memory_space<smem>>
    %get3A_62 = arith.constant 0 : index
    %get3A_63 = arith.constant 3 : index
    %get3A_64 = memref.load %arg2[%get3A_62, %get3A_63] : memref<3x4xf32, #tpu.memory_space<smem>>
    %get3A_65 = arith.constant 1 : index
    %get3A_66 = arith.constant 0 : index
    %get3A_67 = memref.load %arg2[%get3A_65, %get3A_66] : memref<3x4xf32, #tpu.memory_space<smem>>
    %get3A_68 = arith.constant 1 : index
    %get3A_69 = arith.constant 1 : index
    %get3A_70 = memref.load %arg2[%get3A_68, %get3A_69] : memref<3x4xf32, #tpu.memory_space<smem>>
    %get3A_71 = arith.constant 1 : index
    %get3A_72 = arith.constant 2 : index
    %get3A_73 = memref.load %arg2[%get3A_71, %get3A_72] : memref<3x4xf32, #tpu.memory_space<smem>>
    %get3A_74 = arith.constant 1 : index
    %get3A_75 = arith.constant 3 : index
    %get3A_76 = memref.load %arg2[%get3A_74, %get3A_75] : memref<3x4xf32, #tpu.memory_space<smem>>
    %get3A_77 = arith.constant 2 : index
    %get3A_78 = arith.constant 0 : index
    %get3A_79 = memref.load %arg2[%get3A_77, %get3A_78] : memref<3x4xf32, #tpu.memory_space<smem>>
    %get3A_80 = arith.constant 2 : index
    %get3A_81 = arith.constant 1 : index
    %get3A_82 = memref.load %arg2[%get3A_80, %get3A_81] : memref<3x4xf32, #tpu.memory_space<smem>>
    %get3A_83 = arith.constant 2 : index
    %get3A_84 = arith.constant 2 : index
    %get3A_85 = memref.load %arg2[%get3A_83, %get3A_84] : memref<3x4xf32, #tpu.memory_space<smem>>
    %get3A_86 = arith.constant 2 : index
    %get3A_87 = arith.constant 3 : index
    %get3A_88 = memref.load %arg2[%get3A_86, %get3A_87] : memref<3x4xf32, #tpu.memory_space<smem>>
    %mul3A_89 = vector.broadcast %get3A_55 : f32 to vector<1x4096xf32>
    %mul3A_90 = arith.mulf %add3A_22, %mul3A_89 : vector<1x4096xf32>
    %mul3A_91 = vector.broadcast %get3A_67 : f32 to vector<1x4096xf32>
    %mul3A_92 = arith.mulf %sub3A_26, %mul3A_91 : vector<1x4096xf32>
    %add3A_93 = arith.addf %mul3A_90, %mul3A_92 : vector<1x4096xf32>
    %mul3A_94 = vector.broadcast %get3A_79 : f32 to vector<1x4096xf32>
    %mul3A_95 = arith.mulf %add3A_30, %mul3A_94 : vector<1x4096xf32>
    %add3A_96 = arith.addf %add3A_93, %mul3A_95 : vector<1x4096xf32>
    %mul3A_97 = vector.broadcast %get3A_58 : f32 to vector<1x4096xf32>
    %mul3A_98 = arith.mulf %add3A_22, %mul3A_97 : vector<1x4096xf32>
    %mul3A_99 = vector.broadcast %get3A_70 : f32 to vector<1x4096xf32>
    %mul3A_100 = arith.mulf %sub3A_26, %mul3A_99 : vector<1x4096xf32>
    %add3A_101 = arith.addf %mul3A_98, %mul3A_100 : vector<1x4096xf32>
    %mul3A_102 = vector.broadcast %get3A_82 : f32 to vector<1x4096xf32>
    %mul3A_103 = arith.mulf %add3A_30, %mul3A_102 : vector<1x4096xf32>
    %add3A_104 = arith.addf %add3A_101, %mul3A_103 : vector<1x4096xf32>
    %mul3A_105 = vector.broadcast %get3A_61 : f32 to vector<1x4096xf32>
    %mul3A_106 = arith.mulf %add3A_22, %mul3A_105 : vector<1x4096xf32>
    %mul3A_107 = vector.broadcast %get3A_73 : f32 to vector<1x4096xf32>
    %mul3A_108 = arith.mulf %sub3A_26, %mul3A_107 : vector<1x4096xf32>
    %add3A_109 = arith.addf %mul3A_106, %mul3A_108 : vector<1x4096xf32>
    %mul3A_110 = vector.broadcast %get3A_85 : f32 to vector<1x4096xf32>
    %mul3A_111 = arith.mulf %add3A_30, %mul3A_110 : vector<1x4096xf32>
    %add3A_112 = arith.addf %add3A_109, %mul3A_111 : vector<1x4096xf32>
    %mul3A_113 = vector.broadcast %get3A_64 : f32 to vector<1x4096xf32>
    %mul3A_114 = arith.mulf %add3A_22, %mul3A_113 : vector<1x4096xf32>
    %mul3A_115 = vector.broadcast %get3A_76 : f32 to vector<1x4096xf32>
    %mul3A_116 = arith.mulf %sub3A_26, %mul3A_115 : vector<1x4096xf32>
    %add3A_117 = arith.addf %mul3A_114, %mul3A_116 : vector<1x4096xf32>
    %mul3A_118 = vector.broadcast %get3A_88 : f32 to vector<1x4096xf32>
    %mul3A_119 = arith.mulf %add3A_30, %mul3A_118 : vector<1x4096xf32>
    %add3A_120 = arith.addf %add3A_117, %mul3A_119 : vector<1x4096xf32>
    %add3A_121 = arith.addf %add3A_120, %slice3A_4 : vector<1x4096xf32>
    %mul3A_122 = vector.broadcast %get3A_55 : f32 to vector<1x4096xf32>
    %mul3A_123 = arith.mulf %add3A_34, %mul3A_122 : vector<1x4096xf32>
    %mul3A_124 = vector.broadcast %get3A_67 : f32 to vector<1x4096xf32>
    %mul3A_125 = arith.mulf %add3A_37, %mul3A_124 : vector<1x4096xf32>
    %add3A_126 = arith.addf %mul3A_123, %mul3A_125 : vector<1x4096xf32>
    %mul3A_127 = vector.broadcast %get3A_79 : f32 to vector<1x4096xf32>
    %mul3A_128 = arith.mulf %sub3A_41, %mul3A_127 : vector<1x4096xf32>
    %add3A_129 = arith.addf %add3A_126, %mul3A_128 : vector<1x4096xf32>
    %mul3A_130 = vector.broadcast %get3A_58 : f32 to vector<1x4096xf32>
    %mul3A_131 = arith.mulf %add3A_34, %mul3A_130 : vector<1x4096xf32>
    %mul3A_132 = vector.broadcast %get3A_70 : f32 to vector<1x4096xf32>
    %mul3A_133 = arith.mulf %add3A_37, %mul3A_132 : vector<1x4096xf32>
    %add3A_134 = arith.addf %mul3A_131, %mul3A_133 : vector<1x4096xf32>
    %mul3A_135 = vector.broadcast %get3A_82 : f32 to vector<1x4096xf32>
    %mul3A_136 = arith.mulf %sub3A_41, %mul3A_135 : vector<1x4096xf32>
    %add3A_137 = arith.addf %add3A_134, %mul3A_136 : vector<1x4096xf32>
    %mul3A_138 = vector.broadcast %get3A_61 : f32 to vector<1x4096xf32>
    %mul3A_139 = arith.mulf %add3A_34, %mul3A_138 : vector<1x4096xf32>
    %mul3A_140 = vector.broadcast %get3A_73 : f32 to vector<1x4096xf32>
    %mul3A_141 = arith.mulf %add3A_37, %mul3A_140 : vector<1x4096xf32>
    %add3A_142 = arith.addf %mul3A_139, %mul3A_141 : vector<1x4096xf32>
    %mul3A_143 = vector.broadcast %get3A_85 : f32 to vector<1x4096xf32>
    %mul3A_144 = arith.mulf %sub3A_41, %mul3A_143 : vector<1x4096xf32>
    %add3A_145 = arith.addf %add3A_142, %mul3A_144 : vector<1x4096xf32>
    %mul3A_146 = vector.broadcast %get3A_64 : f32 to vector<1x4096xf32>
    %mul3A_147 = arith.mulf %add3A_34, %mul3A_146 : vector<1x4096xf32>
    %mul3A_148 = vector.broadcast %get3A_76 : f32 to vector<1x4096xf32>
    %mul3A_149 = arith.mulf %add3A_37, %mul3A_148 : vector<1x4096xf32>
    %add3A_150 = arith.addf %mul3A_147, %mul3A_149 : vector<1x4096xf32>
    %mul3A_151 = vector.broadcast %get3A_88 : f32 to vector<1x4096xf32>
    %mul3A_152 = arith.mulf %sub3A_41, %mul3A_151 : vector<1x4096xf32>
    %add3A_153 = arith.addf %add3A_150, %mul3A_152 : vector<1x4096xf32>
    %add3A_154 = arith.addf %add3A_153, %slice3A_5 : vector<1x4096xf32>
    %mul3A_155 = vector.broadcast %get3A_55 : f32 to vector<1x4096xf32>
    %mul3A_156 = arith.mulf %sub3A_45, %mul3A_155 : vector<1x4096xf32>
    %mul3A_157 = vector.broadcast %get3A_67 : f32 to vector<1x4096xf32>
    %mul3A_158 = arith.mulf %add3A_49, %mul3A_157 : vector<1x4096xf32>
    %add3A_159 = arith.addf %mul3A_156, %mul3A_158 : vector<1x4096xf32>
    %mul3A_160 = vector.broadcast %get3A_79 : f32 to vector<1x4096xf32>
    %mul3A_161 = arith.mulf %add3A_52, %mul3A_160 : vector<1x4096xf32>
    %add3A_162 = arith.addf %add3A_159, %mul3A_161 : vector<1x4096xf32>
    %mul3A_163 = vector.broadcast %get3A_58 : f32 to vector<1x4096xf32>
    %mul3A_164 = arith.mulf %sub3A_45, %mul3A_163 : vector<1x4096xf32>
    %mul3A_165 = vector.broadcast %get3A_70 : f32 to vector<1x4096xf32>
    %mul3A_166 = arith.mulf %add3A_49, %mul3A_165 : vector<1x4096xf32>
    %add3A_167 = arith.addf %mul3A_164, %mul3A_166 : vector<1x4096xf32>
    %mul3A_168 = vector.broadcast %get3A_82 : f32 to vector<1x4096xf32>
    %mul3A_169 = arith.mulf %add3A_52, %mul3A_168 : vector<1x4096xf32>
    %add3A_170 = arith.addf %add3A_167, %mul3A_169 : vector<1x4096xf32>
    %mul3A_171 = vector.broadcast %get3A_61 : f32 to vector<1x4096xf32>
    %mul3A_172 = arith.mulf %sub3A_45, %mul3A_171 : vector<1x4096xf32>
    %mul3A_173 = vector.broadcast %get3A_73 : f32 to vector<1x4096xf32>
    %mul3A_174 = arith.mulf %add3A_49, %mul3A_173 : vector<1x4096xf32>
    %add3A_175 = arith.addf %mul3A_172, %mul3A_174 : vector<1x4096xf32>
    %mul3A_176 = vector.broadcast %get3A_85 : f32 to vector<1x4096xf32>
    %mul3A_177 = arith.mulf %add3A_52, %mul3A_176 : vector<1x4096xf32>
    %add3A_178 = arith.addf %add3A_175, %mul3A_177 : vector<1x4096xf32>
    %mul3A_179 = vector.broadcast %get3A_64 : f32 to vector<1x4096xf32>
    %mul3A_180 = arith.mulf %sub3A_45, %mul3A_179 : vector<1x4096xf32>
    %mul3A_181 = vector.broadcast %get3A_76 : f32 to vector<1x4096xf32>
    %mul3A_182 = arith.mulf %add3A_49, %mul3A_181 : vector<1x4096xf32>
    %add3A_183 = arith.addf %mul3A_180, %mul3A_182 : vector<1x4096xf32>
    %mul3A_184 = vector.broadcast %get3A_88 : f32 to vector<1x4096xf32>
    %mul3A_185 = arith.mulf %add3A_52, %mul3A_184 : vector<1x4096xf32>
    %add3A_186 = arith.addf %add3A_183, %mul3A_185 : vector<1x4096xf32>
    %add3A_187 = arith.addf %add3A_186, %slice3A_6 : vector<1x4096xf32>
    %broadcast_in_dim3A = arith.constant 0.000000e+00 : f32
    %broadcast_in_dim3A_188 = vector.broadcast %broadcast_in_dim3A : f32 to vector<1x4096xf32>
    %broadcast_in_dim3A_189 = arith.constant 1.000000e+00 : f32
    %broadcast_in_dim3A_190 = vector.broadcast %broadcast_in_dim3A_189 : f32 to vector<1x4096xf32>
    %concatenate3A = tpu.concatenate %add3A_96, %add3A_104, %add3A_112, %add3A_121, %add3A_129, %add3A_137, %add3A_145, %add3A_154, %add3A_162, %add3A_170, %add3A_178, %add3A_187, %broadcast_in_dim3A_188, %broadcast_in_dim3A_188, %broadcast_in_dim3A_188, %broadcast_in_dim3A_190 in 0 : vector<1x4096xf32>, vector<1x4096xf32>, vector<1x4096xf32>, vector<1x4096xf32>, vector<1x4096xf32>, vector<1x4096xf32>, vector<1x4096xf32>, vector<1x4096xf32>, vector<1x4096xf32>, vector<1x4096xf32>, vector<1x4096xf32>, vector<1x4096xf32>, vector<1x4096xf32>, vector<1x4096xf32>, vector<1x4096xf32>, vector<1x4096xf32> -> vector<16x4096xf32>
    %transpose3A = tpu.transpose %concatenate3A, [1, 0] : vector<16x4096xf32> -> vector<4096x16xf32>
    %swap3A = arith.constant 0 : index
    %swap3A_191 = arith.constant 0 : index
    %swap3A_192 = vector.load %arg3[%swap3A, %swap3A_191] : memref<4096x16xf32, #tpu.memory_space<vmem>>, vector<4096x16xf32>
    tpu.vector_store %arg3[%swap3A, %swap3A_191], %transpose3A {strides = array<i32>} : memref<4096x16xf32, #tpu.memory_space<vmem>>, vector<4096x16xf32>,
    return
  }
  func.func @transform_0(%arg0: i32) -> (i32, i32) {
    %c0_i32 = arith.constant 0 : i32
    %c0_i32_0 = arith.constant 0 : i32
    return %c0_i32, %arg0 : i32, i32
  }
  func.func @transform_1(%arg0: i32) -> (i32, i32) {
    %c0_i32 = arith.constant 0 : i32
    %c0_i32_0 = arith.constant 0 : i32
    %c0_i32_1 = arith.constant 0 : i32
    return %c0_i32, %c0_i32_0 : i32, i32
  }
  func.func @transform_2(%arg0: i32) -> (i32, i32) {
    %c0_i32 = arith.constant 0 : i32
    %c0_i32_0 = arith.constant 0 : i32
    return %arg0, %c0_i32 : i32, i32
  }
}

</mosaic_0001>

<sc_bundles>
// kernel: kernel.4.cloned.1.call-start
scs
__scs_entry_jumppad:
0x0: {  	(pc) =	sbr.rel $0x88, $3  }
0x1: {  	(tag) =	ssettag $0x0;
	lr =	simm.s32 $0x1  }
0x2: {  	[smem:$0x3F9B] =	sst lr;
	_ =	strace $0xD0000000  }
0x3: {  	_ = 	snop  }
0x4: {  	_ = 	snop  }
0x5: {  	_ = 	snop  }
0x6: {  	_ = 	snop  }
0x7: {  	_ = 	snop  }
__scs_overlays_trampoline_lowered:
0x8: {  	[smem:$0x3FAA] =	sst s0  }
0x9: {  	[smem:$0x3FAB] =	sst s1  }
0xa: {  	[smem:$0x3FAC] =	sst s2  }
0xb: {  	[smem:$0x3FAD] =	sst s3  }
0xc: {  	[smem:$0x3FAE] =	sst s4  }
0xd: {  	[smem:$0x3FAF] =	sst s5  }
0xe: {  	[smem:$0x3FB0] =	sst s6  }
0xf: {  	[smem:$0x3FB1] =	sst s7  }
0x10: {  	[smem:$0x3FB2] =	sst s8  }
0x11: {  	[smem:$0x3FB3] =	sst s9;
	s0 =	simm.s32 @!p0 $0x0  }
0x12: {  	s1 =	sld [smem:$0x3F99];
	s0 =	simm.s32 @p0 $0x1  }
0x13: {  	[smem:$0x3FB4] =	sst s0;
	s0 =	simm.s32 @!p1 $0x0  }
0x14: {  	s2 =	sld [smem:$0x3F98];
	s0 =	simm.s32 @p1 $0x1  }
0x15: {  	[smem:$0x3FB5] =	sst s0;
	s0 =	simm.s32 @!p2 $0x0  }
0x16: {  	s3 =	sld [smem:$0x3FDB];
	s0 =	simm.s32 @p2 $0x1  }
0x17: {  	s4 =	simm.s32 $0x1BF5;
	[smem:$0x3FB7] =	sst s0  }
0x18: {  	s0 =	sld [smem:$0x3F9A];
	_ =	swait.ge [sflag:s4], $0x0  }
0x19: {  	s7 =	sld [smem:$0x3F9B]  }
0x1a: {  	s8 =	sadd.s32 $0xFFFFE003, lr  }
0x1b: {  	s9 =	sadd.s32 $0xFFFFFEF7, lr;
	s5 =	simm.s32 $0xFFFFFFFF;
	p2 =	slt.u32 s8, $0xFFFFF086  }
0x1c: {  	p1 =	slt.u32 s9, $0xF7A;
	s5 =	simm.s32 @!p2 $0x0  }
0x1d: {  	s5 =	simm.s32 @p1 $0x1;
	p0 =	seq.s32 s7, s2  }
0x1e: {  	s7 =	smul.u32 @!p0 $0xF7A, s2;
	p2 =	seq.s32 @!p0 s5, $0x0  }
0x1f: {  	s9 =	smul.u32 $0xF7A, s1;
	s8 =	simm.s32 @!p0 $0x1BF5;
	p2 =	por !p2, p0  }
0x20: {  	[sflag:s8] =	ssyncset.s32 @!p0 $0xFFFFF086;
	s6 =	sadd.s32 @!p0 s3, s7;
	s7 =	simm.s32 @!p0 $0x108  }
0x21: {  	s3 =	sadd.s32 s3, s9;
	s6 =	sadd.s32 @!p0 $0x88, s6;
	s7 =	simm.s32 @p2 $0x1082  }
0x22: {  	[simem:s7], [sflag:s8] =	dma.local @!p0 [hbm:s6], $0xF7A  }
0x23: {  	s9 =	sor.u32 $0xD0000000, s2;
	s6 =	simm.s32 $0x108;
	_ =	swait.ge @!p0 [sflag:s8], $0x0  }
0x24: {  	s3 =	sadd.s32 $0x88, s3;
	s6 =	simm.s32 @!p1 $0x1082;
	[sflag:s4] =	ssyncset.s32 $0xFFFFF086  }
0x25: {  	[simem:s6], [sflag:s4] =	dma.local [hbm:s3], $0xF7A  }
0x26: {  	[smem:$0x3F9B] =	sst s1;
	(tag) =	ssettag s2;
	_ =	strace s9  }
0x27: {  	s1 =	sld [smem:$0x3FAB]  }
0x28: {  	s2 =	sld [smem:$0x3FAC]  }
0x29: {  	s4 =	sld [smem:$0x3FAE]  }
0x2a: {  	p0 =	seq.s32 s5, $0x0;
	s5 =	sld [smem:$0x3FAF]  }
0x2b: {  	s6 =	sld [smem:$0x3FB0]  }
0x2c: {  	s7 =	sld [smem:$0x3FB1]  }
0x2d: {  	s3 =	simm.s32 $0x108;
	s8 =	sld [smem:$0x3FB2]  }
0x2e: {  	s3 =	simm.s32 @!p0 $0x1082;
	s9 =	sld [smem:$0x3FB3]  }
0x2f: {  	lr =	sadd.s32 s0, s3;
	s0 =	sld [smem:$0x3FAA]  }
0x30: {  	s3 =	sld [smem:$0x3FAD]  }
0x31: {  	[smem:$0x3FB6] =	sst s10  }
0x32: {  	s10 =	sld [smem:$0x3FB4];
	_ =	sdelay $0x3  }
0x33: {  	p0 =	seq.s32 s10, $0x1;
	s10 =	sld [smem:$0x3FB6];
	_ =	sdelay $0x3  }
0x34: {  	[smem:$0x3FB6] =	sst s10  }
0x35: {  	s10 =	sld [smem:$0x3FB5];
	_ =	sdelay $0x3  }
0x36: {  	p1 =	seq.s32 s10, $0x1;
	s10 =	sld [smem:$0x3FB6];
	_ =	sdelay $0x3  }
0x37: {  	[smem:$0x3FB6] =	sst s10  }
0x38: {  	s10 =	sld [smem:$0x3FB7]  }
0x39: {  	_ = 	snop;
	(pc) =	sbr.ind lr, $3  }
0x3a: {  	_ = 	snop  }
0x3b: {  	_ = 	snop  }
0x3c: {  	p2 =	seq.s32 s10, $0x1;
	s10 =	sld [smem:$0x3FB6]  }
0x3d: {  	_ =	shalt  }
0x3e: {  	_ =	shalt  }
0x3f: {  	_ =	shalt  }
0x40: {  	_ =	shalt  }
0x41: {  	_ =	shalt  }
0x42: {  	_ =	shalt  }
0x43: {  	_ =	shalt  }
0x44: {  	_ =	shalt  }
0x45: {  	_ =	shalt  }
0x46: {  	_ =	shalt  }
0x47: {  	_ =	shalt  }
0x48: {  	_ =	shalt  }
0x49: {  	_ =	shalt  }
0x4a: {  	_ =	shalt  }
0x4b: {  	_ =	shalt  }
0x4c: {  	_ =	shalt  }
0x4d: {  	_ =	shalt  }
0x4e: {  	_ =	shalt  }
0x4f: {  	_ =	shalt  }
0x50: {  	_ =	shalt  }
0x51: {  	_ =	shalt  }
0x52: {  	_ =	shalt  }
0x53: {  	_ =	shalt  }
0x54: {  	_ =	shalt  }
0x55: {  	_ =	shalt  }
0x56: {  	_ =	shalt  }
0x57: {  	_ =	shalt  }
0x58: {  	_ =	shalt  }
0x59: {  	_ =	shalt  }
0x5a: {  	_ =	shalt  }
0x5b: {  	_ =	shalt  }
0x5c: {  	_ =	shalt  }
0x5d: {  	_ =	shalt  }
0x5e: {  	_ =	shalt  }
0x5f: {  	_ =	shalt  }
0x60: {  	_ =	shalt  }
0x61: {  	_ =	shalt  }
0x62: {  	_ =	shalt  }
0x63: {  	_ =	shalt  }
0x64: {  	_ =	shalt  }
0x65: {  	_ =	shalt  }
0x66: {  	_ =	shalt  }
0x67: {  	_ =	shalt  }
0x68: {  	_ =	shalt  }
0x69: {  	_ =	shalt  }
0x6a: {  	_ =	shalt  }
0x6b: {  	_ =	shalt  }
0x6c: {  	_ =	shalt  }
0x6d: {  	_ =	shalt  }
0x6e: {  	_ =	shalt  }
0x6f: {  	_ =	shalt  }
0x70: {  	_ =	shalt  }
0x71: {  	_ =	shalt  }
0x72: {  	_ =	shalt  }
0x73: {  	_ =	shalt  }
0x74: {  	_ =	shalt  }
0x75: {  	_ =	shalt  }
0x76: {  	_ =	shalt  }
0x77: {  	_ =	shalt  }
0x78: {  	_ =	shalt  }
0x79: {  	_ =	shalt  }
0x7a: {  	_ =	shalt  }
0x7b: {  	_ =	shalt  }
0x7c: {  	_ =	shalt  }
0x7d: {  	_ =	shalt  }
0x7e: {  	_ =	shalt  }
0x7f: {  	_ =	shalt  }
0x80: {  	_ =	shalt  }
0x81: {  	_ =	shalt  }
0x82: {  	_ =	shalt  }
0x83: {  	_ =	shalt  }
0x84: {  	_ =	shalt  }
0x85: {  	_ =	shalt  }
0x86: {  	_ =	shalt  }
0x87: {  	_ =	shalt  }
.Lfunc_end0:
.L_simem_size_0:
called_computation_lowered:
.L_overlay_start_0:
0x88: {  	s2 =	sld [smem:$0x3FD9]  }
0x89: {  	s3 =	sld [smem:$0x3FFE];
	_ =	sdelay $0x1  }
0x8a: {  	s1 =	srdreg.scid  }
0x8b: {  	s0 =	sand.u32 $0x1, s1  }
0x8c: {  	s17 =	sshll.u32 s0, $0xA;
	s2 =	sadd.s32 s3, s2  }
0x8d: {  	s2 =	sadd.s32 s2, s17  }
0x8e: {  	[smem:$0x3FC2] =	sst s2  }
0x8f: {  	_ = 	snop  }
0x90: {  	s2 =	sld [smem:$0x3FC9]  }
0x91: {  	s18 =	sld [smem:$0x3FD0];
	(tm) =	ssettm $0x1  }
0x92: {  	s4 =	sld [smem:$0x3FFB];
	_ =	sdelay $0x3  }
0x93: {  	_ =	strace s4  }
0x94: {  	s4 =	sld [smem:$0x3FFC];
	_ =	sdelay $0x3  }
0x95: {  	_ =	strace s4  }
0x96: {  	s4 =	sld [smem:$0x3FFD];
	_ =	sdelay $0x3  }
0x97: {  	_ =	strace s4  }
0x98: {  	_ =	strace $0x8FFFFFFF  }
0x99: {  	s19 =	sld [smem:$0x3FDB];
	_ =	sdelay $0x1  }
0x9a: {  	s5 =	simm.s32 $_scs_section_size  }
0x9b: {  	s6 =	simm.s32 $_size__tile_overlayer_lowered;
	s7 =	simm.s32 $_tile_overlayer_lowered  }
0x9c: {  	s22 =	simm.s32 $0x1BFF;
	s21 =	sshll.u32 s7, $0x1;
	s4 =	sadd.s32 s5, s19  }
0x9d: {  	s8 =	simm.s32 $0x0;
	s20 =	sshll.u32 s6, $0x1;
	s6 =	sadd.s32 s21, s4  }
0x9e: {  	[timem:s8], [sflag:s22] =	dma.local [hbm:s6], s20  }
0x9f: {  	_ =	swait.ge [sflag:s22], s20  }
0xa0: {  	s5 =	ssub.s32 $0x0, s20;
	[sflag:s22] =	ssyncset.done $0x0  }
0xa1: {  	[sflag:s22] =	ssyncadd.s32 s5;
	_ =	sdelay $0x1  }
0xa2: {  	s23 =	simm.s32 $0x1B8B  }
0xa3: {  	_ =	swait.ge [sflag:s23], $0x1  }
0xa4: {  	[sflag:s23] =	ssyncset.done $0x0  }
0xa5: {  	s25 =	simm.s32 $0x1B8E;
	s24 =	sld [smem:$0x3FFE];
	[sflag:s23] =	ssyncadd.s32 $0xFFFFFFFF  }
0xa6: {  	s26 =	simm.s32 $execute0_lowered;
	[smem:$0x3FD2] =	sst s25  }
0xa7: {  	s6 =	sshll.u32 s26, $0x1;
	_ =	strace $0x80000046;
	[dreg:$0x1] =	wrdreg $0xFFFFFFFF  }
0xa8: {  	s28 =	simm.s32 $_size_execute0_lowered;
	s4 =	sadd.s32 s4, s6;
	[dreg:$0x0] =	wrdreg $0x0  }
0xa9: {  	s6 =	sshll.u32 s28, $0x1;
	[dreg:$0x2] =	wrdreg s4  }
0xaa: {  	[dreg:$0x3] =	wrdreg s6  }
0xab: {  	[dreg:$0x4] =	wrdreg $0xC0  }
0xac: {  	_ =	task [dreg:s8], $0x5FFFF  }
0xad: {  	[dreg:$0x1] =	wrdreg $0xFFFFFFFF  }
0xae: {  	[dreg:$0x0] =	wrdreg $0x60  }
0xaf: {  	[dreg:$0x2] =	wrdreg s2  }
0xb0: {  	[dreg:$0x3] =	wrdreg s24  }
0xb1: {  	[dreg:$0x4] =	wrdreg s18  }
0xb2: {  	[dreg:$0x5] =	wrdreg $0x9  }
0xb3: {  	_ =	task.clear_ibuf [dreg:s8], $0x6FFFF;
	_ =	strace $0x90000046  }
0xb4: {  	s29 =	simm.s32 $0x9;
	_ =	strace $0x80000048  }
0xb5: {  	_ =	swait.ge [sflag:s29], $0x1  }
0xb6: {  	[sflag:s29] =	ssyncadd.s32 $0xFFFFFFFF  }
0xb7: {  	_ =	strace $0x90000048  }
0xb8: {  	_ =	sfence  }
0xb9: {  	s30 =	sld [smem:$0x0];
	_ =	sdelay $0x2  }
0xba: {  	s31 =	sshll.u32 s1, $0xD;
	s1 =	sshrl.u32 s1, $0x2  }
0xbb: {  	s3 =	sand.u32 $0x4000, s31;
	s1 =	sadd.s32 s1, s30  }
0xbc: {  	s0 =	sor.u32 s3, s0;
	s1 =	sshll.u32 s1, $0x11  }
0xbd: {  	s0 =	sor.u32 s1, s0  }
0xbe: {  	s0 =	sadd.s32 $0x8F2B, s0  }
0xbf: {  	[sflag:s0] =	ssyncadd.remote.s32 $0x1  }
0xc0: {  	_ =	sfence.sel $0xFFFF  }
0xc1: {  	[dreg:$0x0] =	wrdreg $0xFFFFFFFF;
	(pc) =	sbr.abs _section_cstart, $3  }
0xc2: {  	[dreg:$0x1] =	wrdreg $0xFFFFFFFF  }
0xc3: {  	_ =	task.clear_ibuf [dreg:s8], $0x2FFFF;
	_ =	strace $0x9FFFFFFF  }
0xc4: {  	(tm) =	ssettm $0x7FFFFFFF  }
0xc5: {  	_ =	shalt  }
tec
execute0_lowered:
.L_overlay_start_1:
0x0: {  	(tag) =	ssettag $0x1  }
0x1: {  	v0 =	vlaneseq.u32  }
0x2: {  	v0 =	vmul.u32 $0x8, v0;
	_ =	sdelay $0x1  }
0x3: {  	v1 =	vor.u32 $0x80, v0;
	v3 =	vor.u32 $0x180, v0;
	v4 =	vor.u32 $0x200, v0  }
0x4: {  	v5 =	vor.u32 $0x280, v0;
	v6 =	vor.u32 $0x300, v0;
	v7 =	vor.u32 $0x380, v0  }
0x5: {  	v8 =	vor.u32 $0x400, v0;
	v9 =	vor.u32 $0x480, v0;
	v10 =	vor.u32 $0x500, v0  }
0x6: {  	v11 =	vor.u32 $0x580, v0;
	v12 =	vor.u32 $0x600, v0;
	v13 =	vor.u32 $0x680, v0  }
0x7: {  	v14 =	vor.u32 $0x700, v0;
	v15 =	vor.u32 $0x780, v0;
	v16 =	vor.u32 $0x800, v0  }
0x8: {  	s4 =	rddreg [dreg:$0x0];
	v17 =	vor.u32 $0x880, v0;
	v18 =	vor.u32 $0x900, v0;
	v19 =	vor.u32 $0x980, v0  }
0x9: {  	s3 =	rddreg [dreg:$0x1];
	v20 =	vor.u32 $0xA00, v0;
	v21 =	vor.u32 $0xA80, v0;
	v22 =	vor.u32 $0xB00, v0  }
0xa: {  	s5 =	rddreg [dreg:$0x2];
	v23 =	vor.u32 $0xB80, v0;
	v24 =	vor.u32 $0xC00, v0;
	v25 =	vor.u32 $0xC80, v0  }
0xb: {  	s0 =	rddreg [dreg:$0x3];
	v26 =	vor.u32 $0xD00, v0;
	v27 =	vor.u32 $0xD80, v0;
	v28 =	vor.u32 $0xE00, v0  }
0xc: {  	s1 =	simm.s32 $0x0;
	s6 =	srdreg.scid;
	s2 =	stileid.u32;
	v29 =	vor.u32 $0xE80, v0;
	v30 =	vor.u32 $0xF00, v0;
	v31 =	vor.u32 $0xF80, v0  }
0xd: {  	s12 =	simm.s32 $0x2;
	s13 =	simm.s32 $0x80;
	s14 =	simm.s32 $0x200;
	v33 =	vor.u32 $0x81, v0;
	v34 =	vor.u32 $0x101, v0;
	v35 =	vor.u32 $0x181, v0  }
0xe: {  	s15 =	simm.s32 $0x600;
	s16 =	simm.s32 $0x100;
	s17 =	simm.s32 $0xA00;
	v36 =	vor.u32 $0x201, v0;
	v37 =	vor.u32 $0x281, v0;
	v38 =	vor.u32 $0x301, v0  }
0xf: {  	s18 =	simm.s32 $0x180;
	s19 =	simm.s32 $0xE00;
	s20 =	simm.s32 $0x1;
	v39 =	vor.u32 $0x381, v0;
	v40 =	vor.u32 $0x401, v0;
	v41 =	vor.u32 $0x481, v0  }
0x10: {  	s21 =	simm.s32 $0x1200;
	s22 =	simm.s32 $0x1400;
	s23 =	simm.s32 $0x1600;
	v42 =	vor.u32 $0x501, v0;
	v43 =	vor.u32 $0x581, v0;
	v44 =	vor.u32 $0x601, v0  }
0x11: {  	s24 =	simm.s32 $0x1800;
	s25 =	simm.s32 $0x1A00;
	s6 =	sand.u32 $0x1, s6;
	v45 =	vor.u32 $0x681, v0;
	v46 =	vor.u32 $0x701, v0;
	v47 =	vor.u32 $0x781, v0  }
0x12: {  	s8 =	sshll.u32 s2, $0x7;
	s7 =	ssub.s32 $0x2, s6;
	s6 =	sshll.u32 s6, $0x6;
	v48 =	vor.u32 $0x801, v0;
	v49 =	vor.u32 $0x881, v0;
	v50 =	vor.u32 $0x901, v0  }
0x13: {  	s26 =	simm.s32 $0x1C00;
	[smem:$0x7FF] =	sst s1;
	s6 =	sor.u32 s6, s8;
	v51 =	vor.u32 $0x981, v0;
	v52 =	vor.u32 $0xA01, v0;
	v53 =	vor.u32 $0xA81, v0  }
0x14: {  	s3 =	sadd.s32 $0x187200, s3;
	s9 =	sshrl.u32 s7, $0x1;
	v54 =	vor.u32 $0xB01, v0;
	v55 =	vor.u32 $0xB81, v0;
	v56 =	vor.u32 $0xC01, v0;
	s5 =	sadd.s32 s5, s6  }
0x15: {  	v57 =	vor.u32 $0xC81, v0;
	v58 =	vor.u32 $0xD01, v0;
	[tilespmem:$0x1FFE0] =	vst v1;
	v1 =	vor.u32 $0x100, v0;
	s11 =	ssub.s32 s7, s9;
	s4 =	sadd.s32 s4, s6;
	s6 =	sadd.s32 $0x800, s5  }
0x16: {  	v32 =	vor.u32 $0x1, v0;
	v59 =	vor.u32 $0xD81, v0;
	v60 =	vor.u32 $0xE01, v0;
	[tilespmem:$0x1FFF0] =	vst v1;
	s7 =	sadd.s32 $0x1000, s5;
	s8 =	sadd.s32 $0x1800, s5;
	s9 =	sadd.s32 $0x2000, s5  }
0x17: {  	v61 =	vor.u32 $0xE81, v0;
	v62 =	vor.u32 $0xF01, v0;
	v63 =	vor.u32 $0xF81, v0;
	s10 =	sadd.s32 $0x2800, s5;
	s11 =	smax.u32 s11, $0x1;
	_ =	strace $0x80000047  }
.LBB2_1:
0x18: {  	[tilespmem:s1], [sflag:$0x2] =	stream.linear.gather [hbm4b:s4+s1], $0x200, $0x38;
	[tilespmem:$0x1E00] =	vst v63  }
0x19: {  	_ =	swait.ge [sflag:s12], $0x200  }
0x1a: {  	[sflag:s12] =	ssyncset.done $0x0  }
0x1b: {  	[sflag:s12] =	ssyncadd.s32 $0xFFFFFE00  }
0x1c: {  	[tilespmem:s14], [sflag:$0x1] =	stream.indirect.gather [hbm4b:s3+s13], $0x8, s1, s13, $0xb8;
	[tilespmem:$0x1E00] =	vst v63  }
0x1d: {  	_ = 	snop  }
0x1e: {  	[tilespmem:s15], [sflag:$0x1] =	stream.indirect.gather [hbm4b:s3+s13], $0x8, s13, s13, $0xb8;
	[tilespmem:$0x1E00] =	vst v63  }
0x1f: {  	_ = 	snop  }
0x20: {  	[tilespmem:s17], [sflag:$0x1] =	stream.indirect.gather [hbm4b:s3+s13], $0x8, s16, s13, $0xb8;
	[tilespmem:$0x1E00] =	vst v63  }
0x21: {  	_ = 	snop  }
0x22: {  	[tilespmem:s19], [sflag:$0x1] =	stream.indirect.gather [hbm4b:s3+s13], $0x8, s18, s13, $0xb8;
	[tilespmem:$0x1E00] =	vst v63  }
0x23: {  	_ =	swait.ge [sflag:s20], $0x400  }
0x24: {  	[sflag:s20] =	ssyncset.done $0x0  }
0x25: {  	[sflag:s20] =	ssyncadd.s32 $0xFFFFFC00  }
0x26: {  	_ =	swait.ge [sflag:s20], $0x400  }
0x27: {  	[sflag:s20] =	ssyncset.done $0x0  }
0x28: {  	[sflag:s20] =	ssyncadd.s32 $0xFFFFFC00  }
0x29: {  	_ =	swait.ge [sflag:s20], $0x400  }
0x2a: {  	[sflag:s20] =	ssyncset.done $0x0  }
0x2b: {  	[sflag:s20] =	ssyncadd.s32 $0xFFFFFC00  }
0x2c: {  	_ =	swait.ge [sflag:s20], $0x400  }
0x2d: {  	[sflag:s20] =	ssyncset.done $0x0  }
0x2e: {  	[sflag:s20] =	ssyncadd.s32 $0xFFFFFC00  }
0x2f: {  	v1 =	vld.idx.msk [tilespmem:v0+s14+$0x0], $0xffff;
	_ =	sdelay $0x4  }
0x30: {  	[tilespmem:$0x1200] =	vst v1;
	v1 =	vld [tilespmem:$0x1FFE0];
	_ =	sdelay $0x7  }
0x31: {  	v1 =	vld.idx.msk [tilespmem:v1+s14+$0x0], $0xffff;
	_ =	sdelay $0x4  }
0x32: {  	[tilespmem:$0x1210] =	vst v1;
	v1 =	vld [tilespmem:$0x1FFF0];
	_ =	sdelay $0x7  }
0x33: {  	v1 =	vld.idx.msk [tilespmem:v1+s14+$0x0], $0xffff;
	_ =	sdelay $0x4  }
0x34: {  	[tilespmem:$0x1220] =	vst v1  }
0x35: {  	v1 =	vld.idx.msk [tilespmem:v3+s14+$0x0], $0xffff;
	_ =	sdelay $0x4  }
0x36: {  	[tilespmem:$0x1230] =	vst v1  }
0x37: {  	v1 =	vld.idx.msk [tilespmem:v4+s14+$0x0], $0xffff;
	_ =	sdelay $0x4  }
0x38: {  	[tilespmem:$0x1240] =	vst v1  }
0x39: {  	v1 =	vld.idx.msk [tilespmem:v5+s14+$0x0], $0xffff;
	_ =	sdelay $0x4  }
0x3a: {  	[tilespmem:$0x1250] =	vst v1  }
0x3b: {  	v1 =	vld.idx.msk [tilespmem:v6+s14+$0x0], $0xffff;
	_ =	sdelay $0x4  }
0x3c: {  	[tilespmem:$0x1260] =	vst v1  }
0x3d: {  	v1 =	vld.idx.msk [tilespmem:v7+s14+$0x0], $0xffff;
	_ =	sdelay $0x4  }
0x3e: {  	[tilespmem:$0x1270] =	vst v1  }
0x3f: {  	v1 =	vld.idx.msk [tilespmem:v8+s14+$0x0], $0xffff;
	_ =	sdelay $0x4  }
0x40: {  	[tilespmem:$0x1280] =	vst v1  }
0x41: {  	v1 =	vld.idx.msk [tilespmem:v9+s14+$0x0], $0xffff;
	_ =	sdelay $0x4  }
0x42: {  	[tilespmem:$0x1290] =	vst v1  }
0x43: {  	v1 =	vld.idx.msk [tilespmem:v10+s14+$0x0], $0xffff;
	_ =	sdelay $0x4  }
0x44: {  	[tilespmem:$0x12A0] =	vst v1  }
0x45: {  	v1 =	vld.idx.msk [tilespmem:v11+s14+$0x0], $0xffff;
	_ =	sdelay $0x4  }
0x46: {  	[tilespmem:$0x12B0] =	vst v1  }
0x47: {  	v1 =	vld.idx.msk [tilespmem:v12+s14+$0x0], $0xffff;
	_ =	sdelay $0x4  }
0x48: {  	[tilespmem:$0x12C0] =	vst v1  }
0x49: {  	v1 =	vld.idx.msk [tilespmem:v13+s14+$0x0], $0xffff;
	_ =	sdelay $0x4  }
0x4a: {  	[tilespmem:$0x12D0] =	vst v1  }
0x4b: {  	v1 =	vld.idx.msk [tilespmem:v14+s14+$0x0], $0xffff;
	_ =	sdelay $0x4  }
0x4c: {  	[tilespmem:$0x12E0] =	vst v1  }
0x4d: {  	v1 =	vld.idx.msk [tilespmem:v15+s14+$0x0], $0xffff;
	_ =	sdelay $0x4  }
0x4e: {  	[tilespmem:$0x12F0] =	vst v1  }
0x4f: {  	v1 =	vld.idx.msk [tilespmem:v16+s14+$0x0], $0xffff;
	_ =	sdelay $0x4  }
0x50: {  	[tilespmem:$0x1300] =	vst v1  }
0x51: {  	v1 =	vld.idx.msk [tilespmem:v17+s14+$0x0], $0xffff;
	_ =	sdelay $0x4  }
0x52: {  	[tilespmem:$0x1310] =	vst v1  }
0x53: {  	v1 =	vld.idx.msk [tilespmem:v18+s14+$0x0], $0xffff;
	_ =	sdelay $0x4  }
0x54: {  	[tilespmem:$0x1320] =	vst v1  }
0x55: {  	v1 =	vld.idx.msk [tilespmem:v19+s14+$0x0], $0xffff;
	_ =	sdelay $0x4  }
0x56: {  	[tilespmem:$0x1330] =	vst v1  }
0x57: {  	v1 =	vld.idx.msk [tilespmem:v20+s14+$0x0], $0xffff;
	_ =	sdelay $0x4  }
0x58: {  	[tilespmem:$0x1340] =	vst v1  }
0x59: {  	v1 =	vld.idx.msk [tilespmem:v21+s14+$0x0], $0xffff;
	_ =	sdelay $0x4  }
0x5a: {  	[tilespmem:$0x1350] =	vst v1  }
0x5b: {  	v1 =	vld.idx.msk [tilespmem:v22+s14+$0x0], $0xffff;
	_ =	sdelay $0x4  }
0x5c: {  	[tilespmem:$0x1360] =	vst v1  }
0x5d: {  	v1 =	vld.idx.msk [tilespmem:v23+s14+$0x0], $0xffff;
	_ =	sdelay $0x4  }
0x5e: {  	[tilespmem:$0x1370] =	vst v1  }
0x5f: {  	v1 =	vld.idx.msk [tilespmem:v24+s14+$0x0], $0xffff;
	_ =	sdelay $0x4  }
0x60: {  	[tilespmem:$0x1380] =	vst v1  }
0x61: {  	v1 =	vld.idx.msk [tilespmem:v25+s14+$0x0], $0xffff;
	_ =	sdelay $0x4  }
0x62: {  	[tilespmem:$0x1390] =	vst v1  }
0x63: {  	v1 =	vld.idx.msk [tilespmem:v26+s14+$0x0], $0xffff;
	_ =	sdelay $0x4  }
0x64: {  	[tilespmem:$0x13A0] =	vst v1  }
0x65: {  	v1 =	vld.idx.msk [tilespmem:v27+s14+$0x0], $0xffff;
	_ =	sdelay $0x4  }
0x66: {  	[tilespmem:$0x13B0] =	vst v1  }
0x67: {  	v1 =	vld.idx.msk [tilespmem:v28+s14+$0x0], $0xffff;
	_ =	sdelay $0x4  }
0x68: {  	[tilespmem:$0x13C0] =	vst v1  }
0x69: {  	v1 =	vld.idx.msk [tilespmem:v29+s14+$0x0], $0xffff;
	_ =	sdelay $0x4  }
0x6a: {  	[tilespmem:$0x13D0] =	vst v1  }
0x6b: {  	v1 =	vld.idx.msk [tilespmem:v30+s14+$0x0], $0xffff;
	_ =	sdelay $0x4  }
0x6c: {  	[tilespmem:$0x13E0] =	vst v1  }
0x6d: {  	v1 =	vld.idx.msk [tilespmem:v31+s14+$0x0], $0xffff;
	_ =	sdelay $0x4  }
0x6e: {  	[tilespmem:$0x13F0] =	vst v1  }
0x6f: {  	v1 =	vld.idx.msk [tilespmem:v32+s14+$0x0], $0xffff;
	_ =	sdelay $0x4  }
0x70: {  	[tilespmem:$0x1400] =	vst v1  }
0x71: {  	v1 =	vld.idx.msk [tilespmem:v33+s14+$0x0], $0xffff;
	_ =	sdelay $0x4  }
0x72: {  	[tilespmem:$0x1410] =	vst v1  }
0x73: {  	v1 =	vld.idx.msk [tilespmem:v34+s14+$0x0], $0xffff;
	_ =	sdelay $0x4  }
0x74: {  	[tilespmem:$0x1420] =	vst v1  }
0x75: {  	v1 =	vld.idx.msk [tilespmem:v35+s14+$0x0], $0xffff;
	_ =	sdelay $0x4  }
0x76: {  	[tilespmem:$0x1430] =	vst v1  }
0x77: {  	v1 =	vld.idx.msk [tilespmem:v36+s14+$0x0], $0xffff;
	_ =	sdelay $0x4  }
0x78: {  	[tilespmem:$0x1440] =	vst v1  }
0x79: {  	v1 =	vld.idx.msk [tilespmem:v37+s14+$0x0], $0xffff;
	_ =	sdelay $0x4  }
0x7a: {  	[tilespmem:$0x1450] =	vst v1  }
0x7b: {  	v1 =	vld.idx.msk [tilespmem:v38+s14+$0x0], $0xffff;
	_ =	sdelay $0x4  }
0x7c: {  	[tilespmem:$0x1460] =	vst v1  }
0x7d: {  	v1 =	vld.idx.msk [tilespmem:v39+s14+$0x0], $0xffff;
	_ =	sdelay $0x4  }
0x7e: {  	[tilespmem:$0x1470] =	vst v1  }
0x7f: {  	v1 =	vld.idx.msk [tilespmem:v40+s14+$0x0], $0xffff;
	_ =	sdelay $0x4  }
0x80: {  	[tilespmem:$0x1480] =	vst v1  }
0x81: {  	v1 =	vld.idx.msk [tilespmem:v41+s14+$0x0], $0xffff;
	_ =	sdelay $0x4  }
0x82: {  	[tilespmem:$0x1490] =	vst v1  }
0x83: {  	v1 =	vld.idx.msk [tilespmem:v42+s14+$0x0], $0xffff;
	_ =	sdelay $0x4  }
0x84: {  	[tilespmem:$0x14A0] =	vst v1  }
0x85: {  	v1 =	vld.idx.msk [tilespmem:v43+s14+$0x0], $0xffff;
	_ =	sdelay $0x4  }
0x86: {  	[tilespmem:$0x14B0] =	vst v1  }
0x87: {  	v1 =	vld.idx.msk [tilespmem:v44+s14+$0x0], $0xffff;
	_ =	sdelay $0x4  }
0x88: {  	[tilespmem:$0x14C0] =	vst v1  }
0x89: {  	v1 =	vld.idx.msk [tilespmem:v45+s14+$0x0], $0xffff;
	_ =	sdelay $0x4  }
0x8a: {  	[tilespmem:$0x14D0] =	vst v1  }
0x8b: {  	v1 =	vld.idx.msk [tilespmem:v46+s14+$0x0], $0xffff;
	_ =	sdelay $0x4  }
0x8c: {  	[tilespmem:$0x14E0] =	vst v1  }
0x8d: {  	v1 =	vld.idx.msk [tilespmem:v47+s14+$0x0], $0xffff;
	_ =	sdelay $0x4  }
0x8e: {  	[tilespmem:$0x14F0] =	vst v1  }
0x8f: {  	v1 =	vld.idx.msk [tilespmem:v48+s14+$0x0], $0xffff;
	_ =	sdelay $0x4  }
0x90: {  	[tilespmem:$0x1500] =	vst v1  }
0x91: {  	v1 =	vld.idx.msk [tilespmem:v49+s14+$0x0], $0xffff;
	_ =	sdelay $0x4  }
0x92: {  	[tilespmem:$0x1510] =	vst v1  }
0x93: {  	v1 =	vld.idx.msk [tilespmem:v50+s14+$0x0], $0xffff;
	_ =	sdelay $0x4  }
0x94: {  	[tilespmem:$0x1520] =	vst v1  }
0x95: {  	v1 =	vld.idx.msk [tilespmem:v51+s14+$0x0], $0xffff;
	_ =	sdelay $0x4  }
0x96: {  	[tilespmem:$0x1530] =	vst v1  }
0x97: {  	v1 =	vld.idx.msk [tilespmem:v52+s14+$0x0], $0xffff;
	_ =	sdelay $0x4  }
0x98: {  	[tilespmem:$0x1540] =	vst v1  }
0x99: {  	v1 =	vld.idx.msk [tilespmem:v53+s14+$0x0], $0xffff;
	_ =	sdelay $0x4  }
0x9a: {  	[tilespmem:$0x1550] =	vst v1  }
0x9b: {  	v1 =	vld.idx.msk [tilespmem:v54+s14+$0x0], $0xffff;
	_ =	sdelay $0x4  }
0x9c: {  	[tilespmem:$0x1560] =	vst v1  }
0x9d: {  	v1 =	vld.idx.msk [tilespmem:v55+s14+$0x0], $0xffff;
	_ =	sdelay $0x4  }
0x9e: {  	[tilespmem:$0x1570] =	vst v1  }
0x9f: {  	v1 =	vld.idx.msk [tilespmem:v56+s14+$0x0], $0xffff;
	_ =	sdelay $0x4  }
0xa0: {  	[tilespmem:$0x1580] =	vst v1  }
0xa1: {  	v1 =	vld.idx.msk [tilespmem:v57+s14+$0x0], $0xffff;
	_ =	sdelay $0x4  }
0xa2: {  	[tilespmem:$0x1590] =	vst v1  }
0xa3: {  	v1 =	vld.idx.msk [tilespmem:v58+s14+$0x0], $0xffff;
	_ =	sdelay $0x4  }
0xa4: {  	[tilespmem:$0x15A0] =	vst v1  }
0xa5: {  	v1 =	vld.idx.msk [tilespmem:v59+s14+$0x0], $0xffff;
	_ =	sdelay $0x4  }
0xa6: {  	[tilespmem:$0x15B0] =	vst v1  }
0xa7: {  	v1 =	vld.idx.msk [tilespmem:v60+s14+$0x0], $0xffff;
	_ =	sdelay $0x4  }
0xa8: {  	[tilespmem:$0x15C0] =	vst v1  }
0xa9: {  	v1 =	vld.idx.msk [tilespmem:v61+s14+$0x0], $0xffff;
	_ =	sdelay $0x4  }
0xaa: {  	[tilespmem:$0x15D0] =	vst v1  }
0xab: {  	v1 =	vld.idx.msk [tilespmem:v62+s14+$0x0], $0xffff;
	_ =	sdelay $0x4  }
0xac: {  	[tilespmem:$0x15E0] =	vst v1  }
0xad: {  	v1 =	vld.idx.msk [tilespmem:v63+s14+$0x0], $0xffff  }
0xae: {  	v2 =	vor.u32 $0x2, v0;
	_ =	sdelay $0x3  }
0xaf: {  	[tilespmem:$0x15F0] =	vst v1  }
0xb0: {  	v1 =	vld.idx.msk [tilespmem:v2+s14+$0x0], $0xffff  }
0xb1: {  	v2 =	vor.u32 $0x82, v0;
	_ =	sdelay $0x3  }
0xb2: {  	[tilespmem:$0x1600] =	vst v1  }
0xb3: {  	v1 =	vld.idx.msk [tilespmem:v2+s14+$0x0], $0xffff  }
0xb4: {  	v2 =	vor.u32 $0x102, v0;
	_ =	sdelay $0x3  }
0xb5: {  	[tilespmem:$0x1610] =	vst v1  }
0xb6: {  	v1 =	vld.idx.msk [tilespmem:v2+s14+$0x0], $0xffff  }
0xb7: {  	v2 =	vor.u32 $0x182, v0;
	_ =	sdelay $0x3  }
0xb8: {  	[tilespmem:$0x1620] =	vst v1  }
0xb9: {  	v1 =	vld.idx.msk [tilespmem:v2+s14+$0x0], $0xffff  }
0xba: {  	v2 =	vor.u32 $0x202, v0;
	_ =	sdelay $0x3  }
0xbb: {  	[tilespmem:$0x1630] =	vst v1  }
0xbc: {  	v1 =	vld.idx.msk [tilespmem:v2+s14+$0x0], $0xffff  }
0xbd: {  	v2 =	vor.u32 $0x282, v0;
	_ =	sdelay $0x3  }
0xbe: {  	[tilespmem:$0x1640] =	vst v1  }
0xbf: {  	v1 =	vld.idx.msk [tilespmem:v2+s14+$0x0], $0xffff  }
0xc0: {  	v2 =	vor.u32 $0x302, v0;
	_ =	sdelay $0x3  }
0xc1: {  	[tilespmem:$0x1650] =	vst v1  }
0xc2: {  	v1 =	vld.idx.msk [tilespmem:v2+s14+$0x0], $0xffff  }
0xc3: {  	v2 =	vor.u32 $0x382, v0;
	_ =	sdelay $0x3  }
0xc4: {  	[tilespmem:$0x1660] =	vst v1  }
0xc5: {  	v1 =	vld.idx.msk [tilespmem:v2+s14+$0x0], $0xffff  }
0xc6: {  	v2 =	vor.u32 $0x402, v0;
	_ =	sdelay $0x3  }
0xc7: {  	[tilespmem:$0x1670] =	vst v1  }
0xc8: {  	v1 =	vld.idx.msk [tilespmem:v2+s14+$0x0], $0xffff  }
0xc9: {  	v2 =	vor.u32 $0x482, v0;
	_ =	sdelay $0x3  }
0xca: {  	[tilespmem:$0x1680] =	vst v1  }
0xcb: {  	v1 =	vld.idx.msk [tilespmem:v2+s14+$0x0], $0xffff  }
0xcc: {  	v2 =	vor.u32 $0x502, v0;
	_ =	sdelay $0x3  }
0xcd: {  	[tilespmem:$0x1690] =	vst v1  }
0xce: {  	v1 =	vld.idx.msk [tilespmem:v2+s14+$0x0], $0xffff  }
0xcf: {  	v2 =	vor.u32 $0x582, v0;
	_ =	sdelay $0x3  }
0xd0: {  	[tilespmem:$0x16A0] =	vst v1  }
0xd1: {  	v1 =	vld.idx.msk [tilespmem:v2+s14+$0x0], $0xffff  }
0xd2: {  	v2 =	vor.u32 $0x602, v0;
	_ =	sdelay $0x3  }
0xd3: {  	[tilespmem:$0x16B0] =	vst v1  }
0xd4: {  	v1 =	vld.idx.msk [tilespmem:v2+s14+$0x0], $0xffff  }
0xd5: {  	v2 =	vor.u32 $0x682, v0;
	_ =	sdelay $0x3  }
0xd6: {  	[tilespmem:$0x16C0] =	vst v1  }
0xd7: {  	v1 =	vld.idx.msk [tilespmem:v2+s14+$0x0], $0xffff  }
0xd8: {  	v2 =	vor.u32 $0x702, v0;
	_ =	sdelay $0x3  }
0xd9: {  	[tilespmem:$0x16D0] =	vst v1  }
0xda: {  	v1 =	vld.idx.msk [tilespmem:v2+s14+$0x0], $0xffff  }
0xdb: {  	v2 =	vor.u32 $0x782, v0;
	_ =	sdelay $0x3  }
0xdc: {  	[tilespmem:$0x16E0] =	vst v1  }
0xdd: {  	v1 =	vld.idx.msk [tilespmem:v2+s14+$0x0], $0xffff  }
0xde: {  	v2 =	vor.u32 $0x802, v0;
	_ =	sdelay $0x3  }
0xdf: {  	[tilespmem:$0x16F0] =	vst v1  }
0xe0: {  	v1 =	vld.idx.msk [tilespmem:v2+s14+$0x0], $0xffff  }
0xe1: {  	v2 =	vor.u32 $0x882, v0;
	_ =	sdelay $0x3  }
0xe2: {  	[tilespmem:$0x1700] =	vst v1  }
0xe3: {  	v1 =	vld.idx.msk [tilespmem:v2+s14+$0x0], $0xffff  }
0xe4: {  	v2 =	vor.u32 $0x902, v0;
	_ =	sdelay $0x3  }
0xe5: {  	[tilespmem:$0x1710] =	vst v1  }
0xe6: {  	v1 =	vld.idx.msk [tilespmem:v2+s14+$0x0], $0xffff  }
0xe7: {  	v2 =	vor.u32 $0x982, v0;
	_ =	sdelay $0x3  }
0xe8: {  	[tilespmem:$0x1720] =	vst v1  }
0xe9: {  	v1 =	vld.idx.msk [tilespmem:v2+s14+$0x0], $0xffff  }
0xea: {  	v2 =	vor.u32 $0xA02, v0;
	_ =	sdelay $0x3  }
0xeb: {  	[tilespmem:$0x1730] =	vst v1  }
0xec: {  	v1 =	vld.idx.msk [tilespmem:v2+s14+$0x0], $0xffff  }
0xed: {  	v2 =	vor.u32 $0xA82, v0;
	_ =	sdelay $0x3  }
0xee: {  	[tilespmem:$0x1740] =	vst v1  }
0xef: {  	v1 =	vld.idx.msk [tilespmem:v2+s14+$0x0], $0xffff  }
0xf0: {  	v2 =	vor.u32 $0xB02, v0;
	_ =	sdelay $0x3  }
0xf1: {  	[tilespmem:$0x1750] =	vst v1  }
0xf2: {  	v1 =	vld.idx.msk [tilespmem:v2+s14+$0x0], $0xffff  }
0xf3: {  	v2 =	vor.u32 $0xB82, v0;
	_ =	sdelay $0x3  }
0xf4: {  	[tilespmem:$0x1760] =	vst v1  }
0xf5: {  	v1 =	vld.idx.msk [tilespmem:v2+s14+$0x0], $0xffff  }
0xf6: {  	v2 =	vor.u32 $0xC02, v0;
	_ =	sdelay $0x3  }
0xf7: {  	[tilespmem:$0x1770] =	vst v1  }
0xf8: {  	v1 =	vld.idx.msk [tilespmem:v2+s14+$0x0], $0xffff  }
0xf9: {  	v2 =	vor.u32 $0xC82, v0;
	_ =	sdelay $0x3  }
0xfa: {  	[tilespmem:$0x1780] =	vst v1  }
0xfb: {  	v1 =	vld.idx.msk [tilespmem:v2+s14+$0x0], $0xffff  }
0xfc: {  	v2 =	vor.u32 $0xD02, v0;
	_ =	sdelay $0x3  }
0xfd: {  	[tilespmem:$0x1790] =	vst v1  }
0xfe: {  	v1 =	vld.idx.msk [tilespmem:v2+s14+$0x0], $0xffff  }
0xff: {  	v2 =	vor.u32 $0xD82, v0;
	_ =	sdelay $0x3  }
0x100: {  	[tilespmem:$0x17A0] =	vst v1  }
0x101: {  	v1 =	vld.idx.msk [tilespmem:v2+s14+$0x0], $0xffff  }
0x102: {  	v2 =	vor.u32 $0xE02, v0;
	_ =	sdelay $0x3  }
0x103: {  	[tilespmem:$0x17B0] =	vst v1  }
0x104: {  	v1 =	vld.idx.msk [tilespmem:v2+s14+$0x0], $0xffff  }
0x105: {  	v2 =	vor.u32 $0xE82, v0;
	_ =	sdelay $0x3  }
0x106: {  	[tilespmem:$0x17C0] =	vst v1  }
0x107: {  	v1 =	vld.idx.msk [tilespmem:v2+s14+$0x0], $0xffff  }
0x108: {  	v2 =	vor.u32 $0xF02, v0;
	_ =	sdelay $0x3  }
0x109: {  	[tilespmem:$0x17D0] =	vst v1  }
0x10a: {  	v1 =	vld.idx.msk [tilespmem:v2+s14+$0x0], $0xffff  }
0x10b: {  	v2 =	vor.u32 $0xF82, v0;
	_ =	sdelay $0x3  }
0x10c: {  	[tilespmem:$0x17E0] =	vst v1  }
0x10d: {  	v1 =	vld.idx.msk [tilespmem:v2+s14+$0x0], $0xffff  }
0x10e: {  	v2 =	vor.u32 $0x3, v0;
	_ =	sdelay $0x3  }
0x10f: {  	[tilespmem:$0x17F0] =	vst v1  }
0x110: {  	v1 =	vld.idx.msk [tilespmem:v2+s14+$0x0], $0xffff  }
0x111: {  	v2 =	vor.u32 $0x83, v0;
	_ =	sdelay $0x3  }
0x112: {  	[tilespmem:$0x1800] =	vst v1  }
0x113: {  	v1 =	vld.idx.msk [tilespmem:v2+s14+$0x0], $0xffff  }
0x114: {  	v2 =	vor.u32 $0x103, v0;
	_ =	sdelay $0x3  }
0x115: {  	[tilespmem:$0x1810] =	vst v1  }
0x116: {  	v1 =	vld.idx.msk [tilespmem:v2+s14+$0x0], $0xffff  }
0x117: {  	v2 =	vor.u32 $0x183, v0;
	_ =	sdelay $0x3  }
0x118: {  	[tilespmem:$0x1820] =	vst v1  }
0x119: {  	v1 =	vld.idx.msk [tilespmem:v2+s14+$0x0], $0xffff  }
0x11a: {  	v2 =	vor.u32 $0x203, v0;
	_ =	sdelay $0x3  }
0x11b: {  	[tilespmem:$0x1830] =	vst v1  }
0x11c: {  	v1 =	vld.idx.msk [tilespmem:v2+s14+$0x0], $0xffff  }
0x11d: {  	v2 =	vor.u32 $0x283, v0;
	_ =	sdelay $0x3  }
0x11e: {  	[tilespmem:$0x1840] =	vst v1  }
0x11f: {  	v1 =	vld.idx.msk [tilespmem:v2+s14+$0x0], $0xffff  }
0x120: {  	v2 =	vor.u32 $0x303, v0;
	_ =	sdelay $0x3  }
0x121: {  	[tilespmem:$0x1850] =	vst v1  }
0x122: {  	v1 =	vld.idx.msk [tilespmem:v2+s14+$0x0], $0xffff  }
0x123: {  	v2 =	vor.u32 $0x383, v0;
	_ =	sdelay $0x3  }
0x124: {  	[tilespmem:$0x1860] =	vst v1  }
0x125: {  	v1 =	vld.idx.msk [tilespmem:v2+s14+$0x0], $0xffff  }
0x126: {  	v2 =	vor.u32 $0x403, v0;
	_ =	sdelay $0x3  }
0x127: {  	[tilespmem:$0x1870] =	vst v1  }
0x128: {  	v1 =	vld.idx.msk [tilespmem:v2+s14+$0x0], $0xffff  }
0x129: {  	v2 =	vor.u32 $0x483, v0;
	_ =	sdelay $0x3  }
0x12a: {  	[tilespmem:$0x1880] =	vst v1  }
0x12b: {  	v1 =	vld.idx.msk [tilespmem:v2+s14+$0x0], $0xffff  }
0x12c: {  	v2 =	vor.u32 $0x503, v0;
	_ =	sdelay $0x3  }
0x12d: {  	[tilespmem:$0x1890] =	vst v1  }
0x12e: {  	v1 =	vld.idx.msk [tilespmem:v2+s14+$0x0], $0xffff  }
0x12f: {  	v2 =	vor.u32 $0x583, v0;
	_ =	sdelay $0x3  }
0x130: {  	[tilespmem:$0x18A0] =	vst v1  }
0x131: {  	v1 =	vld.idx.msk [tilespmem:v2+s14+$0x0], $0xffff  }
0x132: {  	v2 =	vor.u32 $0x603, v0;
	_ =	sdelay $0x3  }
0x133: {  	[tilespmem:$0x18B0] =	vst v1  }
0x134: {  	v1 =	vld.idx.msk [tilespmem:v2+s14+$0x0], $0xffff  }
0x135: {  	v2 =	vor.u32 $0x683, v0;
	_ =	sdelay $0x3  }
0x136: {  	[tilespmem:$0x18C0] =	vst v1  }
0x137: {  	v1 =	vld.idx.msk [tilespmem:v2+s14+$0x0], $0xffff  }
0x138: {  	v2 =	vor.u32 $0x703, v0;
	_ =	sdelay $0x3  }
0x139: {  	[tilespmem:$0x18D0] =	vst v1  }
0x13a: {  	v1 =	vld.idx.msk [tilespmem:v2+s14+$0x0], $0xffff  }
0x13b: {  	v2 =	vor.u32 $0x783, v0;
	_ =	sdelay $0x3  }
0x13c: {  	[tilespmem:$0x18E0] =	vst v1  }
0x13d: {  	v1 =	vld.idx.msk [tilespmem:v2+s14+$0x0], $0xffff  }
0x13e: {  	v2 =	vor.u32 $0x803, v0;
	_ =	sdelay $0x3  }
0x13f: {  	[tilespmem:$0x18F0] =	vst v1  }
0x140: {  	v1 =	vld.idx.msk [tilespmem:v2+s14+$0x0], $0xffff  }
0x141: {  	v2 =	vor.u32 $0x883, v0;
	_ =	sdelay $0x3  }
0x142: {  	[tilespmem:$0x1900] =	vst v1  }
0x143: {  	v1 =	vld.idx.msk [tilespmem:v2+s14+$0x0], $0xffff  }
0x144: {  	v2 =	vor.u32 $0x903, v0;
	_ =	sdelay $0x3  }
0x145: {  	[tilespmem:$0x1910] =	vst v1  }
0x146: {  	v1 =	vld.idx.msk [tilespmem:v2+s14+$0x0], $0xffff  }
0x147: {  	v2 =	vor.u32 $0x983, v0;
	_ =	sdelay $0x3  }
0x148: {  	[tilespmem:$0x1920] =	vst v1  }
0x149: {  	v1 =	vld.idx.msk [tilespmem:v2+s14+$0x0], $0xffff  }
0x14a: {  	v2 =	vor.u32 $0xA03, v0;
	_ =	sdelay $0x3  }
0x14b: {  	[tilespmem:$0x1930] =	vst v1  }
0x14c: {  	v1 =	vld.idx.msk [tilespmem:v2+s14+$0x0], $0xffff  }
0x14d: {  	v2 =	vor.u32 $0xA83, v0;
	_ =	sdelay $0x3  }
0x14e: {  	[tilespmem:$0x1940] =	vst v1  }
0x14f: {  	v1 =	vld.idx.msk [tilespmem:v2+s14+$0x0], $0xffff  }
0x150: {  	v2 =	vor.u32 $0xB03, v0;
	_ =	sdelay $0x3  }
0x151: {  	[tilespmem:$0x1950] =	vst v1  }
0x152: {  	v1 =	vld.idx.msk [tilespmem:v2+s14+$0x0], $0xffff  }
0x153: {  	v2 =	vor.u32 $0xB83, v0;
	_ =	sdelay $0x3  }
0x154: {  	[tilespmem:$0x1960] =	vst v1  }
0x155: {  	v1 =	vld.idx.msk [tilespmem:v2+s14+$0x0], $0xffff  }
0x156: {  	v2 =	vor.u32 $0xC03, v0;
	_ =	sdelay $0x3  }
0x157: {  	[tilespmem:$0x1970] =	vst v1  }
0x158: {  	v1 =	vld.idx.msk [tilespmem:v2+s14+$0x0], $0xffff  }
0x159: {  	v2 =	vor.u32 $0xC83, v0;
	_ =	sdelay $0x3  }
0x15a: {  	[tilespmem:$0x1980] =	vst v1  }
0x15b: {  	v1 =	vld.idx.msk [tilespmem:v2+s14+$0x0], $0xffff  }
0x15c: {  	v2 =	vor.u32 $0xD03, v0;
	_ =	sdelay $0x3  }
0x15d: {  	[tilespmem:$0x1990] =	vst v1  }
0x15e: {  	v1 =	vld.idx.msk [tilespmem:v2+s14+$0x0], $0xffff  }
0x15f: {  	v2 =	vor.u32 $0xD83, v0;
	_ =	sdelay $0x3  }
0x160: {  	[tilespmem:$0x19A0] =	vst v1  }
0x161: {  	v1 =	vld.idx.msk [tilespmem:v2+s14+$0x0], $0xffff  }
0x162: {  	v2 =	vor.u32 $0xE03, v0;
	_ =	sdelay $0x3  }
0x163: {  	[tilespmem:$0x19B0] =	vst v1  }
0x164: {  	v1 =	vld.idx.msk [tilespmem:v2+s14+$0x0], $0xffff  }
0x165: {  	v2 =	vor.u32 $0xE83, v0;
	_ =	sdelay $0x3  }
0x166: {  	[tilespmem:$0x19C0] =	vst v1  }
0x167: {  	v1 =	vld.idx.msk [tilespmem:v2+s14+$0x0], $0xffff  }
0x168: {  	v2 =	vor.u32 $0xF03, v0;
	_ =	sdelay $0x3  }
0x169: {  	[tilespmem:$0x19D0] =	vst v1  }
0x16a: {  	v1 =	vld.idx.msk [tilespmem:v2+s14+$0x0], $0xffff  }
0x16b: {  	v2 =	vor.u32 $0xF83, v0;
	_ =	sdelay $0x3  }
0x16c: {  	[tilespmem:$0x19E0] =	vst v1  }
0x16d: {  	v1 =	vld.idx.msk [tilespmem:v2+s14+$0x0], $0xffff  }
0x16e: {  	v2 =	vor.u32 $0x4, v0;
	_ =	sdelay $0x3  }
0x16f: {  	[tilespmem:$0x19F0] =	vst v1  }
0x170: {  	v1 =	vld.idx.msk [tilespmem:v2+s14+$0x0], $0xffff  }
0x171: {  	v2 =	vor.u32 $0x84, v0;
	_ =	sdelay $0x3  }
0x172: {  	[tilespmem:$0x1A00] =	vst v1  }
0x173: {  	v1 =	vld.idx.msk [tilespmem:v2+s14+$0x0], $0xffff  }
0x174: {  	v2 =	vor.u32 $0x104, v0;
	_ =	sdelay $0x3  }
0x175: {  	[tilespmem:$0x1A10] =	vst v1  }
0x176: {  	v1 =	vld.idx.msk [tilespmem:v2+s14+$0x0], $0xffff  }
0x177: {  	v2 =	vor.u32 $0x184, v0;
	_ =	sdelay $0x3  }
0x178: {  	[tilespmem:$0x1A20] =	vst v1  }
0x179: {  	v1 =	vld.idx.msk [tilespmem:v2+s14+$0x0], $0xffff  }
0x17a: {  	v2 =	vor.u32 $0x204, v0;
	_ =	sdelay $0x3  }
0x17b: {  	[tilespmem:$0x1A30] =	vst v1  }
0x17c: {  	v1 =	vld.idx.msk [tilespmem:v2+s14+$0x0], $0xffff  }
0x17d: {  	v2 =	vor.u32 $0x284, v0;
	_ =	sdelay $0x3  }
0x17e: {  	[tilespmem:$0x1A40] =	vst v1  }
0x17f: {  	v1 =	vld.idx.msk [tilespmem:v2+s14+$0x0], $0xffff  }
0x180: {  	v2 =	vor.u32 $0x304, v0;
	_ =	sdelay $0x3  }
0x181: {  	[tilespmem:$0x1A50] =	vst v1  }
0x182: {  	v1 =	vld.idx.msk [tilespmem:v2+s14+$0x0], $0xffff  }
0x183: {  	v2 =	vor.u32 $0x384, v0;
	_ =	sdelay $0x3  }
0x184: {  	[tilespmem:$0x1A60] =	vst v1  }
0x185: {  	v1 =	vld.idx.msk [tilespmem:v2+s14+$0x0], $0xffff  }
0x186: {  	v2 =	vor.u32 $0x404, v0;
	_ =	sdelay $0x3  }
0x187: {  	[tilespmem:$0x1A70] =	vst v1  }
0x188: {  	v1 =	vld.idx.msk [tilespmem:v2+s14+$0x0], $0xffff  }
0x189: {  	v2 =	vor.u32 $0x484, v0;
	_ =	sdelay $0x3  }
0x18a: {  	[tilespmem:$0x1A80] =	vst v1  }
0x18b: {  	v1 =	vld.idx.msk [tilespmem:v2+s14+$0x0], $0xffff  }
0x18c: {  	v2 =	vor.u32 $0x504, v0;
	_ =	sdelay $0x3  }
0x18d: {  	[tilespmem:$0x1A90] =	vst v1  }
0x18e: {  	v1 =	vld.idx.msk [tilespmem:v2+s14+$0x0], $0xffff  }
0x18f: {  	v2 =	vor.u32 $0x584, v0;
	_ =	sdelay $0x3  }
0x190: {  	[tilespmem:$0x1AA0] =	vst v1  }
0x191: {  	v1 =	vld.idx.msk [tilespmem:v2+s14+$0x0], $0xffff  }
0x192: {  	v2 =	vor.u32 $0x604, v0;
	_ =	sdelay $0x3  }
0x193: {  	[tilespmem:$0x1AB0] =	vst v1  }
0x194: {  	v1 =	vld.idx.msk [tilespmem:v2+s14+$0x0], $0xffff  }
0x195: {  	v2 =	vor.u32 $0x684, v0;
	_ =	sdelay $0x3  }
0x196: {  	[tilespmem:$0x1AC0] =	vst v1  }
0x197: {  	v1 =	vld.idx.msk [tilespmem:v2+s14+$0x0], $0xffff  }
0x198: {  	v2 =	vor.u32 $0x704, v0;
	_ =	sdelay $0x3  }
0x199: {  	[tilespmem:$0x1AD0] =	vst v1  }
0x19a: {  	v1 =	vld.idx.msk [tilespmem:v2+s14+$0x0], $0xffff  }
0x19b: {  	v2 =	vor.u32 $0x784, v0;
	_ =	sdelay $0x3  }
0x19c: {  	[tilespmem:$0x1AE0] =	vst v1  }
0x19d: {  	v1 =	vld.idx.msk [tilespmem:v2+s14+$0x0], $0xffff  }
0x19e: {  	v2 =	vor.u32 $0x804, v0;
	_ =	sdelay $0x3  }
0x19f: {  	[tilespmem:$0x1AF0] =	vst v1  }
0x1a0: {  	v1 =	vld.idx.msk [tilespmem:v2+s14+$0x0], $0xffff  }
0x1a1: {  	v2 =	vor.u32 $0x884, v0;
	_ =	sdelay $0x3  }
0x1a2: {  	[tilespmem:$0x1B00] =	vst v1  }
0x1a3: {  	v1 =	vld.idx.msk [tilespmem:v2+s14+$0x0], $0xffff  }
0x1a4: {  	v2 =	vor.u32 $0x904, v0;
	_ =	sdelay $0x3  }
0x1a5: {  	[tilespmem:$0x1B10] =	vst v1  }
0x1a6: {  	v1 =	vld.idx.msk [tilespmem:v2+s14+$0x0], $0xffff  }
0x1a7: {  	v2 =	vor.u32 $0x984, v0;
	_ =	sdelay $0x3  }
0x1a8: {  	[tilespmem:$0x1B20] =	vst v1  }
0x1a9: {  	v1 =	vld.idx.msk [tilespmem:v2+s14+$0x0], $0xffff  }
0x1aa: {  	v2 =	vor.u32 $0xA04, v0;
	_ =	sdelay $0x3  }
0x1ab: {  	[tilespmem:$0x1B30] =	vst v1  }
0x1ac: {  	v1 =	vld.idx.msk [tilespmem:v2+s14+$0x0], $0xffff  }
0x1ad: {  	v2 =	vor.u32 $0xA84, v0;
	_ =	sdelay $0x3  }
0x1ae: {  	[tilespmem:$0x1B40] =	vst v1  }
0x1af: {  	v1 =	vld.idx.msk [tilespmem:v2+s14+$0x0], $0xffff  }
0x1b0: {  	v2 =	vor.u32 $0xB04, v0;
	_ =	sdelay $0x3  }
0x1b1: {  	[tilespmem:$0x1B50] =	vst v1  }
0x1b2: {  	v1 =	vld.idx.msk [tilespmem:v2+s14+$0x0], $0xffff  }
0x1b3: {  	v2 =	vor.u32 $0xB84, v0;
	_ =	sdelay $0x3  }
0x1b4: {  	[tilespmem:$0x1B60] =	vst v1  }
0x1b5: {  	v1 =	vld.idx.msk [tilespmem:v2+s14+$0x0], $0xffff  }
0x1b6: {  	v2 =	vor.u32 $0xC04, v0;
	_ =	sdelay $0x3  }
0x1b7: {  	[tilespmem:$0x1B70] =	vst v1  }
0x1b8: {  	v1 =	vld.idx.msk [tilespmem:v2+s14+$0x0], $0xffff  }
0x1b9: {  	v2 =	vor.u32 $0xC84, v0;
	_ =	sdelay $0x3  }
0x1ba: {  	[tilespmem:$0x1B80] =	vst v1  }
0x1bb: {  	v1 =	vld.idx.msk [tilespmem:v2+s14+$0x0], $0xffff  }
0x1bc: {  	v2 =	vor.u32 $0xD04, v0;
	_ =	sdelay $0x3  }
0x1bd: {  	[tilespmem:$0x1B90] =	vst v1  }
0x1be: {  	v1 =	vld.idx.msk [tilespmem:v2+s14+$0x0], $0xffff  }
0x1bf: {  	v2 =	vor.u32 $0xD84, v0;
	_ =	sdelay $0x3  }
0x1c0: {  	[tilespmem:$0x1BA0] =	vst v1  }
0x1c1: {  	v1 =	vld.idx.msk [tilespmem:v2+s14+$0x0], $0xffff  }
0x1c2: {  	v2 =	vor.u32 $0xE04, v0;
	_ =	sdelay $0x3  }
0x1c3: {  	[tilespmem:$0x1BB0] =	vst v1  }
0x1c4: {  	v1 =	vld.idx.msk [tilespmem:v2+s14+$0x0], $0xffff  }
0x1c5: {  	v2 =	vor.u32 $0xE84, v0;
	_ =	sdelay $0x3  }
0x1c6: {  	[tilespmem:$0x1BC0] =	vst v1  }
0x1c7: {  	v1 =	vld.idx.msk [tilespmem:v2+s14+$0x0], $0xffff  }
0x1c8: {  	v2 =	vor.u32 $0xF04, v0;
	_ =	sdelay $0x3  }
0x1c9: {  	[tilespmem:$0x1BD0] =	vst v1  }
0x1ca: {  	v1 =	vld.idx.msk [tilespmem:v2+s14+$0x0], $0xffff  }
0x1cb: {  	v2 =	vor.u32 $0xF84, v0;
	_ =	sdelay $0x3  }
0x1cc: {  	[tilespmem:$0x1BE0] =	vst v1  }
0x1cd: {  	v1 =	vld.idx.msk [tilespmem:v2+s14+$0x0], $0xffff  }
0x1ce: {  	v2 =	vor.u32 $0x5, v0;
	_ =	sdelay $0x3  }
0x1cf: {  	[tilespmem:$0x1BF0] =	vst v1  }
0x1d0: {  	v1 =	vld.idx.msk [tilespmem:v2+s14+$0x0], $0xffff  }
0x1d1: {  	v2 =	vor.u32 $0x85, v0;
	_ =	sdelay $0x3  }
0x1d2: {  	[tilespmem:$0x1C00] =	vst v1  }
0x1d3: {  	v1 =	vld.idx.msk [tilespmem:v2+s14+$0x0], $0xffff  }
0x1d4: {  	v2 =	vor.u32 $0x105, v0;
	_ =	sdelay $0x3  }
0x1d5: {  	[tilespmem:$0x1C10] =	vst v1  }
0x1d6: {  	v1 =	vld.idx.msk [tilespmem:v2+s14+$0x0], $0xffff  }
0x1d7: {  	v2 =	vor.u32 $0x185, v0;
	_ =	sdelay $0x3  }
0x1d8: {  	[tilespmem:$0x1C20] =	vst v1  }
0x1d9: {  	v1 =	vld.idx.msk [tilespmem:v2+s14+$0x0], $0xffff  }
0x1da: {  	v2 =	vor.u32 $0x205, v0;
	_ =	sdelay $0x3  }
0x1db: {  	[tilespmem:$0x1C30] =	vst v1  }
0x1dc: {  	v1 =	vld.idx.msk [tilespmem:v2+s14+$0x0], $0xffff  }
0x1dd: {  	v2 =	vor.u32 $0x285, v0;
	_ =	sdelay $0x3  }
0x1de: {  	[tilespmem:$0x1C40] =	vst v1  }
0x1df: {  	v1 =	vld.idx.msk [tilespmem:v2+s14+$0x0], $0xffff  }
0x1e0: {  	v2 =	vor.u32 $0x305, v0;
	_ =	sdelay $0x3  }
0x1e1: {  	[tilespmem:$0x1C50] =	vst v1  }
0x1e2: {  	v1 =	vld.idx.msk [tilespmem:v2+s14+$0x0], $0xffff  }
0x1e3: {  	v2 =	vor.u32 $0x385, v0;
	_ =	sdelay $0x3  }
0x1e4: {  	[tilespmem:$0x1C60] =	vst v1  }
0x1e5: {  	v1 =	vld.idx.msk [tilespmem:v2+s14+$0x0], $0xffff  }
0x1e6: {  	v2 =	vor.u32 $0x405, v0;
	_ =	sdelay $0x3  }
0x1e7: {  	[tilespmem:$0x1C70] =	vst v1  }
0x1e8: {  	v1 =	vld.idx.msk [tilespmem:v2+s14+$0x0], $0xffff  }
0x1e9: {  	v2 =	vor.u32 $0x485, v0;
	_ =	sdelay $0x3  }
0x1ea: {  	[tilespmem:$0x1C80] =	vst v1  }
0x1eb: {  	v1 =	vld.idx.msk [tilespmem:v2+s14+$0x0], $0xffff  }
0x1ec: {  	v2 =	vor.u32 $0x505, v0;
	_ =	sdelay $0x3  }
0x1ed: {  	[tilespmem:$0x1C90] =	vst v1  }
0x1ee: {  	v1 =	vld.idx.msk [tilespmem:v2+s14+$0x0], $0xffff  }
0x1ef: {  	v2 =	vor.u32 $0x585, v0;
	_ =	sdelay $0x3  }
0x1f0: {  	[tilespmem:$0x1CA0] =	vst v1  }
0x1f1: {  	v1 =	vld.idx.msk [tilespmem:v2+s14+$0x0], $0xffff  }
0x1f2: {  	v2 =	vor.u32 $0x605, v0;
	_ =	sdelay $0x3  }
0x1f3: {  	[tilespmem:$0x1CB0] =	vst v1  }
0x1f4: {  	v1 =	vld.idx.msk [tilespmem:v2+s14+$0x0], $0xffff  }
0x1f5: {  	v2 =	vor.u32 $0x685, v0;
	_ =	sdelay $0x3  }
0x1f6: {  	[tilespmem:$0x1CC0] =	vst v1  }
0x1f7: {  	v1 =	vld.idx.msk [tilespmem:v2+s14+$0x0], $0xffff  }
0x1f8: {  	v2 =	vor.u32 $0x705, v0;
	_ =	sdelay $0x3  }
0x1f9: {  	[tilespmem:$0x1CD0] =	vst v1  }
0x1fa: {  	v1 =	vld.idx.msk [tilespmem:v2+s14+$0x0], $0xffff  }
0x1fb: {  	v2 =	vor.u32 $0x785, v0;
	_ =	sdelay $0x3  }
0x1fc: {  	[tilespmem:$0x1CE0] =	vst v1  }
0x1fd: {  	v1 =	vld.idx.msk [tilespmem:v2+s14+$0x0], $0xffff  }
0x1fe: {  	v2 =	vor.u32 $0x805, v0;
	_ =	sdelay $0x3  }
0x1ff: {  	[tilespmem:$0x1CF0] =	vst v1  }
0x200: {  	v1 =	vld.idx.msk [tilespmem:v2+s14+$0x0], $0xffff  }
0x201: {  	v2 =	vor.u32 $0x885, v0;
	_ =	sdelay $0x3  }
0x202: {  	[tilespmem:$0x1D00] =	vst v1  }
0x203: {  	v1 =	vld.idx.msk [tilespmem:v2+s14+$0x0], $0xffff  }
0x204: {  	v2 =	vor.u32 $0x905, v0;
	_ =	sdelay $0x3  }
0x205: {  	[tilespmem:$0x1D10] =	vst v1  }
0x206: {  	v1 =	vld.idx.msk [tilespmem:v2+s14+$0x0], $0xffff  }
0x207: {  	v2 =	vor.u32 $0x985, v0;
	_ =	sdelay $0x3  }
0x208: {  	[tilespmem:$0x1D20] =	vst v1  }
0x209: {  	v1 =	vld.idx.msk [tilespmem:v2+s14+$0x0], $0xffff  }
0x20a: {  	v2 =	vor.u32 $0xA05, v0;
	_ =	sdelay $0x3  }
0x20b: {  	[tilespmem:$0x1D30] =	vst v1  }
0x20c: {  	v1 =	vld.idx.msk [tilespmem:v2+s14+$0x0], $0xffff  }
0x20d: {  	v2 =	vor.u32 $0xA85, v0;
	_ =	sdelay $0x3  }
0x20e: {  	[tilespmem:$0x1D40] =	vst v1  }
0x20f: {  	v1 =	vld.idx.msk [tilespmem:v2+s14+$0x0], $0xffff  }
0x210: {  	v2 =	vor.u32 $0xB05, v0;
	_ =	sdelay $0x3  }
0x211: {  	[tilespmem:$0x1D50] =	vst v1  }
0x212: {  	v1 =	vld.idx.msk [tilespmem:v2+s14+$0x0], $0xffff  }
0x213: {  	v2 =	vor.u32 $0xB85, v0;
	_ =	sdelay $0x3  }
0x214: {  	[tilespmem:$0x1D60] =	vst v1  }
0x215: {  	v1 =	vld.idx.msk [tilespmem:v2+s14+$0x0], $0xffff  }
0x216: {  	v2 =	vor.u32 $0xC05, v0;
	_ =	sdelay $0x3  }
0x217: {  	[tilespmem:$0x1D70] =	vst v1  }
0x218: {  	v1 =	vld.idx.msk [tilespmem:v2+s14+$0x0], $0xffff  }
0x219: {  	v2 =	vor.u32 $0xC85, v0;
	_ =	sdelay $0x3  }
0x21a: {  	[tilespmem:$0x1D80] =	vst v1  }
0x21b: {  	v1 =	vld.idx.msk [tilespmem:v2+s14+$0x0], $0xffff  }
0x21c: {  	v2 =	vor.u32 $0xD05, v0;
	_ =	sdelay $0x3  }
0x21d: {  	[tilespmem:$0x1D90] =	vst v1  }
0x21e: {  	v1 =	vld.idx.msk [tilespmem:v2+s14+$0x0], $0xffff  }
0x21f: {  	v2 =	vor.u32 $0xD85, v0;
	_ =	sdelay $0x3  }
0x220: {  	[tilespmem:$0x1DA0] =	vst v1  }
0x221: {  	v1 =	vld.idx.msk [tilespmem:v2+s14+$0x0], $0xffff  }
0x222: {  	v2 =	vor.u32 $0xE05, v0;
	_ =	sdelay $0x3  }
0x223: {  	[tilespmem:$0x1DB0] =	vst v1  }
0x224: {  	v1 =	vld.idx.msk [tilespmem:v2+s14+$0x0], $0xffff  }
0x225: {  	v2 =	vor.u32 $0xE85, v0;
	_ =	sdelay $0x3  }
0x226: {  	[tilespmem:$0x1DC0] =	vst v1  }
0x227: {  	v1 =	vld.idx.msk [tilespmem:v2+s14+$0x0], $0xffff  }
0x228: {  	v2 =	vor.u32 $0xF05, v0;
	_ =	sdelay $0x3  }
0x229: {  	[tilespmem:$0x1DD0] =	vst v1  }
0x22a: {  	v1 =	vld.idx.msk [tilespmem:v2+s14+$0x0], $0xffff  }
0x22b: {  	v2 =	vor.u32 $0xF85, v0;
	_ =	sdelay $0x3  }
0x22c: {  	[tilespmem:$0x1DE0] =	vst v1  }
0x22d: {  	v1 =	vld.idx.msk [tilespmem:v2+s14+$0x0], $0xffff;
	_ =	sdelay $0x4  }
0x22e: {  	[tilespmem:$0x1DF0] =	vst v1  }
0x22f: {  	[hbm4b:s5+s1] =	stream.linear.scatter [tilespmem:s21], [sflag:$0x2], $0x200, $0x38;
	[tilespmem:$0x1E00] =	vst v63  }
0x230: {  	_ =	swait.ge [sflag:s12], $0x200  }
0x231: {  	[sflag:s12] =	ssyncset.done $0x0  }
0x232: {  	[sflag:s12] =	ssyncadd.s32 $0xFFFFFE00  }
0x233: {  	[hbm4b:s6+s1] =	stream.linear.scatter [tilespmem:s22], [sflag:$0x2], $0x200, $0x38;
	[tilespmem:$0x1E00] =	vst v63  }
0x234: {  	_ =	swait.ge [sflag:s12], $0x200  }
0x235: {  	[sflag:s12] =	ssyncset.done $0x0  }
0x236: {  	[sflag:s12] =	ssyncadd.s32 $0xFFFFFE00  }
0x237: {  	[hbm4b:s7+s1] =	stream.linear.scatter [tilespmem:s23], [sflag:$0x2], $0x200, $0x38;
	[tilespmem:$0x1E00] =	vst v63  }
0x238: {  	_ =	swait.ge [sflag:s12], $0x200  }
0x239: {  	[sflag:s12] =	ssyncset.done $0x0  }
0x23a: {  	[sflag:s12] =	ssyncadd.s32 $0xFFFFFE00  }
0x23b: {  	[hbm4b:s8+s1] =	stream.linear.scatter [tilespmem:s24], [sflag:$0x2], $0x200, $0x38;
	[tilespmem:$0x1E00] =	vst v63  }
0x23c: {  	_ =	swait.ge [sflag:s12], $0x200  }
0x23d: {  	[sflag:s12] =	ssyncset.done $0x0  }
0x23e: {  	[sflag:s12] =	ssyncadd.s32 $0xFFFFFE00  }
0x23f: {  	[hbm4b:s9+s1] =	stream.linear.scatter [tilespmem:s25], [sflag:$0x2], $0x200, $0x38;
	[tilespmem:$0x1E00] =	vst v63  }
0x240: {  	_ =	swait.ge [sflag:s12], $0x200  }
0x241: {  	p0 =	sne.s32 s11, $0x1;
	[sflag:s12] =	ssyncset.done $0x0  }
.Ltmp0:
0x242: {  	[sflag:s12] =	ssyncadd.s32 $0xFFFFFE00;
	(pc) =	sbr.rel @p0 .LBB2_1-.Ltmp0, $4  }
0x243: {  	[hbm4b:s10+s1] =	stream.linear.scatter [tilespmem:s26], [sflag:$0x2], $0x200, $0x38;
	[tilespmem:$0x1E00] =	vst v63  }
0x244: {  	_ =	swait.ge [sflag:s12], $0x200  }
0x245: {  	[sflag:s12] =	ssyncset.done $0x0  }
0x246: {  	s11 =	sadd.s32 $0xFFFFFFFF, s11;
	[sflag:s12] =	ssyncadd.s32 $0xFFFFFE00  }
0x247: {  	_ =	sfence.sel $0x180000  }
0x248: {  	[bflag:$0x0] =	sbarrier.arrive $0xFFFF  }
0x249: {  	p0 =	sne.s32 s2, $0x0;
	_ =	strace $0x90000047  }
0x24a: {  	s0 =	sadd.s32 @!p0 $0x100000, s0;
	[bflag:$0x2] =	sbarrier.arrive $0xFFFF  }
0x24b: {  	[sflag:s0] =	ssyncadd.tile.s32 @!p0 $0x1;
	_ =	shalt  }
.Lfunc_end2:
_tile_overlayer_lowered:
.L_overlay_start_2:
0x24c: {  	(tag) =	ssettag $0x2  }
0x24d: {  	s0 =	rddreg [dreg:$0x0];
	s2 =	stileid.u32  }
0x24e: {  	s1 =	rddreg [dreg:$0x1];
	p0 =	sne.s32 s2, $0x0  }
0x24f: {  	s3 =	rddreg [dreg:$0x2];
	[bflag:$0x3] =	sbarrier.arrive $0xFFFF;
	s2 =	simm.s32 @!p0 $0x1C02  }
0x250: {  	[timem:s3], [sflag:s2] =	dma.local @!p0 [hbm:s0], s1  }
0x251: {  	s0 =	simm.s32 @!p0 $0x2  }
0x252: {  	_ =	swait.ge @!p0 [sflag:s0], s1  }
0x253: {  	s1 =	ssub.s32 @!p0 $0x0, s1;
	[sflag:s0] =	ssyncset.done @!p0 $0x0  }
0x254: {  	[sflag:s0] =	ssyncadd.s32 @!p0 s1  }
0x255: {  	[bflag:$0x3] =	sbarrier.arrive $0xFFFF  }
0x256: {  	_ =	shalt  }

</sc_bundles>
